<compile_context>
chip_gen: v7x
topology: tpu7x:2x2x1
jax: 0.10.2.dev20260603
libtpu: 0.0.44.dev20260713+nightly
codegen_flags: <defaults>
</compile_context>

<pallas_src>
import functools

import jax
import jax.numpy as jnp
from jax import lax
from jax.experimental import pallas as pl
from jax.experimental.pallas import tpu as pltpu
from jax.experimental.pallas import tpu_sc as plsc

_B_TOTAL = 4096 * 200
_D = 32
_DPAD = 128
_NW = 32
_ROWS_PER_W = 200
_K = 2
_CHUNK = _K * 128
_N_CHUNKS = _ROWS_PER_W // _K


def _transpose_chunk(gbuf, tbuf, voff_lo, voff_hi):

    @plsc.parallel_loop(0, _CHUNK, step=1, unroll=16)
    def r_body(r):
        base = (r // 128) * 4096 + (r % 128)
        lo = gbuf[r, pl.ds(0, 16)]
        hi = gbuf[r, pl.ds(16, 16)]
        plsc.store_scatter(tbuf, [voff_lo + base], lo)
        plsc.store_scatter(tbuf, [voff_hi + base], hi)


def _emb_body(ids_hbm, table_hbm, out_hbm, ids_v, g0, g1, t0, t1, semg, semw):
    wid = lax.axis_index("s") * 2 + lax.axis_index("c")
    base_row = wid * _ROWS_PER_W
    iota16 = jnp.arange(16, dtype=jnp.int32)
    voff_lo = (iota16 // 8) * 1024 + (iota16 % 8) * 128
    voff_hi = voff_lo + 2048

    pltpu.sync_copy(ids_hbm.at[pl.ds(base_row * 128, _ROWS_PER_W * 128)], ids_v)

    def gather(c, buf):
        pltpu.async_copy(
            table_hbm.at[ids_v.at[pl.ds(c * _CHUNK, _CHUNK)]], buf, semg)

    def writeback(c, tbuf):
        for k in range(_K):
            r = base_row + c * _K + k
            st = r // 256
            bt = (r // 8) % 32
            s = st * 8 + r % 8
            for td in range(4):
                pltpu.async_copy(
                    tbuf.at[pl.ds(k * 4096 + td * 1024, 1024)],
                    out_hbm.at[s, td, bt], semw)

    def drain_one_chunk():
        pltpu.make_async_copy(
            table_hbm.at[pl.ds(0, 64)], g0.at[pl.ds(0, 64)], semw).wait()

    def wait_gather(buf):
        pltpu.make_async_copy(
            table_hbm.at[ids_v.at[pl.ds(0, _CHUNK)]], buf, semg).wait()

    def process(c, gbuf, tbuf):
        wait_gather(gbuf)
        _transpose_chunk(gbuf, tbuf, voff_lo, voff_hi)
        writeback(c, tbuf)

    gather(0, g0)
    gather(1, g1)
    process(0, g0, t0)
    gather(2, g0)
    process(1, g1, t1)
    gather(3, g1)

    def steady(m, carry):
        c0 = 2 * m + 2
        drain_one_chunk()
        process(c0, g0, t0)
        gather(c0 + 2, g0)
        drain_one_chunk()
        process(c0 + 1, g1, t1)
        gather(c0 + 3, g1)
        return carry

    lax.fori_loop(0, (_N_CHUNKS - 4) // 2, steady, 0)

    drain_one_chunk()
    process(_N_CHUNKS - 2, g0, t0)
    drain_one_chunk()
    process(_N_CHUNKS - 1, g1, t1)
    drain_one_chunk()
    drain_one_chunk()


@jax.jit
def _embedding_lookup(ids_flat, table_pad):
    mesh = plsc.VectorSubcoreMesh(core_axis_name="c", subcore_axis_name="s")
    f = functools.partial(
        pl.kernel,
        mesh=mesh,
        out_type=jax.ShapeDtypeStruct((200, 4, 32, 1024), jnp.float32),
        scratch_types=[
            pltpu.VMEM((_ROWS_PER_W * 128,), jnp.int32),
            pltpu.VMEM((_CHUNK, _DPAD), jnp.float32),
            pltpu.VMEM((_CHUNK, _DPAD), jnp.float32),
            pltpu.VMEM((_K * 4096,), jnp.float32),
            pltpu.VMEM((_K * 4096,), jnp.float32),
            pltpu.SemaphoreType.DMA,
            pltpu.SemaphoreType.DMA,
        ],
        compiler_params=pltpu.CompilerParams(
            use_tc_tiling_on_sc=False, needs_layout_passes=False),
    )(_emb_body)
    return f(ids_flat, table_pad)


def kernel(input_ids, weight):
    ids1 = (
        input_ids.T.reshape(25, 8, 32, 128)
        .transpose(0, 2, 1, 3)
        .reshape(_B_TOTAL)
        .astype(jnp.int32)
    )
    w_pad = jnp.zeros((weight.shape[0], _DPAD), jnp.float32).at[:, :_D].set(weight)
    out4 = _embedding_lookup(ids1, w_pad)
    out5 = out4.reshape(200, 4, 32, 8, 128)
    return jnp.transpose(out5, (2, 4, 0, 1, 3)).reshape(4096, 200, 32)

# --- scband reference (transcript-rebuilt; emitter-appended) ---
"""Pipeline reference for scband-quantum-embedding-15771119911073 (READ-ONLY COPY).

The authoritative reference and input builder live on the scoring server;
editing this copy changes nothing except your own understanding.
"""

import jax, jax.numpy as jnp
import numpy as np
import math

NUM_EMBEDDINGS = 1000000
EMBEDDING_DIM = 16


def _init_weight(key):
    k1, k2 = jax.random.split(key)
    r = 1.0 + jax.random.normal(k1, (NUM_EMBEDDINGS, EMBEDDING_DIM), dtype=jnp.float32) * 0.1
    theta = jax.random.uniform(k2, (NUM_EMBEDDINGS, EMBEDDING_DIM), dtype=jnp.float32) * (2 * math.pi) - math.pi
    real = r * jnp.cos(theta)
    imag = r * jnp.sin(theta)
    weight = jnp.stack([real, imag], axis=-1).reshape(NUM_EMBEDDINGS, EMBEDDING_DIM * 2)
    return weight


def setup_inputs(seed: int = 0) -> dict:
    key = jax.random.key(seed)
    k_idx, k_w = jax.random.split(key)
    input_ids = jax.random.randint(k_idx, (4096, 200), 0, NUM_EMBEDDINGS, dtype=jnp.int64 if jax.config.jax_enable_x64 else jnp.int32)
    weight = _init_weight(k_w)
    return {"input_ids": input_ids, "weight": weight}


def reference(input_ids, weight):
    # nn.Embedding forward: gather rows of weight by input_ids
    return jnp.take(weight, input_ids, axis=0)

if __name__ == "__main__":
    import jax
    _d = setup_inputs()
    print(jax.jit(kernel)(*tuple(_d.values())))

</pallas_src>

<mosaic_0001>
#map = affine_map<(d0, d1) -> (0)>
#map1 = affine_map<(d0, d1) -> (0, 0)>
#map2 = affine_map<(d0, d1) -> (0, 0, 0, 0)>
module attributes {stable_mosaic.version = 14 : i64} {
  func.func @_emb_body(%arg0: i32, %arg1: i32, %arg2: memref<819200xi32, #tpu.memory_space<hbm>>, %arg3: memref<1000000x128xf32, #tpu.memory_space<hbm>>, %arg4: memref<200x4x32x1024xf32, #tpu.memory_space<hbm>>, %arg5: memref<25600xi32, #tpu.memory_space<vmem>>, %arg6: memref<256x128xf32, #tpu.memory_space<vmem>>, %arg7: memref<256x128xf32, #tpu.memory_space<vmem>>, %arg8: memref<8192xf32, #tpu.memory_space<vmem>>, %arg9: memref<8192xf32, #tpu.memory_space<vmem>>, %arg10: memref<!tpu.dma_semaphore, #tpu.memory_space<semaphore_mem>>, %arg11: memref<!tpu.dma_semaphore, #tpu.memory_space<semaphore_mem>>) attributes {dimension_semantics = [#tpu.dimension_semantics<core_parallel>, #tpu.dimension_semantics<subcore_parallel>], iteration_bounds = array<i64: 2, 16>, scalar_prefetch = 0 : i64, scratch_operands = 7 : i64, tpu.core_type = #tpu.core_type<sc_vector_subcore>, window_params = [{transform_indices = #map}, {transform_indices = #map1}, {transform_indices = #map2}]} {
    %mul3A = arith.constant 2 : i32
    %mul3A_0 = arith.muli %arg1, %mul3A : i32
    %add3A = arith.addi %mul3A_0, %arg0 : i32
    %mul3A_1 = arith.constant 200 : i32
    %mul3A_2 = arith.muli %add3A, %mul3A_1 : i32
    %iota3A = tpu.iota {dimensions = array<i32: 0>} : vector<16xi32>
    %jit3A = arith.constant 8 : i32
    %div3A = vector.broadcast %jit3A : i32 to vector<16xi32>
    %div3A_3 = arith.divsi %iota3A, %div3A : vector<16xi32>
    %sign3A = arith.constant 0 : i32
    %sign3A_4 = vector.broadcast %sign3A : i32 to vector<16xi32>
    %sign3A_5 = arith.cmpi sgt, %iota3A, %sign3A_4 : vector<16xi32>
    %sign3A_6 = arith.extui %sign3A_5 : vector<16xi1> to vector<16xi32>
    %sign3A_7 = arith.constant 0 : i32
    %sign3A_8 = vector.broadcast %sign3A_7 : i32 to vector<16xi32>
    %sign3A_9 = arith.cmpi slt, %iota3A, %sign3A_8 : vector<16xi32>
    %sign3A_10 = arith.extui %sign3A_9 : vector<16xi1> to vector<16xi32>
    %sign3A_11 = arith.subi %sign3A_6, %sign3A_10 : vector<16xi32>
    %sign3A_12 = arith.constant 0 : i32
    %sign3A_13 = arith.cmpi sgt, %jit3A, %sign3A_12 : i32
    %sign3A_14 = arith.extui %sign3A_13 : i1 to i32
    %sign3A_15 = arith.constant 0 : i32
    %sign3A_16 = arith.cmpi slt, %jit3A, %sign3A_15 : i32
    %sign3A_17 = arith.extui %sign3A_16 : i1 to i32
    %sign3A_18 = arith.subi %sign3A_14, %sign3A_17 : i32
    %ne3A = vector.broadcast %sign3A_18 : i32 to vector<16xi32>
    %ne3A_19 = arith.cmpi ne, %sign3A_11, %ne3A : vector<16xi32>
    %rem3A = vector.broadcast %jit3A : i32 to vector<16xi32>
    %rem3A_20 = arith.remsi %iota3A, %rem3A : vector<16xi32>
    %ne3A_21 = arith.constant 0 : i32
    %ne3A_22 = vector.broadcast %ne3A_21 : i32 to vector<16xi32>
    %ne3A_23 = arith.cmpi ne, %rem3A_20, %ne3A_22 : vector<16xi32>
    %and3A = arith.andi %ne3A_19, %ne3A_23 : vector<16xi1>
    %sub3A = arith.constant 1 : i32
    %sub3A_24 = vector.broadcast %sub3A : i32 to vector<16xi32>
    %sub3A_25 = arith.subi %div3A_3, %sub3A_24 : vector<16xi32>
    %select_n3A = arith.select %and3A, %sub3A_25, %div3A_3 : vector<16xi1>, vector<16xi32>
    %mul3A_26 = arith.constant 1024 : i32
    %mul3A_27 = vector.broadcast %mul3A_26 : i32 to vector<16xi32>
    %mul3A_28 = arith.muli %select_n3A, %mul3A_27 : vector<16xi32>
    %jit3A_29 = arith.constant 8 : i32
    %eq3A = arith.constant 0 : i32
    %eq3A_30 = arith.cmpi eq, %jit3A_29, %eq3A : i32
    %jit3A_31 = arith.constant 1 : i32
    %select_n3A_32 = arith.select %eq3A_30, %jit3A_31, %jit3A_29 : i32
    %rem3A_33 = vector.broadcast %select_n3A_32 : i32 to vector<16xi32>
    %rem3A_34 = arith.remsi %iota3A, %rem3A_33 : vector<16xi32>
    %ne3A_35 = arith.constant 0 : i32
    %ne3A_36 = vector.broadcast %ne3A_35 : i32 to vector<16xi32>
    %ne3A_37 = arith.cmpi ne, %rem3A_34, %ne3A_36 : vector<16xi32>
    %lt3A = arith.constant 0 : i32
    %lt3A_38 = vector.broadcast %lt3A : i32 to vector<16xi32>
    %lt3A_39 = arith.cmpi slt, %rem3A_34, %lt3A_38 : vector<16xi32>
    %lt3A_40 = arith.constant 0 : i32
    %lt3A_41 = arith.cmpi slt, %select_n3A_32, %lt3A_40 : i32
    %ne3A_42 = vector.broadcast %lt3A_41 : i1 to vector<16xi1>
    %ne3A_43 = vector.broadcast %ne3A_42 : vector<16xi1> to vector<16xi1>
    %ne3A_44 = arith.xori %lt3A_39, %ne3A_43 : vector<16xi1>
    %and3A_45 = arith.andi %ne3A_44, %ne3A_37 : vector<16xi1>
    %add3A_46 = vector.broadcast %select_n3A_32 : i32 to vector<16xi32>
    %add3A_47 = arith.addi %rem3A_34, %add3A_46 : vector<16xi32>
    %select_n3A_48 = arith.select %and3A_45, %add3A_47, %rem3A_34 : vector<16xi1>, vector<16xi32>
    %mul3A_49 = arith.constant 128 : i32
    %mul3A_50 = vector.broadcast %mul3A_49 : i32 to vector<16xi32>
    %mul3A_51 = arith.muli %select_n3A_48, %mul3A_50 : vector<16xi32>
    %add3A_52 = arith.addi %mul3A_28, %mul3A_51 : vector<16xi32>
    %add3A_53 = arith.constant 2048 : i32
    %add3A_54 = vector.broadcast %add3A_53 : i32 to vector<16xi32>
    %add3A_55 = arith.addi %add3A_52, %add3A_54 : vector<16xi32>
    %mul3A_56 = arith.constant 128 : i32
    %mul3A_57 = arith.muli %mul3A_2, %mul3A_56 : i32
    "tpu.region"() ({
      %run_scoped3A = tpu.sem_alloc : memref<!tpu.dma_semaphore, #tpu.memory_space<semaphore_mem>>
      %dma_start3A_1208 = tpu.memref_slice %arg2[%mul3A_57] : memref<819200xi32, #tpu.memory_space<hbm>> -> memref<25600xi32, #tpu.memory_space<hbm>>
      %dma_start3A_1209 = tpu.memref_slice %arg2[%mul3A_57] : memref<819200xi32, #tpu.memory_space<hbm>> -> memref<25600xi32, #tpu.memory_space<hbm>>
      tpu.enqueue_dma source(%dma_start3A_1209 : memref<25600xi32, #tpu.memory_space<hbm>>) target(%arg5 : memref<25600xi32, #tpu.memory_space<vmem>>) target_semaphore(%run_scoped3A : memref<!tpu.dma_semaphore, #tpu.memory_space<semaphore_mem>>)
      %dma_wait3A_1210 = tpu.memref_slice %arg2[%mul3A_57] : memref<819200xi32, #tpu.memory_space<hbm>> -> memref<25600xi32, #tpu.memory_space<hbm>>
      %dma_wait3A_1211 = tpu.memref_slice %arg2[%mul3A_57] : memref<819200xi32, #tpu.memory_space<hbm>> -> memref<25600xi32, #tpu.memory_space<hbm>>
      tpu.wait_dma2 semaphore(%run_scoped3A : memref<!tpu.dma_semaphore, #tpu.memory_space<semaphore_mem>>) src(%dma_wait3A_1211 : memref<25600xi32, #tpu.memory_space<hbm>>) dst(%arg5 : memref<25600xi32, #tpu.memory_space<vmem>>)
      tpu.yield
    }) : () -> ()
    %dma_start3A = arith.constant 0 : i32
    %dma_start3A_58 = tpu.memref_slice %arg5[%dma_start3A] : memref<25600xi32, #tpu.memory_space<vmem>> -> memref<256xi32, #tpu.memory_space<vmem>>
    %dma_start3A_59 = arith.constant 0 : i32
    %dma_start3A_60 = arith.constant 0 : i32
    %dma_start3A_61 = tpu.memref_slice %arg3[%dma_start3A_59, %dma_start3A_60] : memref<1000000x128xf32, #tpu.memory_space<hbm>> -> memref<1000000x128xf32, #tpu.memory_space<hbm>>
    tpu.enqueue_indirect_dma source(%dma_start3A_61 : memref<1000000x128xf32, #tpu.memory_space<hbm>>) target(%arg6 : memref<256x128xf32, #tpu.memory_space<vmem>>) offsets(%dma_start3A_58 : memref<256xi32, #tpu.memory_space<vmem>>) semaphore(%arg10 : memref<!tpu.dma_semaphore, #tpu.memory_space<semaphore_mem>>)
    %dma_start3A_62 = arith.constant 256 : i32
    %dma_start3A_63 = tpu.memref_slice %arg5[%dma_start3A_62] : memref<25600xi32, #tpu.memory_space<vmem>> -> memref<256xi32, #tpu.memory_space<vmem>>
    %dma_start3A_64 = arith.constant 0 : i32
    %dma_start3A_65 = arith.constant 0 : i32
    %dma_start3A_66 = tpu.memref_slice %arg3[%dma_start3A_64, %dma_start3A_65] : memref<1000000x128xf32, #tpu.memory_space<hbm>> -> memref<1000000x128xf32, #tpu.memory_space<hbm>>
    tpu.enqueue_indirect_dma source(%dma_start3A_66 : memref<1000000x128xf32, #tpu.memory_space<hbm>>) target(%arg7 : memref<256x128xf32, #tpu.memory_space<vmem>>) offsets(%dma_start3A_63 : memref<256xi32, #tpu.memory_space<vmem>>) semaphore(%arg10 : memref<!tpu.dma_semaphore, #tpu.memory_space<semaphore_mem>>)
    %dma_wait3A = arith.constant 0 : i32
    %dma_wait3A_67 = tpu.memref_slice %arg5[%dma_wait3A] : memref<25600xi32, #tpu.memory_space<vmem>> -> memref<256xi32, #tpu.memory_space<vmem>>
    %dma_wait3A_68 = arith.constant 0 : i32
    %dma_wait3A_69 = arith.constant 0 : i32
    %dma_wait3A_70 = tpu.memref_slice %arg3[%dma_wait3A_68, %dma_wait3A_69] : memref<1000000x128xf32, #tpu.memory_space<hbm>> -> memref<1000000x128xf32, #tpu.memory_space<hbm>>
    tpu.wait_indirect_dma semaphore(%arg10 : memref<!tpu.dma_semaphore, #tpu.memory_space<semaphore_mem>>) src(%dma_wait3A_70 : memref<1000000x128xf32, #tpu.memory_space<hbm>>) dst(%arg6 : memref<256x128xf32, #tpu.memory_space<vmem>>)
    %parallel_loop3A = arith.constant 0 : i32
    %parallel_loop3A_71 = arith.constant 256 : i32
    %parallel_loop3A_72 = arith.constant 1 : i32
    scf.for %parallel_loop3A_1208 = %parallel_loop3A to %parallel_loop3A_71 step %parallel_loop3A_72  : i32 {
      %parallel_loop3A_1209 = arith.constant 128 : i32
      %parallel_loop3A_1210 = arith.divsi %parallel_loop3A_1208, %parallel_loop3A_1209 : i32
      %parallel_loop3A_1211 = arith.constant 0 : i32
      %parallel_loop3A_1212 = arith.cmpi sgt, %parallel_loop3A_1208, %parallel_loop3A_1211 : i32
      %parallel_loop3A_1213 = arith.extui %parallel_loop3A_1212 : i1 to i32
      %parallel_loop3A_1214 = arith.constant 0 : i32
      %parallel_loop3A_1215 = arith.cmpi slt, %parallel_loop3A_1208, %parallel_loop3A_1214 : i32
      %parallel_loop3A_1216 = arith.extui %parallel_loop3A_1215 : i1 to i32
      %parallel_loop3A_1217 = arith.subi %parallel_loop3A_1213, %parallel_loop3A_1216 : i32
      %parallel_loop3A_1218 = arith.constant 0 : i32
      %parallel_loop3A_1219 = arith.cmpi sgt, %parallel_loop3A_1209, %parallel_loop3A_1218 : i32
      %parallel_loop3A_1220 = arith.extui %parallel_loop3A_1219 : i1 to i32
      %parallel_loop3A_1221 = arith.constant 0 : i32
      %parallel_loop3A_1222 = arith.cmpi slt, %parallel_loop3A_1209, %parallel_loop3A_1221 : i32
      %parallel_loop3A_1223 = arith.extui %parallel_loop3A_1222 : i1 to i32
      %parallel_loop3A_1224 = arith.subi %parallel_loop3A_1220, %parallel_loop3A_1223 : i32
      %parallel_loop3A_1225 = arith.cmpi ne, %parallel_loop3A_1217, %parallel_loop3A_1224 : i32
      %parallel_loop3A_1226 = arith.remsi %parallel_loop3A_1208, %parallel_loop3A_1209 : i32
      %parallel_loop3A_1227 = arith.constant 0 : i32
      %parallel_loop3A_1228 = arith.cmpi ne, %parallel_loop3A_1226, %parallel_loop3A_1227 : i32
      %parallel_loop3A_1229 = arith.andi %parallel_loop3A_1225, %parallel_loop3A_1228 : i1
      %parallel_loop3A_1230 = arith.constant 1 : i32
      %parallel_loop3A_1231 = arith.subi %parallel_loop3A_1210, %parallel_loop3A_1230 : i32
      %parallel_loop3A_1232 = arith.select %parallel_loop3A_1229, %parallel_loop3A_1231, %parallel_loop3A_1210 : i32
      %parallel_loop3A_1233 = arith.constant 4096 : i32
      %parallel_loop3A_1234 = arith.muli %parallel_loop3A_1232, %parallel_loop3A_1233 : i32
      %parallel_loop3A_1235 = arith.constant 128 : i32
      %parallel_loop3A_1236 = arith.constant 0 : i32
      %parallel_loop3A_1237 = arith.cmpi eq, %parallel_loop3A_1235, %parallel_loop3A_1236 : i32
      %parallel_loop3A_1238 = arith.constant 1 : i32
      %parallel_loop3A_1239 = arith.select %parallel_loop3A_1237, %parallel_loop3A_1238, %parallel_loop3A_1235 : i32
      %parallel_loop3A_1240 = arith.remsi %parallel_loop3A_1208, %parallel_loop3A_1239 : i32
      %parallel_loop3A_1241 = arith.constant 0 : i32
      %parallel_loop3A_1242 = arith.cmpi ne, %parallel_loop3A_1240, %parallel_loop3A_1241 : i32
      %parallel_loop3A_1243 = arith.constant 0 : i32
      %parallel_loop3A_1244 = arith.cmpi slt, %parallel_loop3A_1240, %parallel_loop3A_1243 : i32
      %parallel_loop3A_1245 = arith.constant 0 : i32
      %parallel_loop3A_1246 = arith.cmpi slt, %parallel_loop3A_1239, %parallel_loop3A_1245 : i32
      %parallel_loop3A_1247 = arith.xori %parallel_loop3A_1244, %parallel_loop3A_1246 : i1
      %parallel_loop3A_1248 = arith.andi %parallel_loop3A_1247, %parallel_loop3A_1242 : i1
      %parallel_loop3A_1249 = arith.addi %parallel_loop3A_1240, %parallel_loop3A_1239 : i32
      %parallel_loop3A_1250 = arith.select %parallel_loop3A_1248, %parallel_loop3A_1249, %parallel_loop3A_1240 : i32
      %parallel_loop3A_1251 = arith.addi %parallel_loop3A_1234, %parallel_loop3A_1250 : i32
      %parallel_loop3A_1252 = arith.index_cast %parallel_loop3A_1208 : i32 to index
      %parallel_loop3A_1253 = arith.constant 0 : index
      %parallel_loop3A_1254 = tpu.vector_load %arg6[%parallel_loop3A_1252, %parallel_loop3A_1253] {strides = array<i32>} : memref<256x128xf32, #tpu.memory_space<vmem>>, vector<16xf32>,
      %parallel_loop3A_1255 = arith.index_cast %parallel_loop3A_1208 : i32 to index
      %parallel_loop3A_1256 = arith.constant 16 : index
      %parallel_loop3A_1257 = tpu.vector_load %arg6[%parallel_loop3A_1255, %parallel_loop3A_1256] {strides = array<i32>} : memref<256x128xf32, #tpu.memory_space<vmem>>, vector<16xf32>,
      %parallel_loop3A_1258 = vector.broadcast %parallel_loop3A_1251 : i32 to vector<16xi32>
      %parallel_loop3A_1259 = arith.addi %add3A_52, %parallel_loop3A_1258 : vector<16xi32>
      tpu.vector_store_idx %arg8[%parallel_loop3A_1259], %parallel_loop3A_1254 : memref<8192xf32, #tpu.memory_space<vmem>>[vector<16xi32>], vector<16xf32>,
      %parallel_loop3A_1260 = vector.broadcast %parallel_loop3A_1251 : i32 to vector<16xi32>
      %parallel_loop3A_1261 = arith.addi %add3A_55, %parallel_loop3A_1260 : vector<16xi32>
      tpu.vector_store_idx %arg8[%parallel_loop3A_1261], %parallel_loop3A_1257 : memref<8192xf32, #tpu.memory_space<vmem>>[vector<16xi32>], vector<16xf32>,
    } {sc.loop_unroll_factor = 16 : i64, sc.parallel_access}
    %add3A_73 = arith.constant 0 : i32
    %add3A_74 = arith.addi %mul3A_2, %add3A_73 : i32
    %add3A_75 = arith.constant 0 : i32
    %add3A_76 = arith.addi %add3A_74, %add3A_75 : i32
    %jit3A_77 = arith.constant 256 : i32
    %div3A_78 = arith.divsi %add3A_76, %jit3A_77 : i32
    %sign3A_79 = arith.constant 0 : i32
    %sign3A_80 = arith.cmpi sgt, %add3A_76, %sign3A_79 : i32
    %sign3A_81 = arith.extui %sign3A_80 : i1 to i32
    %sign3A_82 = arith.constant 0 : i32
    %sign3A_83 = arith.cmpi slt, %add3A_76, %sign3A_82 : i32
    %sign3A_84 = arith.extui %sign3A_83 : i1 to i32
    %sign3A_85 = arith.subi %sign3A_81, %sign3A_84 : i32
    %sign3A_86 = arith.constant 0 : i32
    %sign3A_87 = arith.cmpi sgt, %jit3A_77, %sign3A_86 : i32
    %sign3A_88 = arith.extui %sign3A_87 : i1 to i32
    %sign3A_89 = arith.constant 0 : i32
    %sign3A_90 = arith.cmpi slt, %jit3A_77, %sign3A_89 : i32
    %sign3A_91 = arith.extui %sign3A_90 : i1 to i32
    %sign3A_92 = arith.subi %sign3A_88, %sign3A_91 : i32
    %ne3A_93 = arith.cmpi ne, %sign3A_85, %sign3A_92 : i32
    %rem3A_94 = arith.remsi %add3A_76, %jit3A_77 : i32
    %ne3A_95 = arith.constant 0 : i32
    %ne3A_96 = arith.cmpi ne, %rem3A_94, %ne3A_95 : i32
    %and3A_97 = arith.andi %ne3A_93, %ne3A_96 : i1
    %sub3A_98 = arith.constant 1 : i32
    %sub3A_99 = arith.subi %div3A_78, %sub3A_98 : i32
    %select_n3A_100 = arith.select %and3A_97, %sub3A_99, %div3A_78 : i32
    %jit3A_101 = arith.constant 8 : i32
    %div3A_102 = arith.divsi %add3A_76, %jit3A_101 : i32
    %sign3A_103 = arith.constant 0 : i32
    %sign3A_104 = arith.cmpi sgt, %add3A_76, %sign3A_103 : i32
    %sign3A_105 = arith.extui %sign3A_104 : i1 to i32
    %sign3A_106 = arith.constant 0 : i32
    %sign3A_107 = arith.cmpi slt, %add3A_76, %sign3A_106 : i32
    %sign3A_108 = arith.extui %sign3A_107 : i1 to i32
    %sign3A_109 = arith.subi %sign3A_105, %sign3A_108 : i32
    %sign3A_110 = arith.constant 0 : i32
    %sign3A_111 = arith.cmpi sgt, %jit3A_101, %sign3A_110 : i32
    %sign3A_112 = arith.extui %sign3A_111 : i1 to i32
    %sign3A_113 = arith.constant 0 : i32
    %sign3A_114 = arith.cmpi slt, %jit3A_101, %sign3A_113 : i32
    %sign3A_115 = arith.extui %sign3A_114 : i1 to i32
    %sign3A_116 = arith.subi %sign3A_112, %sign3A_115 : i32
    %ne3A_117 = arith.cmpi ne, %sign3A_109, %sign3A_116 : i32
    %rem3A_118 = arith.remsi %add3A_76, %jit3A_101 : i32
    %ne3A_119 = arith.constant 0 : i32
    %ne3A_120 = arith.cmpi ne, %rem3A_118, %ne3A_119 : i32
    %and3A_121 = arith.andi %ne3A_117, %ne3A_120 : i1
    %sub3A_122 = arith.constant 1 : i32
    %sub3A_123 = arith.subi %div3A_102, %sub3A_122 : i32
    %select_n3A_124 = arith.select %and3A_121, %sub3A_123, %div3A_102 : i32
    %jit3A_125 = arith.constant 32 : i32
    %eq3A_126 = arith.constant 0 : i32
    %eq3A_127 = arith.cmpi eq, %jit3A_125, %eq3A_126 : i32
    %jit3A_128 = arith.constant 1 : i32
    %select_n3A_129 = arith.select %eq3A_127, %jit3A_128, %jit3A_125 : i32
    %rem3A_130 = arith.remsi %select_n3A_124, %select_n3A_129 : i32
    %ne3A_131 = arith.constant 0 : i32
    %ne3A_132 = arith.cmpi ne, %rem3A_130, %ne3A_131 : i32
    %lt3A_133 = arith.constant 0 : i32
    %lt3A_134 = arith.cmpi slt, %rem3A_130, %lt3A_133 : i32
    %lt3A_135 = arith.constant 0 : i32
    %lt3A_136 = arith.cmpi slt, %select_n3A_129, %lt3A_135 : i32
    %ne3A_137 = arith.xori %lt3A_134, %lt3A_136 : i1
    %and3A_138 = arith.andi %ne3A_137, %ne3A_132 : i1
    %add3A_139 = arith.addi %rem3A_130, %select_n3A_129 : i32
    %select_n3A_140 = arith.select %and3A_138, %add3A_139, %rem3A_130 : i32
    %mul3A_141 = arith.constant 8 : i32
    %mul3A_142 = arith.muli %select_n3A_100, %mul3A_141 : i32
    %jit3A_143 = arith.constant 8 : i32
    %eq3A_144 = arith.constant 0 : i32
    %eq3A_145 = arith.cmpi eq, %jit3A_143, %eq3A_144 : i32
    %jit3A_146 = arith.constant 1 : i32
    %select_n3A_147 = arith.select %eq3A_145, %jit3A_146, %jit3A_143 : i32
    %rem3A_148 = arith.remsi %add3A_76, %select_n3A_147 : i32
    %ne3A_149 = arith.constant 0 : i32
    %ne3A_150 = arith.cmpi ne, %rem3A_148, %ne3A_149 : i32
    %lt3A_151 = arith.constant 0 : i32
    %lt3A_152 = arith.cmpi slt, %rem3A_148, %lt3A_151 : i32
    %lt3A_153 = arith.constant 0 : i32
    %lt3A_154 = arith.cmpi slt, %select_n3A_147, %lt3A_153 : i32
    %ne3A_155 = arith.xori %lt3A_152, %lt3A_154 : i1
    %and3A_156 = arith.andi %ne3A_155, %ne3A_150 : i1
    %add3A_157 = arith.addi %rem3A_148, %select_n3A_147 : i32
    %select_n3A_158 = arith.select %and3A_156, %add3A_157, %rem3A_148 : i32
    %add3A_159 = arith.addi %mul3A_142, %select_n3A_158 : i32
    %dma_start3A_160 = arith.constant 0 : i32
    %dma_start3A_161 = arith.constant 0 : i32
    %dma_start3A_162 = tpu.memref_slice %arg8[%dma_start3A_161] : memref<8192xf32, #tpu.memory_space<vmem>> -> memref<1024xf32, #tpu.memory_space<vmem>>
    %dma_start3A_163 = arith.constant 0 : i32
    %dma_start3A_164 = tpu.memref_slice %arg4[%add3A_159, %dma_start3A_160, %select_n3A_140, %dma_start3A_163] : memref<200x4x32x1024xf32, #tpu.memory_space<hbm>> -> memref<1x1x1x1024xf32, #tpu.memory_space<hbm>>
    %dma_start3A_165 = tpu.memref_squeeze %dma_start3A_164 : memref<1x1x1x1024xf32, #tpu.memory_space<hbm>> -> memref<1024xf32, #tpu.memory_space<hbm>>
    %dma_start3A_166 = arith.constant 0 : i32
    %dma_start3A_167 = tpu.memref_slice %arg4[%add3A_159, %dma_start3A_160, %select_n3A_140, %dma_start3A_166] : memref<200x4x32x1024xf32, #tpu.memory_space<hbm>> -> memref<1x1x1x1024xf32, #tpu.memory_space<hbm>>
    %dma_start3A_168 = tpu.memref_squeeze %dma_start3A_167 : memref<1x1x1x1024xf32, #tpu.memory_space<hbm>> -> memref<1024xf32, #tpu.memory_space<hbm>>
    %dma_start3A_169 = arith.constant 0 : i32
    %dma_start3A_170 = tpu.memref_slice %arg8[%dma_start3A_169] : memref<8192xf32, #tpu.memory_space<vmem>> -> memref<1024xf32, #tpu.memory_space<vmem>>
    tpu.enqueue_dma source(%dma_start3A_170 : memref<1024xf32, #tpu.memory_space<vmem>>) target(%dma_start3A_168 : memref<1024xf32, #tpu.memory_space<hbm>>) target_semaphore(%arg11 : memref<!tpu.dma_semaphore, #tpu.memory_space<semaphore_mem>>)
    %dma_start3A_171 = arith.constant 1 : i32
    %dma_start3A_172 = arith.constant 1024 : i32
    %dma_start3A_173 = tpu.memref_slice %arg8[%dma_start3A_172] : memref<8192xf32, #tpu.memory_space<vmem>> -> memref<1024xf32, #tpu.memory_space<vmem>>
    %dma_start3A_174 = arith.constant 0 : i32
    %dma_start3A_175 = tpu.memref_slice %arg4[%add3A_159, %dma_start3A_171, %select_n3A_140, %dma_start3A_174] : memref<200x4x32x1024xf32, #tpu.memory_space<hbm>> -> memref<1x1x1x1024xf32, #tpu.memory_space<hbm>>
    %dma_start3A_176 = tpu.memref_squeeze %dma_start3A_175 : memref<1x1x1x1024xf32, #tpu.memory_space<hbm>> -> memref<1024xf32, #tpu.memory_space<hbm>>
    %dma_start3A_177 = arith.constant 0 : i32
    %dma_start3A_178 = tpu.memref_slice %arg4[%add3A_159, %dma_start3A_171, %select_n3A_140, %dma_start3A_177] : memref<200x4x32x1024xf32, #tpu.memory_space<hbm>> -> memref<1x1x1x1024xf32, #tpu.memory_space<hbm>>
    %dma_start3A_179 = tpu.memref_squeeze %dma_start3A_178 : memref<1x1x1x1024xf32, #tpu.memory_space<hbm>> -> memref<1024xf32, #tpu.memory_space<hbm>>
    %dma_start3A_180 = arith.constant 1024 : i32
    %dma_start3A_181 = tpu.memref_slice %arg8[%dma_start3A_180] : memref<8192xf32, #tpu.memory_space<vmem>> -> memref<1024xf32, #tpu.memory_space<vmem>>
    tpu.enqueue_dma source(%dma_start3A_181 : memref<1024xf32, #tpu.memory_space<vmem>>) target(%dma_start3A_179 : memref<1024xf32, #tpu.memory_space<hbm>>) target_semaphore(%arg11 : memref<!tpu.dma_semaphore, #tpu.memory_space<semaphore_mem>>)
    %dma_start3A_182 = arith.constant 2 : i32
    %dma_start3A_183 = arith.constant 2048 : i32
    %dma_start3A_184 = tpu.memref_slice %arg8[%dma_start3A_183] : memref<8192xf32, #tpu.memory_space<vmem>> -> memref<1024xf32, #tpu.memory_space<vmem>>
    %dma_start3A_185 = arith.constant 0 : i32
    %dma_start3A_186 = tpu.memref_slice %arg4[%add3A_159, %dma_start3A_182, %select_n3A_140, %dma_start3A_185] : memref<200x4x32x1024xf32, #tpu.memory_space<hbm>> -> memref<1x1x1x1024xf32, #tpu.memory_space<hbm>>
    %dma_start3A_187 = tpu.memref_squeeze %dma_start3A_186 : memref<1x1x1x1024xf32, #tpu.memory_space<hbm>> -> memref<1024xf32, #tpu.memory_space<hbm>>
    %dma_start3A_188 = arith.constant 0 : i32
    %dma_start3A_189 = tpu.memref_slice %arg4[%add3A_159, %dma_start3A_182, %select_n3A_140, %dma_start3A_188] : memref<200x4x32x1024xf32, #tpu.memory_space<hbm>> -> memref<1x1x1x1024xf32, #tpu.memory_space<hbm>>
    %dma_start3A_190 = tpu.memref_squeeze %dma_start3A_189 : memref<1x1x1x1024xf32, #tpu.memory_space<hbm>> -> memref<1024xf32, #tpu.memory_space<hbm>>
    %dma_start3A_191 = arith.constant 2048 : i32
    %dma_start3A_192 = tpu.memref_slice %arg8[%dma_start3A_191] : memref<8192xf32, #tpu.memory_space<vmem>> -> memref<1024xf32, #tpu.memory_space<vmem>>
    tpu.enqueue_dma source(%dma_start3A_192 : memref<1024xf32, #tpu.memory_space<vmem>>) target(%dma_start3A_190 : memref<1024xf32, #tpu.memory_space<hbm>>) target_semaphore(%arg11 : memref<!tpu.dma_semaphore, #tpu.memory_space<semaphore_mem>>)
    %dma_start3A_193 = arith.constant 3 : i32
    %dma_start3A_194 = arith.constant 3072 : i32
    %dma_start3A_195 = tpu.memref_slice %arg8[%dma_start3A_194] : memref<8192xf32, #tpu.memory_space<vmem>> -> memref<1024xf32, #tpu.memory_space<vmem>>
    %dma_start3A_196 = arith.constant 0 : i32
    %dma_start3A_197 = tpu.memref_slice %arg4[%add3A_159, %dma_start3A_193, %select_n3A_140, %dma_start3A_196] : memref<200x4x32x1024xf32, #tpu.memory_space<hbm>> -> memref<1x1x1x1024xf32, #tpu.memory_space<hbm>>
    %dma_start3A_198 = tpu.memref_squeeze %dma_start3A_197 : memref<1x1x1x1024xf32, #tpu.memory_space<hbm>> -> memref<1024xf32, #tpu.memory_space<hbm>>
    %dma_start3A_199 = arith.constant 0 : i32
    %dma_start3A_200 = tpu.memref_slice %arg4[%add3A_159, %dma_start3A_193, %select_n3A_140, %dma_start3A_199] : memref<200x4x32x1024xf32, #tpu.memory_space<hbm>> -> memref<1x1x1x1024xf32, #tpu.memory_space<hbm>>
    %dma_start3A_201 = tpu.memref_squeeze %dma_start3A_200 : memref<1x1x1x1024xf32, #tpu.memory_space<hbm>> -> memref<1024xf32, #tpu.memory_space<hbm>>
    %dma_start3A_202 = arith.constant 3072 : i32
    %dma_start3A_203 = tpu.memref_slice %arg8[%dma_start3A_202] : memref<8192xf32, #tpu.memory_space<vmem>> -> memref<1024xf32, #tpu.memory_space<vmem>>
    tpu.enqueue_dma source(%dma_start3A_203 : memref<1024xf32, #tpu.memory_space<vmem>>) target(%dma_start3A_201 : memref<1024xf32, #tpu.memory_space<hbm>>) target_semaphore(%arg11 : memref<!tpu.dma_semaphore, #tpu.memory_space<semaphore_mem>>)
    %add3A_204 = arith.constant 0 : i32
    %add3A_205 = arith.addi %mul3A_2, %add3A_204 : i32
    %add3A_206 = arith.constant 1 : i32
    %add3A_207 = arith.addi %add3A_205, %add3A_206 : i32
    %jit3A_208 = arith.constant 256 : i32
    %div3A_209 = arith.divsi %add3A_207, %jit3A_208 : i32
    %sign3A_210 = arith.constant 0 : i32
    %sign3A_211 = arith.cmpi sgt, %add3A_207, %sign3A_210 : i32
    %sign3A_212 = arith.extui %sign3A_211 : i1 to i32
    %sign3A_213 = arith.constant 0 : i32
    %sign3A_214 = arith.cmpi slt, %add3A_207, %sign3A_213 : i32
    %sign3A_215 = arith.extui %sign3A_214 : i1 to i32
    %sign3A_216 = arith.subi %sign3A_212, %sign3A_215 : i32
    %sign3A_217 = arith.constant 0 : i32
    %sign3A_218 = arith.cmpi sgt, %jit3A_208, %sign3A_217 : i32
    %sign3A_219 = arith.extui %sign3A_218 : i1 to i32
    %sign3A_220 = arith.constant 0 : i32
    %sign3A_221 = arith.cmpi slt, %jit3A_208, %sign3A_220 : i32
    %sign3A_222 = arith.extui %sign3A_221 : i1 to i32
    %sign3A_223 = arith.subi %sign3A_219, %sign3A_222 : i32
    %ne3A_224 = arith.cmpi ne, %sign3A_216, %sign3A_223 : i32
    %rem3A_225 = arith.remsi %add3A_207, %jit3A_208 : i32
    %ne3A_226 = arith.constant 0 : i32
    %ne3A_227 = arith.cmpi ne, %rem3A_225, %ne3A_226 : i32
    %and3A_228 = arith.andi %ne3A_224, %ne3A_227 : i1
    %sub3A_229 = arith.constant 1 : i32
    %sub3A_230 = arith.subi %div3A_209, %sub3A_229 : i32
    %select_n3A_231 = arith.select %and3A_228, %sub3A_230, %div3A_209 : i32
    %jit3A_232 = arith.constant 8 : i32
    %div3A_233 = arith.divsi %add3A_207, %jit3A_232 : i32
    %sign3A_234 = arith.constant 0 : i32
    %sign3A_235 = arith.cmpi sgt, %add3A_207, %sign3A_234 : i32
    %sign3A_236 = arith.extui %sign3A_235 : i1 to i32
    %sign3A_237 = arith.constant 0 : i32
    %sign3A_238 = arith.cmpi slt, %add3A_207, %sign3A_237 : i32
    %sign3A_239 = arith.extui %sign3A_238 : i1 to i32
    %sign3A_240 = arith.subi %sign3A_236, %sign3A_239 : i32
    %sign3A_241 = arith.constant 0 : i32
    %sign3A_242 = arith.cmpi sgt, %jit3A_232, %sign3A_241 : i32
    %sign3A_243 = arith.extui %sign3A_242 : i1 to i32
    %sign3A_244 = arith.constant 0 : i32
    %sign3A_245 = arith.cmpi slt, %jit3A_232, %sign3A_244 : i32
    %sign3A_246 = arith.extui %sign3A_245 : i1 to i32
    %sign3A_247 = arith.subi %sign3A_243, %sign3A_246 : i32
    %ne3A_248 = arith.cmpi ne, %sign3A_240, %sign3A_247 : i32
    %rem3A_249 = arith.remsi %add3A_207, %jit3A_232 : i32
    %ne3A_250 = arith.constant 0 : i32
    %ne3A_251 = arith.cmpi ne, %rem3A_249, %ne3A_250 : i32
    %and3A_252 = arith.andi %ne3A_248, %ne3A_251 : i1
    %sub3A_253 = arith.constant 1 : i32
    %sub3A_254 = arith.subi %div3A_233, %sub3A_253 : i32
    %select_n3A_255 = arith.select %and3A_252, %sub3A_254, %div3A_233 : i32
    %jit3A_256 = arith.constant 32 : i32
    %eq3A_257 = arith.constant 0 : i32
    %eq3A_258 = arith.cmpi eq, %jit3A_256, %eq3A_257 : i32
    %jit3A_259 = arith.constant 1 : i32
    %select_n3A_260 = arith.select %eq3A_258, %jit3A_259, %jit3A_256 : i32
    %rem3A_261 = arith.remsi %select_n3A_255, %select_n3A_260 : i32
    %ne3A_262 = arith.constant 0 : i32
    %ne3A_263 = arith.cmpi ne, %rem3A_261, %ne3A_262 : i32
    %lt3A_264 = arith.constant 0 : i32
    %lt3A_265 = arith.cmpi slt, %rem3A_261, %lt3A_264 : i32
    %lt3A_266 = arith.constant 0 : i32
    %lt3A_267 = arith.cmpi slt, %select_n3A_260, %lt3A_266 : i32
    %ne3A_268 = arith.xori %lt3A_265, %lt3A_267 : i1
    %and3A_269 = arith.andi %ne3A_268, %ne3A_263 : i1
    %add3A_270 = arith.addi %rem3A_261, %select_n3A_260 : i32
    %select_n3A_271 = arith.select %and3A_269, %add3A_270, %rem3A_261 : i32
    %mul3A_272 = arith.constant 8 : i32
    %mul3A_273 = arith.muli %select_n3A_231, %mul3A_272 : i32
    %jit3A_274 = arith.constant 8 : i32
    %eq3A_275 = arith.constant 0 : i32
    %eq3A_276 = arith.cmpi eq, %jit3A_274, %eq3A_275 : i32
    %jit3A_277 = arith.constant 1 : i32
    %select_n3A_278 = arith.select %eq3A_276, %jit3A_277, %jit3A_274 : i32
    %rem3A_279 = arith.remsi %add3A_207, %select_n3A_278 : i32
    %ne3A_280 = arith.constant 0 : i32
    %ne3A_281 = arith.cmpi ne, %rem3A_279, %ne3A_280 : i32
    %lt3A_282 = arith.constant 0 : i32
    %lt3A_283 = arith.cmpi slt, %rem3A_279, %lt3A_282 : i32
    %lt3A_284 = arith.constant 0 : i32
    %lt3A_285 = arith.cmpi slt, %select_n3A_278, %lt3A_284 : i32
    %ne3A_286 = arith.xori %lt3A_283, %lt3A_285 : i1
    %and3A_287 = arith.andi %ne3A_286, %ne3A_281 : i1
    %add3A_288 = arith.addi %rem3A_279, %select_n3A_278 : i32
    %select_n3A_289 = arith.select %and3A_287, %add3A_288, %rem3A_279 : i32
    %add3A_290 = arith.addi %mul3A_273, %select_n3A_289 : i32
    %dma_start3A_291 = arith.constant 0 : i32
    %dma_start3A_292 = arith.constant 4096 : i32
    %dma_start3A_293 = tpu.memref_slice %arg8[%dma_start3A_292] : memref<8192xf32, #tpu.memory_space<vmem>> -> memref<1024xf32, #tpu.memory_space<vmem>>
    %dma_start3A_294 = arith.constant 0 : i32
    %dma_start3A_295 = tpu.memref_slice %arg4[%add3A_290, %dma_start3A_291, %select_n3A_271, %dma_start3A_294] : memref<200x4x32x1024xf32, #tpu.memory_space<hbm>> -> memref<1x1x1x1024xf32, #tpu.memory_space<hbm>>
    %dma_start3A_296 = tpu.memref_squeeze %dma_start3A_295 : memref<1x1x1x1024xf32, #tpu.memory_space<hbm>> -> memref<1024xf32, #tpu.memory_space<hbm>>
    %dma_start3A_297 = arith.constant 0 : i32
    %dma_start3A_298 = tpu.memref_slice %arg4[%add3A_290, %dma_start3A_291, %select_n3A_271, %dma_start3A_297] : memref<200x4x32x1024xf32, #tpu.memory_space<hbm>> -> memref<1x1x1x1024xf32, #tpu.memory_space<hbm>>
    %dma_start3A_299 = tpu.memref_squeeze %dma_start3A_298 : memref<1x1x1x1024xf32, #tpu.memory_space<hbm>> -> memref<1024xf32, #tpu.memory_space<hbm>>
    %dma_start3A_300 = arith.constant 4096 : i32
    %dma_start3A_301 = tpu.memref_slice %arg8[%dma_start3A_300] : memref<8192xf32, #tpu.memory_space<vmem>> -> memref<1024xf32, #tpu.memory_space<vmem>>
    tpu.enqueue_dma source(%dma_start3A_301 : memref<1024xf32, #tpu.memory_space<vmem>>) target(%dma_start3A_299 : memref<1024xf32, #tpu.memory_space<hbm>>) target_semaphore(%arg11 : memref<!tpu.dma_semaphore, #tpu.memory_space<semaphore_mem>>)
    %dma_start3A_302 = arith.constant 1 : i32
    %dma_start3A_303 = arith.constant 5120 : i32
    %dma_start3A_304 = tpu.memref_slice %arg8[%dma_start3A_303] : memref<8192xf32, #tpu.memory_space<vmem>> -> memref<1024xf32, #tpu.memory_space<vmem>>
    %dma_start3A_305 = arith.constant 0 : i32
    %dma_start3A_306 = tpu.memref_slice %arg4[%add3A_290, %dma_start3A_302, %select_n3A_271, %dma_start3A_305] : memref<200x4x32x1024xf32, #tpu.memory_space<hbm>> -> memref<1x1x1x1024xf32, #tpu.memory_space<hbm>>
    %dma_start3A_307 = tpu.memref_squeeze %dma_start3A_306 : memref<1x1x1x1024xf32, #tpu.memory_space<hbm>> -> memref<1024xf32, #tpu.memory_space<hbm>>
    %dma_start3A_308 = arith.constant 0 : i32
    %dma_start3A_309 = tpu.memref_slice %arg4[%add3A_290, %dma_start3A_302, %select_n3A_271, %dma_start3A_308] : memref<200x4x32x1024xf32, #tpu.memory_space<hbm>> -> memref<1x1x1x1024xf32, #tpu.memory_space<hbm>>
    %dma_start3A_310 = tpu.memref_squeeze %dma_start3A_309 : memref<1x1x1x1024xf32, #tpu.memory_space<hbm>> -> memref<1024xf32, #tpu.memory_space<hbm>>
    %dma_start3A_311 = arith.constant 5120 : i32
    %dma_start3A_312 = tpu.memref_slice %arg8[%dma_start3A_311] : memref<8192xf32, #tpu.memory_space<vmem>> -> memref<1024xf32, #tpu.memory_space<vmem>>
    tpu.enqueue_dma source(%dma_start3A_312 : memref<1024xf32, #tpu.memory_space<vmem>>) target(%dma_start3A_310 : memref<1024xf32, #tpu.memory_space<hbm>>) target_semaphore(%arg11 : memref<!tpu.dma_semaphore, #tpu.memory_space<semaphore_mem>>)
    %dma_start3A_313 = arith.constant 2 : i32
    %dma_start3A_314 = arith.constant 6144 : i32
    %dma_start3A_315 = tpu.memref_slice %arg8[%dma_start3A_314] : memref<8192xf32, #tpu.memory_space<vmem>> -> memref<1024xf32, #tpu.memory_space<vmem>>
    %dma_start3A_316 = arith.constant 0 : i32
    %dma_start3A_317 = tpu.memref_slice %arg4[%add3A_290, %dma_start3A_313, %select_n3A_271, %dma_start3A_316] : memref<200x4x32x1024xf32, #tpu.memory_space<hbm>> -> memref<1x1x1x1024xf32, #tpu.memory_space<hbm>>
    %dma_start3A_318 = tpu.memref_squeeze %dma_start3A_317 : memref<1x1x1x1024xf32, #tpu.memory_space<hbm>> -> memref<1024xf32, #tpu.memory_space<hbm>>
    %dma_start3A_319 = arith.constant 0 : i32
    %dma_start3A_320 = tpu.memref_slice %arg4[%add3A_290, %dma_start3A_313, %select_n3A_271, %dma_start3A_319] : memref<200x4x32x1024xf32, #tpu.memory_space<hbm>> -> memref<1x1x1x1024xf32, #tpu.memory_space<hbm>>
    %dma_start3A_321 = tpu.memref_squeeze %dma_start3A_320 : memref<1x1x1x1024xf32, #tpu.memory_space<hbm>> -> memref<1024xf32, #tpu.memory_space<hbm>>
    %dma_start3A_322 = arith.constant 6144 : i32
    %dma_start3A_323 = tpu.memref_slice %arg8[%dma_start3A_322] : memref<8192xf32, #tpu.memory_space<vmem>> -> memref<1024xf32, #tpu.memory_space<vmem>>
    tpu.enqueue_dma source(%dma_start3A_323 : memref<1024xf32, #tpu.memory_space<vmem>>) target(%dma_start3A_321 : memref<1024xf32, #tpu.memory_space<hbm>>) target_semaphore(%arg11 : memref<!tpu.dma_semaphore, #tpu.memory_space<semaphore_mem>>)
    %dma_start3A_324 = arith.constant 3 : i32
    %dma_start3A_325 = arith.constant 7168 : i32
    %dma_start3A_326 = tpu.memref_slice %arg8[%dma_start3A_325] : memref<8192xf32, #tpu.memory_space<vmem>> -> memref<1024xf32, #tpu.memory_space<vmem>>
    %dma_start3A_327 = arith.constant 0 : i32
    %dma_start3A_328 = tpu.memref_slice %arg4[%add3A_290, %dma_start3A_324, %select_n3A_271, %dma_start3A_327] : memref<200x4x32x1024xf32, #tpu.memory_space<hbm>> -> memref<1x1x1x1024xf32, #tpu.memory_space<hbm>>
    %dma_start3A_329 = tpu.memref_squeeze %dma_start3A_328 : memref<1x1x1x1024xf32, #tpu.memory_space<hbm>> -> memref<1024xf32, #tpu.memory_space<hbm>>
    %dma_start3A_330 = arith.constant 0 : i32
    %dma_start3A_331 = tpu.memref_slice %arg4[%add3A_290, %dma_start3A_324, %select_n3A_271, %dma_start3A_330] : memref<200x4x32x1024xf32, #tpu.memory_space<hbm>> -> memref<1x1x1x1024xf32, #tpu.memory_space<hbm>>
    %dma_start3A_332 = tpu.memref_squeeze %dma_start3A_331 : memref<1x1x1x1024xf32, #tpu.memory_space<hbm>> -> memref<1024xf32, #tpu.memory_space<hbm>>
    %dma_start3A_333 = arith.constant 7168 : i32
    %dma_start3A_334 = tpu.memref_slice %arg8[%dma_start3A_333] : memref<8192xf32, #tpu.memory_space<vmem>> -> memref<1024xf32, #tpu.memory_space<vmem>>
    tpu.enqueue_dma source(%dma_start3A_334 : memref<1024xf32, #tpu.memory_space<vmem>>) target(%dma_start3A_332 : memref<1024xf32, #tpu.memory_space<hbm>>) target_semaphore(%arg11 : memref<!tpu.dma_semaphore, #tpu.memory_space<semaphore_mem>>)
    %dma_start3A_335 = arith.constant 512 : i32
    %dma_start3A_336 = tpu.memref_slice %arg5[%dma_start3A_335] : memref<25600xi32, #tpu.memory_space<vmem>> -> memref<256xi32, #tpu.memory_space<vmem>>
    %dma_start3A_337 = arith.constant 0 : i32
    %dma_start3A_338 = arith.constant 0 : i32
    %dma_start3A_339 = tpu.memref_slice %arg3[%dma_start3A_337, %dma_start3A_338] : memref<1000000x128xf32, #tpu.memory_space<hbm>> -> memref<1000000x128xf32, #tpu.memory_space<hbm>>
    tpu.enqueue_indirect_dma source(%dma_start3A_339 : memref<1000000x128xf32, #tpu.memory_space<hbm>>) target(%arg6 : memref<256x128xf32, #tpu.memory_space<vmem>>) offsets(%dma_start3A_336 : memref<256xi32, #tpu.memory_space<vmem>>) semaphore(%arg10 : memref<!tpu.dma_semaphore, #tpu.memory_space<semaphore_mem>>)
    %dma_wait3A_340 = arith.constant 0 : i32
    %dma_wait3A_341 = tpu.memref_slice %arg5[%dma_wait3A_340] : memref<25600xi32, #tpu.memory_space<vmem>> -> memref<256xi32, #tpu.memory_space<vmem>>
    %dma_wait3A_342 = arith.constant 0 : i32
    %dma_wait3A_343 = arith.constant 0 : i32
    %dma_wait3A_344 = tpu.memref_slice %arg3[%dma_wait3A_342, %dma_wait3A_343] : memref<1000000x128xf32, #tpu.memory_space<hbm>> -> memref<1000000x128xf32, #tpu.memory_space<hbm>>
    tpu.wait_indirect_dma semaphore(%arg10 : memref<!tpu.dma_semaphore, #tpu.memory_space<semaphore_mem>>) src(%dma_wait3A_344 : memref<1000000x128xf32, #tpu.memory_space<hbm>>) dst(%arg7 : memref<256x128xf32, #tpu.memory_space<vmem>>)
    %parallel_loop3A_345 = arith.constant 0 : i32
    %parallel_loop3A_346 = arith.constant 256 : i32
    %parallel_loop3A_347 = arith.constant 1 : i32
    scf.for %parallel_loop3A_1208 = %parallel_loop3A_345 to %parallel_loop3A_346 step %parallel_loop3A_347  : i32 {
      %parallel_loop3A_1209 = arith.constant 128 : i32
      %parallel_loop3A_1210 = arith.divsi %parallel_loop3A_1208, %parallel_loop3A_1209 : i32
      %parallel_loop3A_1211 = arith.constant 0 : i32
      %parallel_loop3A_1212 = arith.cmpi sgt, %parallel_loop3A_1208, %parallel_loop3A_1211 : i32
      %parallel_loop3A_1213 = arith.extui %parallel_loop3A_1212 : i1 to i32
      %parallel_loop3A_1214 = arith.constant 0 : i32
      %parallel_loop3A_1215 = arith.cmpi slt, %parallel_loop3A_1208, %parallel_loop3A_1214 : i32
      %parallel_loop3A_1216 = arith.extui %parallel_loop3A_1215 : i1 to i32
      %parallel_loop3A_1217 = arith.subi %parallel_loop3A_1213, %parallel_loop3A_1216 : i32
      %parallel_loop3A_1218 = arith.constant 0 : i32
      %parallel_loop3A_1219 = arith.cmpi sgt, %parallel_loop3A_1209, %parallel_loop3A_1218 : i32
      %parallel_loop3A_1220 = arith.extui %parallel_loop3A_1219 : i1 to i32
      %parallel_loop3A_1221 = arith.constant 0 : i32
      %parallel_loop3A_1222 = arith.cmpi slt, %parallel_loop3A_1209, %parallel_loop3A_1221 : i32
      %parallel_loop3A_1223 = arith.extui %parallel_loop3A_1222 : i1 to i32
      %parallel_loop3A_1224 = arith.subi %parallel_loop3A_1220, %parallel_loop3A_1223 : i32
      %parallel_loop3A_1225 = arith.cmpi ne, %parallel_loop3A_1217, %parallel_loop3A_1224 : i32
      %parallel_loop3A_1226 = arith.remsi %parallel_loop3A_1208, %parallel_loop3A_1209 : i32
      %parallel_loop3A_1227 = arith.constant 0 : i32
      %parallel_loop3A_1228 = arith.cmpi ne, %parallel_loop3A_1226, %parallel_loop3A_1227 : i32
      %parallel_loop3A_1229 = arith.andi %parallel_loop3A_1225, %parallel_loop3A_1228 : i1
      %parallel_loop3A_1230 = arith.constant 1 : i32
      %parallel_loop3A_1231 = arith.subi %parallel_loop3A_1210, %parallel_loop3A_1230 : i32
      %parallel_loop3A_1232 = arith.select %parallel_loop3A_1229, %parallel_loop3A_1231, %parallel_loop3A_1210 : i32
      %parallel_loop3A_1233 = arith.constant 4096 : i32
      %parallel_loop3A_1234 = arith.muli %parallel_loop3A_1232, %parallel_loop3A_1233 : i32
      %parallel_loop3A_1235 = arith.constant 128 : i32
      %parallel_loop3A_1236 = arith.constant 0 : i32
      %parallel_loop3A_1237 = arith.cmpi eq, %parallel_loop3A_1235, %parallel_loop3A_1236 : i32
      %parallel_loop3A_1238 = arith.constant 1 : i32
      %parallel_loop3A_1239 = arith.select %parallel_loop3A_1237, %parallel_loop3A_1238, %parallel_loop3A_1235 : i32
      %parallel_loop3A_1240 = arith.remsi %parallel_loop3A_1208, %parallel_loop3A_1239 : i32
      %parallel_loop3A_1241 = arith.constant 0 : i32
      %parallel_loop3A_1242 = arith.cmpi ne, %parallel_loop3A_1240, %parallel_loop3A_1241 : i32
      %parallel_loop3A_1243 = arith.constant 0 : i32
      %parallel_loop3A_1244 = arith.cmpi slt, %parallel_loop3A_1240, %parallel_loop3A_1243 : i32
      %parallel_loop3A_1245 = arith.constant 0 : i32
      %parallel_loop3A_1246 = arith.cmpi slt, %parallel_loop3A_1239, %parallel_loop3A_1245 : i32
      %parallel_loop3A_1247 = arith.xori %parallel_loop3A_1244, %parallel_loop3A_1246 : i1
      %parallel_loop3A_1248 = arith.andi %parallel_loop3A_1247, %parallel_loop3A_1242 : i1
      %parallel_loop3A_1249 = arith.addi %parallel_loop3A_1240, %parallel_loop3A_1239 : i32
      %parallel_loop3A_1250 = arith.select %parallel_loop3A_1248, %parallel_loop3A_1249, %parallel_loop3A_1240 : i32
      %parallel_loop3A_1251 = arith.addi %parallel_loop3A_1234, %parallel_loop3A_1250 : i32
      %parallel_loop3A_1252 = arith.index_cast %parallel_loop3A_1208 : i32 to index
      %parallel_loop3A_1253 = arith.constant 0 : index
      %parallel_loop3A_1254 = tpu.vector_load %arg7[%parallel_loop3A_1252, %parallel_loop3A_1253] {strides = array<i32>} : memref<256x128xf32, #tpu.memory_space<vmem>>, vector<16xf32>,
      %parallel_loop3A_1255 = arith.index_cast %parallel_loop3A_1208 : i32 to index
      %parallel_loop3A_1256 = arith.constant 16 : index
      %parallel_loop3A_1257 = tpu.vector_load %arg7[%parallel_loop3A_1255, %parallel_loop3A_1256] {strides = array<i32>} : memref<256x128xf32, #tpu.memory_space<vmem>>, vector<16xf32>,
      %parallel_loop3A_1258 = vector.broadcast %parallel_loop3A_1251 : i32 to vector<16xi32>
      %parallel_loop3A_1259 = arith.addi %add3A_52, %parallel_loop3A_1258 : vector<16xi32>
      tpu.vector_store_idx %arg9[%parallel_loop3A_1259], %parallel_loop3A_1254 : memref<8192xf32, #tpu.memory_space<vmem>>[vector<16xi32>], vector<16xf32>,
      %parallel_loop3A_1260 = vector.broadcast %parallel_loop3A_1251 : i32 to vector<16xi32>
      %parallel_loop3A_1261 = arith.addi %add3A_55, %parallel_loop3A_1260 : vector<16xi32>
      tpu.vector_store_idx %arg9[%parallel_loop3A_1261], %parallel_loop3A_1257 : memref<8192xf32, #tpu.memory_space<vmem>>[vector<16xi32>], vector<16xf32>,
    } {sc.loop_unroll_factor = 16 : i64, sc.parallel_access}
    %add3A_348 = arith.constant 2 : i32
    %add3A_349 = arith.addi %mul3A_2, %add3A_348 : i32
    %add3A_350 = arith.constant 0 : i32
    %add3A_351 = arith.addi %add3A_349, %add3A_350 : i32
    %jit3A_352 = arith.constant 256 : i32
    %div3A_353 = arith.divsi %add3A_351, %jit3A_352 : i32
    %sign3A_354 = arith.constant 0 : i32
    %sign3A_355 = arith.cmpi sgt, %add3A_351, %sign3A_354 : i32
    %sign3A_356 = arith.extui %sign3A_355 : i1 to i32
    %sign3A_357 = arith.constant 0 : i32
    %sign3A_358 = arith.cmpi slt, %add3A_351, %sign3A_357 : i32
    %sign3A_359 = arith.extui %sign3A_358 : i1 to i32
    %sign3A_360 = arith.subi %sign3A_356, %sign3A_359 : i32
    %sign3A_361 = arith.constant 0 : i32
    %sign3A_362 = arith.cmpi sgt, %jit3A_352, %sign3A_361 : i32
    %sign3A_363 = arith.extui %sign3A_362 : i1 to i32
    %sign3A_364 = arith.constant 0 : i32
    %sign3A_365 = arith.cmpi slt, %jit3A_352, %sign3A_364 : i32
    %sign3A_366 = arith.extui %sign3A_365 : i1 to i32
    %sign3A_367 = arith.subi %sign3A_363, %sign3A_366 : i32
    %ne3A_368 = arith.cmpi ne, %sign3A_360, %sign3A_367 : i32
    %rem3A_369 = arith.remsi %add3A_351, %jit3A_352 : i32
    %ne3A_370 = arith.constant 0 : i32
    %ne3A_371 = arith.cmpi ne, %rem3A_369, %ne3A_370 : i32
    %and3A_372 = arith.andi %ne3A_368, %ne3A_371 : i1
    %sub3A_373 = arith.constant 1 : i32
    %sub3A_374 = arith.subi %div3A_353, %sub3A_373 : i32
    %select_n3A_375 = arith.select %and3A_372, %sub3A_374, %div3A_353 : i32
    %jit3A_376 = arith.constant 8 : i32
    %div3A_377 = arith.divsi %add3A_351, %jit3A_376 : i32
    %sign3A_378 = arith.constant 0 : i32
    %sign3A_379 = arith.cmpi sgt, %add3A_351, %sign3A_378 : i32
    %sign3A_380 = arith.extui %sign3A_379 : i1 to i32
    %sign3A_381 = arith.constant 0 : i32
    %sign3A_382 = arith.cmpi slt, %add3A_351, %sign3A_381 : i32
    %sign3A_383 = arith.extui %sign3A_382 : i1 to i32
    %sign3A_384 = arith.subi %sign3A_380, %sign3A_383 : i32
    %sign3A_385 = arith.constant 0 : i32
    %sign3A_386 = arith.cmpi sgt, %jit3A_376, %sign3A_385 : i32
    %sign3A_387 = arith.extui %sign3A_386 : i1 to i32
    %sign3A_388 = arith.constant 0 : i32
    %sign3A_389 = arith.cmpi slt, %jit3A_376, %sign3A_388 : i32
    %sign3A_390 = arith.extui %sign3A_389 : i1 to i32
    %sign3A_391 = arith.subi %sign3A_387, %sign3A_390 : i32
    %ne3A_392 = arith.cmpi ne, %sign3A_384, %sign3A_391 : i32
    %rem3A_393 = arith.remsi %add3A_351, %jit3A_376 : i32
    %ne3A_394 = arith.constant 0 : i32
    %ne3A_395 = arith.cmpi ne, %rem3A_393, %ne3A_394 : i32
    %and3A_396 = arith.andi %ne3A_392, %ne3A_395 : i1
    %sub3A_397 = arith.constant 1 : i32
    %sub3A_398 = arith.subi %div3A_377, %sub3A_397 : i32
    %select_n3A_399 = arith.select %and3A_396, %sub3A_398, %div3A_377 : i32
    %jit3A_400 = arith.constant 32 : i32
    %eq3A_401 = arith.constant 0 : i32
    %eq3A_402 = arith.cmpi eq, %jit3A_400, %eq3A_401 : i32
    %jit3A_403 = arith.constant 1 : i32
    %select_n3A_404 = arith.select %eq3A_402, %jit3A_403, %jit3A_400 : i32
    %rem3A_405 = arith.remsi %select_n3A_399, %select_n3A_404 : i32
    %ne3A_406 = arith.constant 0 : i32
    %ne3A_407 = arith.cmpi ne, %rem3A_405, %ne3A_406 : i32
    %lt3A_408 = arith.constant 0 : i32
    %lt3A_409 = arith.cmpi slt, %rem3A_405, %lt3A_408 : i32
    %lt3A_410 = arith.constant 0 : i32
    %lt3A_411 = arith.cmpi slt, %select_n3A_404, %lt3A_410 : i32
    %ne3A_412 = arith.xori %lt3A_409, %lt3A_411 : i1
    %and3A_413 = arith.andi %ne3A_412, %ne3A_407 : i1
    %add3A_414 = arith.addi %rem3A_405, %select_n3A_404 : i32
    %select_n3A_415 = arith.select %and3A_413, %add3A_414, %rem3A_405 : i32
    %mul3A_416 = arith.constant 8 : i32
    %mul3A_417 = arith.muli %select_n3A_375, %mul3A_416 : i32
    %jit3A_418 = arith.constant 8 : i32
    %eq3A_419 = arith.constant 0 : i32
    %eq3A_420 = arith.cmpi eq, %jit3A_418, %eq3A_419 : i32
    %jit3A_421 = arith.constant 1 : i32
    %select_n3A_422 = arith.select %eq3A_420, %jit3A_421, %jit3A_418 : i32
    %rem3A_423 = arith.remsi %add3A_351, %select_n3A_422 : i32
    %ne3A_424 = arith.constant 0 : i32
    %ne3A_425 = arith.cmpi ne, %rem3A_423, %ne3A_424 : i32
    %lt3A_426 = arith.constant 0 : i32
    %lt3A_427 = arith.cmpi slt, %rem3A_423, %lt3A_426 : i32
    %lt3A_428 = arith.constant 0 : i32
    %lt3A_429 = arith.cmpi slt, %select_n3A_422, %lt3A_428 : i32
    %ne3A_430 = arith.xori %lt3A_427, %lt3A_429 : i1
    %and3A_431 = arith.andi %ne3A_430, %ne3A_425 : i1
    %add3A_432 = arith.addi %rem3A_423, %select_n3A_422 : i32
    %select_n3A_433 = arith.select %and3A_431, %add3A_432, %rem3A_423 : i32
    %add3A_434 = arith.addi %mul3A_417, %select_n3A_433 : i32
    %dma_start3A_435 = arith.constant 0 : i32
    %dma_start3A_436 = arith.constant 0 : i32
    %dma_start3A_437 = tpu.memref_slice %arg9[%dma_start3A_436] : memref<8192xf32, #tpu.memory_space<vmem>> -> memref<1024xf32, #tpu.memory_space<vmem>>
    %dma_start3A_438 = arith.constant 0 : i32
    %dma_start3A_439 = tpu.memref_slice %arg4[%add3A_434, %dma_start3A_435, %select_n3A_415, %dma_start3A_438] : memref<200x4x32x1024xf32, #tpu.memory_space<hbm>> -> memref<1x1x1x1024xf32, #tpu.memory_space<hbm>>
    %dma_start3A_440 = tpu.memref_squeeze %dma_start3A_439 : memref<1x1x1x1024xf32, #tpu.memory_space<hbm>> -> memref<1024xf32, #tpu.memory_space<hbm>>
    %dma_start3A_441 = arith.constant 0 : i32
    %dma_start3A_442 = tpu.memref_slice %arg4[%add3A_434, %dma_start3A_435, %select_n3A_415, %dma_start3A_441] : memref<200x4x32x1024xf32, #tpu.memory_space<hbm>> -> memref<1x1x1x1024xf32, #tpu.memory_space<hbm>>
    %dma_start3A_443 = tpu.memref_squeeze %dma_start3A_442 : memref<1x1x1x1024xf32, #tpu.memory_space<hbm>> -> memref<1024xf32, #tpu.memory_space<hbm>>
    %dma_start3A_444 = arith.constant 0 : i32
    %dma_start3A_445 = tpu.memref_slice %arg9[%dma_start3A_444] : memref<8192xf32, #tpu.memory_space<vmem>> -> memref<1024xf32, #tpu.memory_space<vmem>>
    tpu.enqueue_dma source(%dma_start3A_445 : memref<1024xf32, #tpu.memory_space<vmem>>) target(%dma_start3A_443 : memref<1024xf32, #tpu.memory_space<hbm>>) target_semaphore(%arg11 : memref<!tpu.dma_semaphore, #tpu.memory_space<semaphore_mem>>)
    %dma_start3A_446 = arith.constant 1 : i32
    %dma_start3A_447 = arith.constant 1024 : i32
    %dma_start3A_448 = tpu.memref_slice %arg9[%dma_start3A_447] : memref<8192xf32, #tpu.memory_space<vmem>> -> memref<1024xf32, #tpu.memory_space<vmem>>
    %dma_start3A_449 = arith.constant 0 : i32
    %dma_start3A_450 = tpu.memref_slice %arg4[%add3A_434, %dma_start3A_446, %select_n3A_415, %dma_start3A_449] : memref<200x4x32x1024xf32, #tpu.memory_space<hbm>> -> memref<1x1x1x1024xf32, #tpu.memory_space<hbm>>
    %dma_start3A_451 = tpu.memref_squeeze %dma_start3A_450 : memref<1x1x1x1024xf32, #tpu.memory_space<hbm>> -> memref<1024xf32, #tpu.memory_space<hbm>>
    %dma_start3A_452 = arith.constant 0 : i32
    %dma_start3A_453 = tpu.memref_slice %arg4[%add3A_434, %dma_start3A_446, %select_n3A_415, %dma_start3A_452] : memref<200x4x32x1024xf32, #tpu.memory_space<hbm>> -> memref<1x1x1x1024xf32, #tpu.memory_space<hbm>>
    %dma_start3A_454 = tpu.memref_squeeze %dma_start3A_453 : memref<1x1x1x1024xf32, #tpu.memory_space<hbm>> -> memref<1024xf32, #tpu.memory_space<hbm>>
    %dma_start3A_455 = arith.constant 1024 : i32
    %dma_start3A_456 = tpu.memref_slice %arg9[%dma_start3A_455] : memref<8192xf32, #tpu.memory_space<vmem>> -> memref<1024xf32, #tpu.memory_space<vmem>>
    tpu.enqueue_dma source(%dma_start3A_456 : memref<1024xf32, #tpu.memory_space<vmem>>) target(%dma_start3A_454 : memref<1024xf32, #tpu.memory_space<hbm>>) target_semaphore(%arg11 : memref<!tpu.dma_semaphore, #tpu.memory_space<semaphore_mem>>)
    %dma_start3A_457 = arith.constant 2 : i32
    %dma_start3A_458 = arith.constant 2048 : i32
    %dma_start3A_459 = tpu.memref_slice %arg9[%dma_start3A_458] : memref<8192xf32, #tpu.memory_space<vmem>> -> memref<1024xf32, #tpu.memory_space<vmem>>
    %dma_start3A_460 = arith.constant 0 : i32
    %dma_start3A_461 = tpu.memref_slice %arg4[%add3A_434, %dma_start3A_457, %select_n3A_415, %dma_start3A_460] : memref<200x4x32x1024xf32, #tpu.memory_space<hbm>> -> memref<1x1x1x1024xf32, #tpu.memory_space<hbm>>
    %dma_start3A_462 = tpu.memref_squeeze %dma_start3A_461 : memref<1x1x1x1024xf32, #tpu.memory_space<hbm>> -> memref<1024xf32, #tpu.memory_space<hbm>>
    %dma_start3A_463 = arith.constant 0 : i32
    %dma_start3A_464 = tpu.memref_slice %arg4[%add3A_434, %dma_start3A_457, %select_n3A_415, %dma_start3A_463] : memref<200x4x32x1024xf32, #tpu.memory_space<hbm>> -> memref<1x1x1x1024xf32, #tpu.memory_space<hbm>>
    %dma_start3A_465 = tpu.memref_squeeze %dma_start3A_464 : memref<1x1x1x1024xf32, #tpu.memory_space<hbm>> -> memref<1024xf32, #tpu.memory_space<hbm>>
    %dma_start3A_466 = arith.constant 2048 : i32
    %dma_start3A_467 = tpu.memref_slice %arg9[%dma_start3A_466] : memref<8192xf32, #tpu.memory_space<vmem>> -> memref<1024xf32, #tpu.memory_space<vmem>>
    tpu.enqueue_dma source(%dma_start3A_467 : memref<1024xf32, #tpu.memory_space<vmem>>) target(%dma_start3A_465 : memref<1024xf32, #tpu.memory_space<hbm>>) target_semaphore(%arg11 : memref<!tpu.dma_semaphore, #tpu.memory_space<semaphore_mem>>)
    %dma_start3A_468 = arith.constant 3 : i32
    %dma_start3A_469 = arith.constant 3072 : i32
    %dma_start3A_470 = tpu.memref_slice %arg9[%dma_start3A_469] : memref<8192xf32, #tpu.memory_space<vmem>> -> memref<1024xf32, #tpu.memory_space<vmem>>
    %dma_start3A_471 = arith.constant 0 : i32
    %dma_start3A_472 = tpu.memref_slice %arg4[%add3A_434, %dma_start3A_468, %select_n3A_415, %dma_start3A_471] : memref<200x4x32x1024xf32, #tpu.memory_space<hbm>> -> memref<1x1x1x1024xf32, #tpu.memory_space<hbm>>
    %dma_start3A_473 = tpu.memref_squeeze %dma_start3A_472 : memref<1x1x1x1024xf32, #tpu.memory_space<hbm>> -> memref<1024xf32, #tpu.memory_space<hbm>>
    %dma_start3A_474 = arith.constant 0 : i32
    %dma_start3A_475 = tpu.memref_slice %arg4[%add3A_434, %dma_start3A_468, %select_n3A_415, %dma_start3A_474] : memref<200x4x32x1024xf32, #tpu.memory_space<hbm>> -> memref<1x1x1x1024xf32, #tpu.memory_space<hbm>>
    %dma_start3A_476 = tpu.memref_squeeze %dma_start3A_475 : memref<1x1x1x1024xf32, #tpu.memory_space<hbm>> -> memref<1024xf32, #tpu.memory_space<hbm>>
    %dma_start3A_477 = arith.constant 3072 : i32
    %dma_start3A_478 = tpu.memref_slice %arg9[%dma_start3A_477] : memref<8192xf32, #tpu.memory_space<vmem>> -> memref<1024xf32, #tpu.memory_space<vmem>>
    tpu.enqueue_dma source(%dma_start3A_478 : memref<1024xf32, #tpu.memory_space<vmem>>) target(%dma_start3A_476 : memref<1024xf32, #tpu.memory_space<hbm>>) target_semaphore(%arg11 : memref<!tpu.dma_semaphore, #tpu.memory_space<semaphore_mem>>)
    %add3A_479 = arith.constant 2 : i32
    %add3A_480 = arith.addi %mul3A_2, %add3A_479 : i32
    %add3A_481 = arith.constant 1 : i32
    %add3A_482 = arith.addi %add3A_480, %add3A_481 : i32
    %jit3A_483 = arith.constant 256 : i32
    %div3A_484 = arith.divsi %add3A_482, %jit3A_483 : i32
    %sign3A_485 = arith.constant 0 : i32
    %sign3A_486 = arith.cmpi sgt, %add3A_482, %sign3A_485 : i32
    %sign3A_487 = arith.extui %sign3A_486 : i1 to i32
    %sign3A_488 = arith.constant 0 : i32
    %sign3A_489 = arith.cmpi slt, %add3A_482, %sign3A_488 : i32
    %sign3A_490 = arith.extui %sign3A_489 : i1 to i32
    %sign3A_491 = arith.subi %sign3A_487, %sign3A_490 : i32
    %sign3A_492 = arith.constant 0 : i32
    %sign3A_493 = arith.cmpi sgt, %jit3A_483, %sign3A_492 : i32
    %sign3A_494 = arith.extui %sign3A_493 : i1 to i32
    %sign3A_495 = arith.constant 0 : i32
    %sign3A_496 = arith.cmpi slt, %jit3A_483, %sign3A_495 : i32
    %sign3A_497 = arith.extui %sign3A_496 : i1 to i32
    %sign3A_498 = arith.subi %sign3A_494, %sign3A_497 : i32
    %ne3A_499 = arith.cmpi ne, %sign3A_491, %sign3A_498 : i32
    %rem3A_500 = arith.remsi %add3A_482, %jit3A_483 : i32
    %ne3A_501 = arith.constant 0 : i32
    %ne3A_502 = arith.cmpi ne, %rem3A_500, %ne3A_501 : i32
    %and3A_503 = arith.andi %ne3A_499, %ne3A_502 : i1
    %sub3A_504 = arith.constant 1 : i32
    %sub3A_505 = arith.subi %div3A_484, %sub3A_504 : i32
    %select_n3A_506 = arith.select %and3A_503, %sub3A_505, %div3A_484 : i32
    %jit3A_507 = arith.constant 8 : i32
    %div3A_508 = arith.divsi %add3A_482, %jit3A_507 : i32
    %sign3A_509 = arith.constant 0 : i32
    %sign3A_510 = arith.cmpi sgt, %add3A_482, %sign3A_509 : i32
    %sign3A_511 = arith.extui %sign3A_510 : i1 to i32
    %sign3A_512 = arith.constant 0 : i32
    %sign3A_513 = arith.cmpi slt, %add3A_482, %sign3A_512 : i32
    %sign3A_514 = arith.extui %sign3A_513 : i1 to i32
    %sign3A_515 = arith.subi %sign3A_511, %sign3A_514 : i32
    %sign3A_516 = arith.constant 0 : i32
    %sign3A_517 = arith.cmpi sgt, %jit3A_507, %sign3A_516 : i32
    %sign3A_518 = arith.extui %sign3A_517 : i1 to i32
    %sign3A_519 = arith.constant 0 : i32
    %sign3A_520 = arith.cmpi slt, %jit3A_507, %sign3A_519 : i32
    %sign3A_521 = arith.extui %sign3A_520 : i1 to i32
    %sign3A_522 = arith.subi %sign3A_518, %sign3A_521 : i32
    %ne3A_523 = arith.cmpi ne, %sign3A_515, %sign3A_522 : i32
    %rem3A_524 = arith.remsi %add3A_482, %jit3A_507 : i32
    %ne3A_525 = arith.constant 0 : i32
    %ne3A_526 = arith.cmpi ne, %rem3A_524, %ne3A_525 : i32
    %and3A_527 = arith.andi %ne3A_523, %ne3A_526 : i1
    %sub3A_528 = arith.constant 1 : i32
    %sub3A_529 = arith.subi %div3A_508, %sub3A_528 : i32
    %select_n3A_530 = arith.select %and3A_527, %sub3A_529, %div3A_508 : i32
    %jit3A_531 = arith.constant 32 : i32
    %eq3A_532 = arith.constant 0 : i32
    %eq3A_533 = arith.cmpi eq, %jit3A_531, %eq3A_532 : i32
    %jit3A_534 = arith.constant 1 : i32
    %select_n3A_535 = arith.select %eq3A_533, %jit3A_534, %jit3A_531 : i32
    %rem3A_536 = arith.remsi %select_n3A_530, %select_n3A_535 : i32
    %ne3A_537 = arith.constant 0 : i32
    %ne3A_538 = arith.cmpi ne, %rem3A_536, %ne3A_537 : i32
    %lt3A_539 = arith.constant 0 : i32
    %lt3A_540 = arith.cmpi slt, %rem3A_536, %lt3A_539 : i32
    %lt3A_541 = arith.constant 0 : i32
    %lt3A_542 = arith.cmpi slt, %select_n3A_535, %lt3A_541 : i32
    %ne3A_543 = arith.xori %lt3A_540, %lt3A_542 : i1
    %and3A_544 = arith.andi %ne3A_543, %ne3A_538 : i1
    %add3A_545 = arith.addi %rem3A_536, %select_n3A_535 : i32
    %select_n3A_546 = arith.select %and3A_544, %add3A_545, %rem3A_536 : i32
    %mul3A_547 = arith.constant 8 : i32
    %mul3A_548 = arith.muli %select_n3A_506, %mul3A_547 : i32
    %jit3A_549 = arith.constant 8 : i32
    %eq3A_550 = arith.constant 0 : i32
    %eq3A_551 = arith.cmpi eq, %jit3A_549, %eq3A_550 : i32
    %jit3A_552 = arith.constant 1 : i32
    %select_n3A_553 = arith.select %eq3A_551, %jit3A_552, %jit3A_549 : i32
    %rem3A_554 = arith.remsi %add3A_482, %select_n3A_553 : i32
    %ne3A_555 = arith.constant 0 : i32
    %ne3A_556 = arith.cmpi ne, %rem3A_554, %ne3A_555 : i32
    %lt3A_557 = arith.constant 0 : i32
    %lt3A_558 = arith.cmpi slt, %rem3A_554, %lt3A_557 : i32
    %lt3A_559 = arith.constant 0 : i32
    %lt3A_560 = arith.cmpi slt, %select_n3A_553, %lt3A_559 : i32
    %ne3A_561 = arith.xori %lt3A_558, %lt3A_560 : i1
    %and3A_562 = arith.andi %ne3A_561, %ne3A_556 : i1
    %add3A_563 = arith.addi %rem3A_554, %select_n3A_553 : i32
    %select_n3A_564 = arith.select %and3A_562, %add3A_563, %rem3A_554 : i32
    %add3A_565 = arith.addi %mul3A_548, %select_n3A_564 : i32
    %dma_start3A_566 = arith.constant 0 : i32
    %dma_start3A_567 = arith.constant 4096 : i32
    %dma_start3A_568 = tpu.memref_slice %arg9[%dma_start3A_567] : memref<8192xf32, #tpu.memory_space<vmem>> -> memref<1024xf32, #tpu.memory_space<vmem>>
    %dma_start3A_569 = arith.constant 0 : i32
    %dma_start3A_570 = tpu.memref_slice %arg4[%add3A_565, %dma_start3A_566, %select_n3A_546, %dma_start3A_569] : memref<200x4x32x1024xf32, #tpu.memory_space<hbm>> -> memref<1x1x1x1024xf32, #tpu.memory_space<hbm>>
    %dma_start3A_571 = tpu.memref_squeeze %dma_start3A_570 : memref<1x1x1x1024xf32, #tpu.memory_space<hbm>> -> memref<1024xf32, #tpu.memory_space<hbm>>
    %dma_start3A_572 = arith.constant 0 : i32
    %dma_start3A_573 = tpu.memref_slice %arg4[%add3A_565, %dma_start3A_566, %select_n3A_546, %dma_start3A_572] : memref<200x4x32x1024xf32, #tpu.memory_space<hbm>> -> memref<1x1x1x1024xf32, #tpu.memory_space<hbm>>
    %dma_start3A_574 = tpu.memref_squeeze %dma_start3A_573 : memref<1x1x1x1024xf32, #tpu.memory_space<hbm>> -> memref<1024xf32, #tpu.memory_space<hbm>>
    %dma_start3A_575 = arith.constant 4096 : i32
    %dma_start3A_576 = tpu.memref_slice %arg9[%dma_start3A_575] : memref<8192xf32, #tpu.memory_space<vmem>> -> memref<1024xf32, #tpu.memory_space<vmem>>
    tpu.enqueue_dma source(%dma_start3A_576 : memref<1024xf32, #tpu.memory_space<vmem>>) target(%dma_start3A_574 : memref<1024xf32, #tpu.memory_space<hbm>>) target_semaphore(%arg11 : memref<!tpu.dma_semaphore, #tpu.memory_space<semaphore_mem>>)
    %dma_start3A_577 = arith.constant 1 : i32
    %dma_start3A_578 = arith.constant 5120 : i32
    %dma_start3A_579 = tpu.memref_slice %arg9[%dma_start3A_578] : memref<8192xf32, #tpu.memory_space<vmem>> -> memref<1024xf32, #tpu.memory_space<vmem>>
    %dma_start3A_580 = arith.constant 0 : i32
    %dma_start3A_581 = tpu.memref_slice %arg4[%add3A_565, %dma_start3A_577, %select_n3A_546, %dma_start3A_580] : memref<200x4x32x1024xf32, #tpu.memory_space<hbm>> -> memref<1x1x1x1024xf32, #tpu.memory_space<hbm>>
    %dma_start3A_582 = tpu.memref_squeeze %dma_start3A_581 : memref<1x1x1x1024xf32, #tpu.memory_space<hbm>> -> memref<1024xf32, #tpu.memory_space<hbm>>
    %dma_start3A_583 = arith.constant 0 : i32
    %dma_start3A_584 = tpu.memref_slice %arg4[%add3A_565, %dma_start3A_577, %select_n3A_546, %dma_start3A_583] : memref<200x4x32x1024xf32, #tpu.memory_space<hbm>> -> memref<1x1x1x1024xf32, #tpu.memory_space<hbm>>
    %dma_start3A_585 = tpu.memref_squeeze %dma_start3A_584 : memref<1x1x1x1024xf32, #tpu.memory_space<hbm>> -> memref<1024xf32, #tpu.memory_space<hbm>>
    %dma_start3A_586 = arith.constant 5120 : i32
    %dma_start3A_587 = tpu.memref_slice %arg9[%dma_start3A_586] : memref<8192xf32, #tpu.memory_space<vmem>> -> memref<1024xf32, #tpu.memory_space<vmem>>
    tpu.enqueue_dma source(%dma_start3A_587 : memref<1024xf32, #tpu.memory_space<vmem>>) target(%dma_start3A_585 : memref<1024xf32, #tpu.memory_space<hbm>>) target_semaphore(%arg11 : memref<!tpu.dma_semaphore, #tpu.memory_space<semaphore_mem>>)
    %dma_start3A_588 = arith.constant 2 : i32
    %dma_start3A_589 = arith.constant 6144 : i32
    %dma_start3A_590 = tpu.memref_slice %arg9[%dma_start3A_589] : memref<8192xf32, #tpu.memory_space<vmem>> -> memref<1024xf32, #tpu.memory_space<vmem>>
    %dma_start3A_591 = arith.constant 0 : i32
    %dma_start3A_592 = tpu.memref_slice %arg4[%add3A_565, %dma_start3A_588, %select_n3A_546, %dma_start3A_591] : memref<200x4x32x1024xf32, #tpu.memory_space<hbm>> -> memref<1x1x1x1024xf32, #tpu.memory_space<hbm>>
    %dma_start3A_593 = tpu.memref_squeeze %dma_start3A_592 : memref<1x1x1x1024xf32, #tpu.memory_space<hbm>> -> memref<1024xf32, #tpu.memory_space<hbm>>
    %dma_start3A_594 = arith.constant 0 : i32
    %dma_start3A_595 = tpu.memref_slice %arg4[%add3A_565, %dma_start3A_588, %select_n3A_546, %dma_start3A_594] : memref<200x4x32x1024xf32, #tpu.memory_space<hbm>> -> memref<1x1x1x1024xf32, #tpu.memory_space<hbm>>
    %dma_start3A_596 = tpu.memref_squeeze %dma_start3A_595 : memref<1x1x1x1024xf32, #tpu.memory_space<hbm>> -> memref<1024xf32, #tpu.memory_space<hbm>>
    %dma_start3A_597 = arith.constant 6144 : i32
    %dma_start3A_598 = tpu.memref_slice %arg9[%dma_start3A_597] : memref<8192xf32, #tpu.memory_space<vmem>> -> memref<1024xf32, #tpu.memory_space<vmem>>
    tpu.enqueue_dma source(%dma_start3A_598 : memref<1024xf32, #tpu.memory_space<vmem>>) target(%dma_start3A_596 : memref<1024xf32, #tpu.memory_space<hbm>>) target_semaphore(%arg11 : memref<!tpu.dma_semaphore, #tpu.memory_space<semaphore_mem>>)
    %dma_start3A_599 = arith.constant 3 : i32
    %dma_start3A_600 = arith.constant 7168 : i32
    %dma_start3A_601 = tpu.memref_slice %arg9[%dma_start3A_600] : memref<8192xf32, #tpu.memory_space<vmem>> -> memref<1024xf32, #tpu.memory_space<vmem>>
    %dma_start3A_602 = arith.constant 0 : i32
    %dma_start3A_603 = tpu.memref_slice %arg4[%add3A_565, %dma_start3A_599, %select_n3A_546, %dma_start3A_602] : memref<200x4x32x1024xf32, #tpu.memory_space<hbm>> -> memref<1x1x1x1024xf32, #tpu.memory_space<hbm>>
    %dma_start3A_604 = tpu.memref_squeeze %dma_start3A_603 : memref<1x1x1x1024xf32, #tpu.memory_space<hbm>> -> memref<1024xf32, #tpu.memory_space<hbm>>
    %dma_start3A_605 = arith.constant 0 : i32
    %dma_start3A_606 = tpu.memref_slice %arg4[%add3A_565, %dma_start3A_599, %select_n3A_546, %dma_start3A_605] : memref<200x4x32x1024xf32, #tpu.memory_space<hbm>> -> memref<1x1x1x1024xf32, #tpu.memory_space<hbm>>
    %dma_start3A_607 = tpu.memref_squeeze %dma_start3A_606 : memref<1x1x1x1024xf32, #tpu.memory_space<hbm>> -> memref<1024xf32, #tpu.memory_space<hbm>>
    %dma_start3A_608 = arith.constant 7168 : i32
    %dma_start3A_609 = tpu.memref_slice %arg9[%dma_start3A_608] : memref<8192xf32, #tpu.memory_space<vmem>> -> memref<1024xf32, #tpu.memory_space<vmem>>
    tpu.enqueue_dma source(%dma_start3A_609 : memref<1024xf32, #tpu.memory_space<vmem>>) target(%dma_start3A_607 : memref<1024xf32, #tpu.memory_space<hbm>>) target_semaphore(%arg11 : memref<!tpu.dma_semaphore, #tpu.memory_space<semaphore_mem>>)
    %dma_start3A_610 = arith.constant 768 : i32
    %dma_start3A_611 = tpu.memref_slice %arg5[%dma_start3A_610] : memref<25600xi32, #tpu.memory_space<vmem>> -> memref<256xi32, #tpu.memory_space<vmem>>
    %dma_start3A_612 = arith.constant 0 : i32
    %dma_start3A_613 = arith.constant 0 : i32
    %dma_start3A_614 = tpu.memref_slice %arg3[%dma_start3A_612, %dma_start3A_613] : memref<1000000x128xf32, #tpu.memory_space<hbm>> -> memref<1000000x128xf32, #tpu.memory_space<hbm>>
    tpu.enqueue_indirect_dma source(%dma_start3A_614 : memref<1000000x128xf32, #tpu.memory_space<hbm>>) target(%arg7 : memref<256x128xf32, #tpu.memory_space<vmem>>) offsets(%dma_start3A_611 : memref<256xi32, #tpu.memory_space<vmem>>) semaphore(%arg10 : memref<!tpu.dma_semaphore, #tpu.memory_space<semaphore_mem>>)
    %scan3A = arith.constant 0 : i32
    %scan3A_615 = arith.constant 0 : i32
    %scan3A_616 = arith.constant 48 : i32
    %scan3A_617 = arith.addi %scan3A_615, %scan3A_616 : i32
    %scan3A_618 = arith.constant 1 : i32
    scf.for %scan3A_1208 = %scan3A_615 to %scan3A_617 step %scan3A_618  : i32 {
      %mul3A_1209 = arith.constant 2 : i32
      %mul3A_1210 = arith.muli %mul3A_1209, %scan3A_1208 : i32
      %add3A_1211 = arith.constant 2 : i32
      %add3A_1212 = arith.addi %mul3A_1210, %add3A_1211 : i32
      %dma_wait3A_1213 = arith.constant 0 : i32
      %dma_wait3A_1214 = arith.constant 0 : i32
      %dma_wait3A_1215 = tpu.memref_slice %arg6[%dma_wait3A_1213, %dma_wait3A_1214] : memref<256x128xf32, #tpu.memory_space<vmem>> -> memref<64x128xf32, #tpu.memory_space<vmem>>
      %dma_wait3A_1216 = arith.constant 0 : i32
      %dma_wait3A_1217 = arith.constant 0 : i32
      %dma_wait3A_1218 = tpu.memref_slice %arg3[%dma_wait3A_1216, %dma_wait3A_1217] : memref<1000000x128xf32, #tpu.memory_space<hbm>> -> memref<64x128xf32, #tpu.memory_space<hbm>>
      %dma_wait3A_1219 = arith.constant 0 : i32
      %dma_wait3A_1220 = arith.constant 0 : i32
      %dma_wait3A_1221 = tpu.memref_slice %arg6[%dma_wait3A_1219, %dma_wait3A_1220] : memref<256x128xf32, #tpu.memory_space<vmem>> -> memref<64x128xf32, #tpu.memory_space<vmem>>
      %dma_wait3A_1222 = arith.constant 0 : i32
      %dma_wait3A_1223 = arith.constant 0 : i32
      %dma_wait3A_1224 = tpu.memref_slice %arg3[%dma_wait3A_1222, %dma_wait3A_1223] : memref<1000000x128xf32, #tpu.memory_space<hbm>> -> memref<64x128xf32, #tpu.memory_space<hbm>>
      tpu.wait_dma2 semaphore(%arg11 : memref<!tpu.dma_semaphore, #tpu.memory_space<semaphore_mem>>) src(%dma_wait3A_1224 : memref<64x128xf32, #tpu.memory_space<hbm>>) dst(%dma_wait3A_1221 : memref<64x128xf32, #tpu.memory_space<vmem>>)
      %dma_wait3A_1225 = arith.constant 0 : i32
      %dma_wait3A_1226 = tpu.memref_slice %arg5[%dma_wait3A_1225] : memref<25600xi32, #tpu.memory_space<vmem>> -> memref<256xi32, #tpu.memory_space<vmem>>
      %dma_wait3A_1227 = arith.constant 0 : i32
      %dma_wait3A_1228 = arith.constant 0 : i32
      %dma_wait3A_1229 = tpu.memref_slice %arg3[%dma_wait3A_1227, %dma_wait3A_1228] : memref<1000000x128xf32, #tpu.memory_space<hbm>> -> memref<1000000x128xf32, #tpu.memory_space<hbm>>
      tpu.wait_indirect_dma semaphore(%arg10 : memref<!tpu.dma_semaphore, #tpu.memory_space<semaphore_mem>>) src(%dma_wait3A_1229 : memref<1000000x128xf32, #tpu.memory_space<hbm>>) dst(%arg6 : memref<256x128xf32, #tpu.memory_space<vmem>>)
      %parallel_loop3A_1230 = arith.constant 0 : i32
      %parallel_loop3A_1231 = arith.constant 256 : i32
      %parallel_loop3A_1232 = arith.constant 1 : i32
      scf.for %parallel_loop3A_1799 = %parallel_loop3A_1230 to %parallel_loop3A_1231 step %parallel_loop3A_1232  : i32 {
        %parallel_loop3A_1800 = arith.constant 128 : i32
        %parallel_loop3A_1801 = arith.divsi %parallel_loop3A_1799, %parallel_loop3A_1800 : i32
        %parallel_loop3A_1802 = arith.constant 0 : i32
        %parallel_loop3A_1803 = arith.cmpi sgt, %parallel_loop3A_1799, %parallel_loop3A_1802 : i32
        %parallel_loop3A_1804 = arith.extui %parallel_loop3A_1803 : i1 to i32
        %parallel_loop3A_1805 = arith.constant 0 : i32
        %parallel_loop3A_1806 = arith.cmpi slt, %parallel_loop3A_1799, %parallel_loop3A_1805 : i32
        %parallel_loop3A_1807 = arith.extui %parallel_loop3A_1806 : i1 to i32
        %parallel_loop3A_1808 = arith.subi %parallel_loop3A_1804, %parallel_loop3A_1807 : i32
        %parallel_loop3A_1809 = arith.constant 0 : i32
        %parallel_loop3A_1810 = arith.cmpi sgt, %parallel_loop3A_1800, %parallel_loop3A_1809 : i32
        %parallel_loop3A_1811 = arith.extui %parallel_loop3A_1810 : i1 to i32
        %parallel_loop3A_1812 = arith.constant 0 : i32
        %parallel_loop3A_1813 = arith.cmpi slt, %parallel_loop3A_1800, %parallel_loop3A_1812 : i32
        %parallel_loop3A_1814 = arith.extui %parallel_loop3A_1813 : i1 to i32
        %parallel_loop3A_1815 = arith.subi %parallel_loop3A_1811, %parallel_loop3A_1814 : i32
        %parallel_loop3A_1816 = arith.cmpi ne, %parallel_loop3A_1808, %parallel_loop3A_1815 : i32
        %parallel_loop3A_1817 = arith.remsi %parallel_loop3A_1799, %parallel_loop3A_1800 : i32
        %parallel_loop3A_1818 = arith.constant 0 : i32
        %parallel_loop3A_1819 = arith.cmpi ne, %parallel_loop3A_1817, %parallel_loop3A_1818 : i32
        %parallel_loop3A_1820 = arith.andi %parallel_loop3A_1816, %parallel_loop3A_1819 : i1
        %parallel_loop3A_1821 = arith.constant 1 : i32
        %parallel_loop3A_1822 = arith.subi %parallel_loop3A_1801, %parallel_loop3A_1821 : i32
        %parallel_loop3A_1823 = arith.select %parallel_loop3A_1820, %parallel_loop3A_1822, %parallel_loop3A_1801 : i32
        %parallel_loop3A_1824 = arith.constant 4096 : i32
        %parallel_loop3A_1825 = arith.muli %parallel_loop3A_1823, %parallel_loop3A_1824 : i32
        %parallel_loop3A_1826 = arith.constant 128 : i32
        %parallel_loop3A_1827 = arith.constant 0 : i32
        %parallel_loop3A_1828 = arith.cmpi eq, %parallel_loop3A_1826, %parallel_loop3A_1827 : i32
        %parallel_loop3A_1829 = arith.constant 1 : i32
        %parallel_loop3A_1830 = arith.select %parallel_loop3A_1828, %parallel_loop3A_1829, %parallel_loop3A_1826 : i32
        %parallel_loop3A_1831 = arith.remsi %parallel_loop3A_1799, %parallel_loop3A_1830 : i32
        %parallel_loop3A_1832 = arith.constant 0 : i32
        %parallel_loop3A_1833 = arith.cmpi ne, %parallel_loop3A_1831, %parallel_loop3A_1832 : i32
        %parallel_loop3A_1834 = arith.constant 0 : i32
        %parallel_loop3A_1835 = arith.cmpi slt, %parallel_loop3A_1831, %parallel_loop3A_1834 : i32
        %parallel_loop3A_1836 = arith.constant 0 : i32
        %parallel_loop3A_1837 = arith.cmpi slt, %parallel_loop3A_1830, %parallel_loop3A_1836 : i32
        %parallel_loop3A_1838 = arith.xori %parallel_loop3A_1835, %parallel_loop3A_1837 : i1
        %parallel_loop3A_1839 = arith.andi %parallel_loop3A_1838, %parallel_loop3A_1833 : i1
        %parallel_loop3A_1840 = arith.addi %parallel_loop3A_1831, %parallel_loop3A_1830 : i32
        %parallel_loop3A_1841 = arith.select %parallel_loop3A_1839, %parallel_loop3A_1840, %parallel_loop3A_1831 : i32
        %parallel_loop3A_1842 = arith.addi %parallel_loop3A_1825, %parallel_loop3A_1841 : i32
        %parallel_loop3A_1843 = arith.index_cast %parallel_loop3A_1799 : i32 to index
        %parallel_loop3A_1844 = arith.constant 0 : index
        %parallel_loop3A_1845 = tpu.vector_load %arg6[%parallel_loop3A_1843, %parallel_loop3A_1844] {strides = array<i32>} : memref<256x128xf32, #tpu.memory_space<vmem>>, vector<16xf32>,
        %parallel_loop3A_1846 = arith.index_cast %parallel_loop3A_1799 : i32 to index
        %parallel_loop3A_1847 = arith.constant 16 : index
        %parallel_loop3A_1848 = tpu.vector_load %arg6[%parallel_loop3A_1846, %parallel_loop3A_1847] {strides = array<i32>} : memref<256x128xf32, #tpu.memory_space<vmem>>, vector<16xf32>,
        %parallel_loop3A_1849 = vector.broadcast %parallel_loop3A_1842 : i32 to vector<16xi32>
        %parallel_loop3A_1850 = arith.addi %add3A_52, %parallel_loop3A_1849 : vector<16xi32>
        tpu.vector_store_idx %arg8[%parallel_loop3A_1850], %parallel_loop3A_1845 : memref<8192xf32, #tpu.memory_space<vmem>>[vector<16xi32>], vector<16xf32>,
        %parallel_loop3A_1851 = vector.broadcast %parallel_loop3A_1842 : i32 to vector<16xi32>
        %parallel_loop3A_1852 = arith.addi %add3A_55, %parallel_loop3A_1851 : vector<16xi32>
        tpu.vector_store_idx %arg8[%parallel_loop3A_1852], %parallel_loop3A_1848 : memref<8192xf32, #tpu.memory_space<vmem>>[vector<16xi32>], vector<16xf32>,
      } {sc.loop_unroll_factor = 16 : i64, sc.parallel_access}
      %mul3A_1233 = arith.constant 2 : i32
      %mul3A_1234 = arith.muli %add3A_1212, %mul3A_1233 : i32
      %add3A_1235 = arith.addi %mul3A_2, %mul3A_1234 : i32
      %add3A_1236 = arith.constant 0 : i32
      %add3A_1237 = arith.addi %add3A_1235, %add3A_1236 : i32
      %jit3A_1238 = arith.constant 256 : i32
      %div3A_1239 = arith.divsi %add3A_1237, %jit3A_1238 : i32
      %sign3A_1240 = arith.constant 0 : i32
      %sign3A_1241 = arith.cmpi sgt, %add3A_1237, %sign3A_1240 : i32
      %sign3A_1242 = arith.extui %sign3A_1241 : i1 to i32
      %sign3A_1243 = arith.constant 0 : i32
      %sign3A_1244 = arith.cmpi slt, %add3A_1237, %sign3A_1243 : i32
      %sign3A_1245 = arith.extui %sign3A_1244 : i1 to i32
      %sign3A_1246 = arith.subi %sign3A_1242, %sign3A_1245 : i32
      %sign3A_1247 = arith.constant 0 : i32
      %sign3A_1248 = arith.cmpi sgt, %jit3A_1238, %sign3A_1247 : i32
      %sign3A_1249 = arith.extui %sign3A_1248 : i1 to i32
      %sign3A_1250 = arith.constant 0 : i32
      %sign3A_1251 = arith.cmpi slt, %jit3A_1238, %sign3A_1250 : i32
      %sign3A_1252 = arith.extui %sign3A_1251 : i1 to i32
      %sign3A_1253 = arith.subi %sign3A_1249, %sign3A_1252 : i32
      %ne3A_1254 = arith.cmpi ne, %sign3A_1246, %sign3A_1253 : i32
      %rem3A_1255 = arith.remsi %add3A_1237, %jit3A_1238 : i32
      %ne3A_1256 = arith.constant 0 : i32
      %ne3A_1257 = arith.cmpi ne, %rem3A_1255, %ne3A_1256 : i32
      %and3A_1258 = arith.andi %ne3A_1254, %ne3A_1257 : i1
      %sub3A_1259 = arith.constant 1 : i32
      %sub3A_1260 = arith.subi %div3A_1239, %sub3A_1259 : i32
      %select_n3A_1261 = arith.select %and3A_1258, %sub3A_1260, %div3A_1239 : i32
      %jit3A_1262 = arith.constant 8 : i32
      %div3A_1263 = arith.divsi %add3A_1237, %jit3A_1262 : i32
      %sign3A_1264 = arith.constant 0 : i32
      %sign3A_1265 = arith.cmpi sgt, %add3A_1237, %sign3A_1264 : i32
      %sign3A_1266 = arith.extui %sign3A_1265 : i1 to i32
      %sign3A_1267 = arith.constant 0 : i32
      %sign3A_1268 = arith.cmpi slt, %add3A_1237, %sign3A_1267 : i32
      %sign3A_1269 = arith.extui %sign3A_1268 : i1 to i32
      %sign3A_1270 = arith.subi %sign3A_1266, %sign3A_1269 : i32
      %sign3A_1271 = arith.constant 0 : i32
      %sign3A_1272 = arith.cmpi sgt, %jit3A_1262, %sign3A_1271 : i32
      %sign3A_1273 = arith.extui %sign3A_1272 : i1 to i32
      %sign3A_1274 = arith.constant 0 : i32
      %sign3A_1275 = arith.cmpi slt, %jit3A_1262, %sign3A_1274 : i32
      %sign3A_1276 = arith.extui %sign3A_1275 : i1 to i32
      %sign3A_1277 = arith.subi %sign3A_1273, %sign3A_1276 : i32
      %ne3A_1278 = arith.cmpi ne, %sign3A_1270, %sign3A_1277 : i32
      %rem3A_1279 = arith.remsi %add3A_1237, %jit3A_1262 : i32
      %ne3A_1280 = arith.constant 0 : i32
      %ne3A_1281 = arith.cmpi ne, %rem3A_1279, %ne3A_1280 : i32
      %and3A_1282 = arith.andi %ne3A_1278, %ne3A_1281 : i1
      %sub3A_1283 = arith.constant 1 : i32
      %sub3A_1284 = arith.subi %div3A_1263, %sub3A_1283 : i32
      %select_n3A_1285 = arith.select %and3A_1282, %sub3A_1284, %div3A_1263 : i32
      %jit3A_1286 = arith.constant 32 : i32
      %eq3A_1287 = arith.constant 0 : i32
      %eq3A_1288 = arith.cmpi eq, %jit3A_1286, %eq3A_1287 : i32
      %jit3A_1289 = arith.constant 1 : i32
      %select_n3A_1290 = arith.select %eq3A_1288, %jit3A_1289, %jit3A_1286 : i32
      %rem3A_1291 = arith.remsi %select_n3A_1285, %select_n3A_1290 : i32
      %ne3A_1292 = arith.constant 0 : i32
      %ne3A_1293 = arith.cmpi ne, %rem3A_1291, %ne3A_1292 : i32
      %lt3A_1294 = arith.constant 0 : i32
      %lt3A_1295 = arith.cmpi slt, %rem3A_1291, %lt3A_1294 : i32
      %lt3A_1296 = arith.constant 0 : i32
      %lt3A_1297 = arith.cmpi slt, %select_n3A_1290, %lt3A_1296 : i32
      %ne3A_1298 = arith.xori %lt3A_1295, %lt3A_1297 : i1
      %and3A_1299 = arith.andi %ne3A_1298, %ne3A_1293 : i1
      %add3A_1300 = arith.addi %rem3A_1291, %select_n3A_1290 : i32
      %select_n3A_1301 = arith.select %and3A_1299, %add3A_1300, %rem3A_1291 : i32
      %mul3A_1302 = arith.constant 8 : i32
      %mul3A_1303 = arith.muli %select_n3A_1261, %mul3A_1302 : i32
      %jit3A_1304 = arith.constant 8 : i32
      %eq3A_1305 = arith.constant 0 : i32
      %eq3A_1306 = arith.cmpi eq, %jit3A_1304, %eq3A_1305 : i32
      %jit3A_1307 = arith.constant 1 : i32
      %select_n3A_1308 = arith.select %eq3A_1306, %jit3A_1307, %jit3A_1304 : i32
      %rem3A_1309 = arith.remsi %add3A_1237, %select_n3A_1308 : i32
      %ne3A_1310 = arith.constant 0 : i32
      %ne3A_1311 = arith.cmpi ne, %rem3A_1309, %ne3A_1310 : i32
      %lt3A_1312 = arith.constant 0 : i32
      %lt3A_1313 = arith.cmpi slt, %rem3A_1309, %lt3A_1312 : i32
      %lt3A_1314 = arith.constant 0 : i32
      %lt3A_1315 = arith.cmpi slt, %select_n3A_1308, %lt3A_1314 : i32
      %ne3A_1316 = arith.xori %lt3A_1313, %lt3A_1315 : i1
      %and3A_1317 = arith.andi %ne3A_1316, %ne3A_1311 : i1
      %add3A_1318 = arith.addi %rem3A_1309, %select_n3A_1308 : i32
      %select_n3A_1319 = arith.select %and3A_1317, %add3A_1318, %rem3A_1309 : i32
      %add3A_1320 = arith.addi %mul3A_1303, %select_n3A_1319 : i32
      %dma_start3A_1321 = arith.constant 0 : i32
      %dma_start3A_1322 = arith.constant 0 : i32
      %dma_start3A_1323 = tpu.memref_slice %arg8[%dma_start3A_1322] : memref<8192xf32, #tpu.memory_space<vmem>> -> memref<1024xf32, #tpu.memory_space<vmem>>
      %dma_start3A_1324 = arith.constant 0 : i32
      %dma_start3A_1325 = tpu.memref_slice %arg4[%add3A_1320, %dma_start3A_1321, %select_n3A_1301, %dma_start3A_1324] : memref<200x4x32x1024xf32, #tpu.memory_space<hbm>> -> memref<1x1x1x1024xf32, #tpu.memory_space<hbm>>
      %dma_start3A_1326 = tpu.memref_squeeze %dma_start3A_1325 : memref<1x1x1x1024xf32, #tpu.memory_space<hbm>> -> memref<1024xf32, #tpu.memory_space<hbm>>
      %dma_start3A_1327 = arith.constant 0 : i32
      %dma_start3A_1328 = tpu.memref_slice %arg4[%add3A_1320, %dma_start3A_1321, %select_n3A_1301, %dma_start3A_1327] : memref<200x4x32x1024xf32, #tpu.memory_space<hbm>> -> memref<1x1x1x1024xf32, #tpu.memory_space<hbm>>
      %dma_start3A_1329 = tpu.memref_squeeze %dma_start3A_1328 : memref<1x1x1x1024xf32, #tpu.memory_space<hbm>> -> memref<1024xf32, #tpu.memory_space<hbm>>
      %dma_start3A_1330 = arith.constant 0 : i32
      %dma_start3A_1331 = tpu.memref_slice %arg8[%dma_start3A_1330] : memref<8192xf32, #tpu.memory_space<vmem>> -> memref<1024xf32, #tpu.memory_space<vmem>>
      tpu.enqueue_dma source(%dma_start3A_1331 : memref<1024xf32, #tpu.memory_space<vmem>>) target(%dma_start3A_1329 : memref<1024xf32, #tpu.memory_space<hbm>>) target_semaphore(%arg11 : memref<!tpu.dma_semaphore, #tpu.memory_space<semaphore_mem>>)
      %dma_start3A_1332 = arith.constant 1 : i32
      %dma_start3A_1333 = arith.constant 1024 : i32
      %dma_start3A_1334 = tpu.memref_slice %arg8[%dma_start3A_1333] : memref<8192xf32, #tpu.memory_space<vmem>> -> memref<1024xf32, #tpu.memory_space<vmem>>
      %dma_start3A_1335 = arith.constant 0 : i32
      %dma_start3A_1336 = tpu.memref_slice %arg4[%add3A_1320, %dma_start3A_1332, %select_n3A_1301, %dma_start3A_1335] : memref<200x4x32x1024xf32, #tpu.memory_space<hbm>> -> memref<1x1x1x1024xf32, #tpu.memory_space<hbm>>
      %dma_start3A_1337 = tpu.memref_squeeze %dma_start3A_1336 : memref<1x1x1x1024xf32, #tpu.memory_space<hbm>> -> memref<1024xf32, #tpu.memory_space<hbm>>
      %dma_start3A_1338 = arith.constant 0 : i32
      %dma_start3A_1339 = tpu.memref_slice %arg4[%add3A_1320, %dma_start3A_1332, %select_n3A_1301, %dma_start3A_1338] : memref<200x4x32x1024xf32, #tpu.memory_space<hbm>> -> memref<1x1x1x1024xf32, #tpu.memory_space<hbm>>
      %dma_start3A_1340 = tpu.memref_squeeze %dma_start3A_1339 : memref<1x1x1x1024xf32, #tpu.memory_space<hbm>> -> memref<1024xf32, #tpu.memory_space<hbm>>
      %dma_start3A_1341 = arith.constant 1024 : i32
      %dma_start3A_1342 = tpu.memref_slice %arg8[%dma_start3A_1341] : memref<8192xf32, #tpu.memory_space<vmem>> -> memref<1024xf32, #tpu.memory_space<vmem>>
      tpu.enqueue_dma source(%dma_start3A_1342 : memref<1024xf32, #tpu.memory_space<vmem>>) target(%dma_start3A_1340 : memref<1024xf32, #tpu.memory_space<hbm>>) target_semaphore(%arg11 : memref<!tpu.dma_semaphore, #tpu.memory_space<semaphore_mem>>)
      %dma_start3A_1343 = arith.constant 2 : i32
      %dma_start3A_1344 = arith.constant 2048 : i32
      %dma_start3A_1345 = tpu.memref_slice %arg8[%dma_start3A_1344] : memref<8192xf32, #tpu.memory_space<vmem>> -> memref<1024xf32, #tpu.memory_space<vmem>>
      %dma_start3A_1346 = arith.constant 0 : i32
      %dma_start3A_1347 = tpu.memref_slice %arg4[%add3A_1320, %dma_start3A_1343, %select_n3A_1301, %dma_start3A_1346] : memref<200x4x32x1024xf32, #tpu.memory_space<hbm>> -> memref<1x1x1x1024xf32, #tpu.memory_space<hbm>>
      %dma_start3A_1348 = tpu.memref_squeeze %dma_start3A_1347 : memref<1x1x1x1024xf32, #tpu.memory_space<hbm>> -> memref<1024xf32, #tpu.memory_space<hbm>>
      %dma_start3A_1349 = arith.constant 0 : i32
      %dma_start3A_1350 = tpu.memref_slice %arg4[%add3A_1320, %dma_start3A_1343, %select_n3A_1301, %dma_start3A_1349] : memref<200x4x32x1024xf32, #tpu.memory_space<hbm>> -> memref<1x1x1x1024xf32, #tpu.memory_space<hbm>>
      %dma_start3A_1351 = tpu.memref_squeeze %dma_start3A_1350 : memref<1x1x1x1024xf32, #tpu.memory_space<hbm>> -> memref<1024xf32, #tpu.memory_space<hbm>>
      %dma_start3A_1352 = arith.constant 2048 : i32
      %dma_start3A_1353 = tpu.memref_slice %arg8[%dma_start3A_1352] : memref<8192xf32, #tpu.memory_space<vmem>> -> memref<1024xf32, #tpu.memory_space<vmem>>
      tpu.enqueue_dma source(%dma_start3A_1353 : memref<1024xf32, #tpu.memory_space<vmem>>) target(%dma_start3A_1351 : memref<1024xf32, #tpu.memory_space<hbm>>) target_semaphore(%arg11 : memref<!tpu.dma_semaphore, #tpu.memory_space<semaphore_mem>>)
      %dma_start3A_1354 = arith.constant 3 : i32
      %dma_start3A_1355 = arith.constant 3072 : i32
      %dma_start3A_1356 = tpu.memref_slice %arg8[%dma_start3A_1355] : memref<8192xf32, #tpu.memory_space<vmem>> -> memref<1024xf32, #tpu.memory_space<vmem>>
      %dma_start3A_1357 = arith.constant 0 : i32
      %dma_start3A_1358 = tpu.memref_slice %arg4[%add3A_1320, %dma_start3A_1354, %select_n3A_1301, %dma_start3A_1357] : memref<200x4x32x1024xf32, #tpu.memory_space<hbm>> -> memref<1x1x1x1024xf32, #tpu.memory_space<hbm>>
      %dma_start3A_1359 = tpu.memref_squeeze %dma_start3A_1358 : memref<1x1x1x1024xf32, #tpu.memory_space<hbm>> -> memref<1024xf32, #tpu.memory_space<hbm>>
      %dma_start3A_1360 = arith.constant 0 : i32
      %dma_start3A_1361 = tpu.memref_slice %arg4[%add3A_1320, %dma_start3A_1354, %select_n3A_1301, %dma_start3A_1360] : memref<200x4x32x1024xf32, #tpu.memory_space<hbm>> -> memref<1x1x1x1024xf32, #tpu.memory_space<hbm>>
      %dma_start3A_1362 = tpu.memref_squeeze %dma_start3A_1361 : memref<1x1x1x1024xf32, #tpu.memory_space<hbm>> -> memref<1024xf32, #tpu.memory_space<hbm>>
      %dma_start3A_1363 = arith.constant 3072 : i32
      %dma_start3A_1364 = tpu.memref_slice %arg8[%dma_start3A_1363] : memref<8192xf32, #tpu.memory_space<vmem>> -> memref<1024xf32, #tpu.memory_space<vmem>>
      tpu.enqueue_dma source(%dma_start3A_1364 : memref<1024xf32, #tpu.memory_space<vmem>>) target(%dma_start3A_1362 : memref<1024xf32, #tpu.memory_space<hbm>>) target_semaphore(%arg11 : memref<!tpu.dma_semaphore, #tpu.memory_space<semaphore_mem>>)
      %mul3A_1365 = arith.constant 2 : i32
      %mul3A_1366 = arith.muli %add3A_1212, %mul3A_1365 : i32
      %add3A_1367 = arith.addi %mul3A_2, %mul3A_1366 : i32
      %add3A_1368 = arith.constant 1 : i32
      %add3A_1369 = arith.addi %add3A_1367, %add3A_1368 : i32
      %jit3A_1370 = arith.constant 256 : i32
      %div3A_1371 = arith.divsi %add3A_1369, %jit3A_1370 : i32
      %sign3A_1372 = arith.constant 0 : i32
      %sign3A_1373 = arith.cmpi sgt, %add3A_1369, %sign3A_1372 : i32
      %sign3A_1374 = arith.extui %sign3A_1373 : i1 to i32
      %sign3A_1375 = arith.constant 0 : i32
      %sign3A_1376 = arith.cmpi slt, %add3A_1369, %sign3A_1375 : i32
      %sign3A_1377 = arith.extui %sign3A_1376 : i1 to i32
      %sign3A_1378 = arith.subi %sign3A_1374, %sign3A_1377 : i32
      %sign3A_1379 = arith.constant 0 : i32
      %sign3A_1380 = arith.cmpi sgt, %jit3A_1370, %sign3A_1379 : i32
      %sign3A_1381 = arith.extui %sign3A_1380 : i1 to i32
      %sign3A_1382 = arith.constant 0 : i32
      %sign3A_1383 = arith.cmpi slt, %jit3A_1370, %sign3A_1382 : i32
      %sign3A_1384 = arith.extui %sign3A_1383 : i1 to i32
      %sign3A_1385 = arith.subi %sign3A_1381, %sign3A_1384 : i32
      %ne3A_1386 = arith.cmpi ne, %sign3A_1378, %sign3A_1385 : i32
      %rem3A_1387 = arith.remsi %add3A_1369, %jit3A_1370 : i32
      %ne3A_1388 = arith.constant 0 : i32
      %ne3A_1389 = arith.cmpi ne, %rem3A_1387, %ne3A_1388 : i32
      %and3A_1390 = arith.andi %ne3A_1386, %ne3A_1389 : i1
      %sub3A_1391 = arith.constant 1 : i32
      %sub3A_1392 = arith.subi %div3A_1371, %sub3A_1391 : i32
      %select_n3A_1393 = arith.select %and3A_1390, %sub3A_1392, %div3A_1371 : i32
      %jit3A_1394 = arith.constant 8 : i32
      %div3A_1395 = arith.divsi %add3A_1369, %jit3A_1394 : i32
      %sign3A_1396 = arith.constant 0 : i32
      %sign3A_1397 = arith.cmpi sgt, %add3A_1369, %sign3A_1396 : i32
      %sign3A_1398 = arith.extui %sign3A_1397 : i1 to i32
      %sign3A_1399 = arith.constant 0 : i32
      %sign3A_1400 = arith.cmpi slt, %add3A_1369, %sign3A_1399 : i32
      %sign3A_1401 = arith.extui %sign3A_1400 : i1 to i32
      %sign3A_1402 = arith.subi %sign3A_1398, %sign3A_1401 : i32
      %sign3A_1403 = arith.constant 0 : i32
      %sign3A_1404 = arith.cmpi sgt, %jit3A_1394, %sign3A_1403 : i32
      %sign3A_1405 = arith.extui %sign3A_1404 : i1 to i32
      %sign3A_1406 = arith.constant 0 : i32
      %sign3A_1407 = arith.cmpi slt, %jit3A_1394, %sign3A_1406 : i32
      %sign3A_1408 = arith.extui %sign3A_1407 : i1 to i32
      %sign3A_1409 = arith.subi %sign3A_1405, %sign3A_1408 : i32
      %ne3A_1410 = arith.cmpi ne, %sign3A_1402, %sign3A_1409 : i32
      %rem3A_1411 = arith.remsi %add3A_1369, %jit3A_1394 : i32
      %ne3A_1412 = arith.constant 0 : i32
      %ne3A_1413 = arith.cmpi ne, %rem3A_1411, %ne3A_1412 : i32
      %and3A_1414 = arith.andi %ne3A_1410, %ne3A_1413 : i1
      %sub3A_1415 = arith.constant 1 : i32
      %sub3A_1416 = arith.subi %div3A_1395, %sub3A_1415 : i32
      %select_n3A_1417 = arith.select %and3A_1414, %sub3A_1416, %div3A_1395 : i32
      %jit3A_1418 = arith.constant 32 : i32
      %eq3A_1419 = arith.constant 0 : i32
      %eq3A_1420 = arith.cmpi eq, %jit3A_1418, %eq3A_1419 : i32
      %jit3A_1421 = arith.constant 1 : i32
      %select_n3A_1422 = arith.select %eq3A_1420, %jit3A_1421, %jit3A_1418 : i32
      %rem3A_1423 = arith.remsi %select_n3A_1417, %select_n3A_1422 : i32
      %ne3A_1424 = arith.constant 0 : i32
      %ne3A_1425 = arith.cmpi ne, %rem3A_1423, %ne3A_1424 : i32
      %lt3A_1426 = arith.constant 0 : i32
      %lt3A_1427 = arith.cmpi slt, %rem3A_1423, %lt3A_1426 : i32
      %lt3A_1428 = arith.constant 0 : i32
      %lt3A_1429 = arith.cmpi slt, %select_n3A_1422, %lt3A_1428 : i32
      %ne3A_1430 = arith.xori %lt3A_1427, %lt3A_1429 : i1
      %and3A_1431 = arith.andi %ne3A_1430, %ne3A_1425 : i1
      %add3A_1432 = arith.addi %rem3A_1423, %select_n3A_1422 : i32
      %select_n3A_1433 = arith.select %and3A_1431, %add3A_1432, %rem3A_1423 : i32
      %mul3A_1434 = arith.constant 8 : i32
      %mul3A_1435 = arith.muli %select_n3A_1393, %mul3A_1434 : i32
      %jit3A_1436 = arith.constant 8 : i32
      %eq3A_1437 = arith.constant 0 : i32
      %eq3A_1438 = arith.cmpi eq, %jit3A_1436, %eq3A_1437 : i32
      %jit3A_1439 = arith.constant 1 : i32
      %select_n3A_1440 = arith.select %eq3A_1438, %jit3A_1439, %jit3A_1436 : i32
      %rem3A_1441 = arith.remsi %add3A_1369, %select_n3A_1440 : i32
      %ne3A_1442 = arith.constant 0 : i32
      %ne3A_1443 = arith.cmpi ne, %rem3A_1441, %ne3A_1442 : i32
      %lt3A_1444 = arith.constant 0 : i32
      %lt3A_1445 = arith.cmpi slt, %rem3A_1441, %lt3A_1444 : i32
      %lt3A_1446 = arith.constant 0 : i32
      %lt3A_1447 = arith.cmpi slt, %select_n3A_1440, %lt3A_1446 : i32
      %ne3A_1448 = arith.xori %lt3A_1445, %lt3A_1447 : i1
      %and3A_1449 = arith.andi %ne3A_1448, %ne3A_1443 : i1
      %add3A_1450 = arith.addi %rem3A_1441, %select_n3A_1440 : i32
      %select_n3A_1451 = arith.select %and3A_1449, %add3A_1450, %rem3A_1441 : i32
      %add3A_1452 = arith.addi %mul3A_1435, %select_n3A_1451 : i32
      %dma_start3A_1453 = arith.constant 0 : i32
      %dma_start3A_1454 = arith.constant 4096 : i32
      %dma_start3A_1455 = tpu.memref_slice %arg8[%dma_start3A_1454] : memref<8192xf32, #tpu.memory_space<vmem>> -> memref<1024xf32, #tpu.memory_space<vmem>>
      %dma_start3A_1456 = arith.constant 0 : i32
      %dma_start3A_1457 = tpu.memref_slice %arg4[%add3A_1452, %dma_start3A_1453, %select_n3A_1433, %dma_start3A_1456] : memref<200x4x32x1024xf32, #tpu.memory_space<hbm>> -> memref<1x1x1x1024xf32, #tpu.memory_space<hbm>>
      %dma_start3A_1458 = tpu.memref_squeeze %dma_start3A_1457 : memref<1x1x1x1024xf32, #tpu.memory_space<hbm>> -> memref<1024xf32, #tpu.memory_space<hbm>>
      %dma_start3A_1459 = arith.constant 0 : i32
      %dma_start3A_1460 = tpu.memref_slice %arg4[%add3A_1452, %dma_start3A_1453, %select_n3A_1433, %dma_start3A_1459] : memref<200x4x32x1024xf32, #tpu.memory_space<hbm>> -> memref<1x1x1x1024xf32, #tpu.memory_space<hbm>>
      %dma_start3A_1461 = tpu.memref_squeeze %dma_start3A_1460 : memref<1x1x1x1024xf32, #tpu.memory_space<hbm>> -> memref<1024xf32, #tpu.memory_space<hbm>>
      %dma_start3A_1462 = arith.constant 4096 : i32
      %dma_start3A_1463 = tpu.memref_slice %arg8[%dma_start3A_1462] : memref<8192xf32, #tpu.memory_space<vmem>> -> memref<1024xf32, #tpu.memory_space<vmem>>
      tpu.enqueue_dma source(%dma_start3A_1463 : memref<1024xf32, #tpu.memory_space<vmem>>) target(%dma_start3A_1461 : memref<1024xf32, #tpu.memory_space<hbm>>) target_semaphore(%arg11 : memref<!tpu.dma_semaphore, #tpu.memory_space<semaphore_mem>>)
      %dma_start3A_1464 = arith.constant 1 : i32
      %dma_start3A_1465 = arith.constant 5120 : i32
      %dma_start3A_1466 = tpu.memref_slice %arg8[%dma_start3A_1465] : memref<8192xf32, #tpu.memory_space<vmem>> -> memref<1024xf32, #tpu.memory_space<vmem>>
      %dma_start3A_1467 = arith.constant 0 : i32
      %dma_start3A_1468 = tpu.memref_slice %arg4[%add3A_1452, %dma_start3A_1464, %select_n3A_1433, %dma_start3A_1467] : memref<200x4x32x1024xf32, #tpu.memory_space<hbm>> -> memref<1x1x1x1024xf32, #tpu.memory_space<hbm>>
      %dma_start3A_1469 = tpu.memref_squeeze %dma_start3A_1468 : memref<1x1x1x1024xf32, #tpu.memory_space<hbm>> -> memref<1024xf32, #tpu.memory_space<hbm>>
      %dma_start3A_1470 = arith.constant 0 : i32
      %dma_start3A_1471 = tpu.memref_slice %arg4[%add3A_1452, %dma_start3A_1464, %select_n3A_1433, %dma_start3A_1470] : memref<200x4x32x1024xf32, #tpu.memory_space<hbm>> -> memref<1x1x1x1024xf32, #tpu.memory_space<hbm>>
      %dma_start3A_1472 = tpu.memref_squeeze %dma_start3A_1471 : memref<1x1x1x1024xf32, #tpu.memory_space<hbm>> -> memref<1024xf32, #tpu.memory_space<hbm>>
      %dma_start3A_1473 = arith.constant 5120 : i32
      %dma_start3A_1474 = tpu.memref_slice %arg8[%dma_start3A_1473] : memref<8192xf32, #tpu.memory_space<vmem>> -> memref<1024xf32, #tpu.memory_space<vmem>>
      tpu.enqueue_dma source(%dma_start3A_1474 : memref<1024xf32, #tpu.memory_space<vmem>>) target(%dma_start3A_1472 : memref<1024xf32, #tpu.memory_space<hbm>>) target_semaphore(%arg11 : memref<!tpu.dma_semaphore, #tpu.memory_space<semaphore_mem>>)
      %dma_start3A_1475 = arith.constant 2 : i32
      %dma_start3A_1476 = arith.constant 6144 : i32
      %dma_start3A_1477 = tpu.memref_slice %arg8[%dma_start3A_1476] : memref<8192xf32, #tpu.memory_space<vmem>> -> memref<1024xf32, #tpu.memory_space<vmem>>
      %dma_start3A_1478 = arith.constant 0 : i32
      %dma_start3A_1479 = tpu.memref_slice %arg4[%add3A_1452, %dma_start3A_1475, %select_n3A_1433, %dma_start3A_1478] : memref<200x4x32x1024xf32, #tpu.memory_space<hbm>> -> memref<1x1x1x1024xf32, #tpu.memory_space<hbm>>
      %dma_start3A_1480 = tpu.memref_squeeze %dma_start3A_1479 : memref<1x1x1x1024xf32, #tpu.memory_space<hbm>> -> memref<1024xf32, #tpu.memory_space<hbm>>
      %dma_start3A_1481 = arith.constant 0 : i32
      %dma_start3A_1482 = tpu.memref_slice %arg4[%add3A_1452, %dma_start3A_1475, %select_n3A_1433, %dma_start3A_1481] : memref<200x4x32x1024xf32, #tpu.memory_space<hbm>> -> memref<1x1x1x1024xf32, #tpu.memory_space<hbm>>
      %dma_start3A_1483 = tpu.memref_squeeze %dma_start3A_1482 : memref<1x1x1x1024xf32, #tpu.memory_space<hbm>> -> memref<1024xf32, #tpu.memory_space<hbm>>
      %dma_start3A_1484 = arith.constant 6144 : i32
      %dma_start3A_1485 = tpu.memref_slice %arg8[%dma_start3A_1484] : memref<8192xf32, #tpu.memory_space<vmem>> -> memref<1024xf32, #tpu.memory_space<vmem>>
      tpu.enqueue_dma source(%dma_start3A_1485 : memref<1024xf32, #tpu.memory_space<vmem>>) target(%dma_start3A_1483 : memref<1024xf32, #tpu.memory_space<hbm>>) target_semaphore(%arg11 : memref<!tpu.dma_semaphore, #tpu.memory_space<semaphore_mem>>)
      %dma_start3A_1486 = arith.constant 3 : i32
      %dma_start3A_1487 = arith.constant 7168 : i32
      %dma_start3A_1488 = tpu.memref_slice %arg8[%dma_start3A_1487] : memref<8192xf32, #tpu.memory_space<vmem>> -> memref<1024xf32, #tpu.memory_space<vmem>>
      %dma_start3A_1489 = arith.constant 0 : i32
      %dma_start3A_1490 = tpu.memref_slice %arg4[%add3A_1452, %dma_start3A_1486, %select_n3A_1433, %dma_start3A_1489] : memref<200x4x32x1024xf32, #tpu.memory_space<hbm>> -> memref<1x1x1x1024xf32, #tpu.memory_space<hbm>>
      %dma_start3A_1491 = tpu.memref_squeeze %dma_start3A_1490 : memref<1x1x1x1024xf32, #tpu.memory_space<hbm>> -> memref<1024xf32, #tpu.memory_space<hbm>>
      %dma_start3A_1492 = arith.constant 0 : i32
      %dma_start3A_1493 = tpu.memref_slice %arg4[%add3A_1452, %dma_start3A_1486, %select_n3A_1433, %dma_start3A_1492] : memref<200x4x32x1024xf32, #tpu.memory_space<hbm>> -> memref<1x1x1x1024xf32, #tpu.memory_space<hbm>>
      %dma_start3A_1494 = tpu.memref_squeeze %dma_start3A_1493 : memref<1x1x1x1024xf32, #tpu.memory_space<hbm>> -> memref<1024xf32, #tpu.memory_space<hbm>>
      %dma_start3A_1495 = arith.constant 7168 : i32
      %dma_start3A_1496 = tpu.memref_slice %arg8[%dma_start3A_1495] : memref<8192xf32, #tpu.memory_space<vmem>> -> memref<1024xf32, #tpu.memory_space<vmem>>
      tpu.enqueue_dma source(%dma_start3A_1496 : memref<1024xf32, #tpu.memory_space<vmem>>) target(%dma_start3A_1494 : memref<1024xf32, #tpu.memory_space<hbm>>) target_semaphore(%arg11 : memref<!tpu.dma_semaphore, #tpu.memory_space<semaphore_mem>>)
      %add3A_1497 = arith.constant 2 : i32
      %add3A_1498 = arith.addi %add3A_1212, %add3A_1497 : i32
      %mul3A_1499 = arith.constant 256 : i32
      %mul3A_1500 = arith.muli %add3A_1498, %mul3A_1499 : i32
      %dma_start3A_1501 = tpu.memref_slice %arg5[%mul3A_1500] : memref<25600xi32, #tpu.memory_space<vmem>> -> memref<256xi32, #tpu.memory_space<vmem>>
      %dma_start3A_1502 = arith.constant 0 : i32
      %dma_start3A_1503 = arith.constant 0 : i32
      %dma_start3A_1504 = tpu.memref_slice %arg3[%dma_start3A_1502, %dma_start3A_1503] : memref<1000000x128xf32, #tpu.memory_space<hbm>> -> memref<1000000x128xf32, #tpu.memory_space<hbm>>
      tpu.enqueue_indirect_dma source(%dma_start3A_1504 : memref<1000000x128xf32, #tpu.memory_space<hbm>>) target(%arg6 : memref<256x128xf32, #tpu.memory_space<vmem>>) offsets(%dma_start3A_1501 : memref<256xi32, #tpu.memory_space<vmem>>) semaphore(%arg10 : memref<!tpu.dma_semaphore, #tpu.memory_space<semaphore_mem>>)
      %dma_wait3A_1505 = arith.constant 0 : i32
      %dma_wait3A_1506 = arith.constant 0 : i32
      %dma_wait3A_1507 = tpu.memref_slice %arg6[%dma_wait3A_1505, %dma_wait3A_1506] : memref<256x128xf32, #tpu.memory_space<vmem>> -> memref<64x128xf32, #tpu.memory_space<vmem>>
      %dma_wait3A_1508 = arith.constant 0 : i32
      %dma_wait3A_1509 = arith.constant 0 : i32
      %dma_wait3A_1510 = tpu.memref_slice %arg3[%dma_wait3A_1508, %dma_wait3A_1509] : memref<1000000x128xf32, #tpu.memory_space<hbm>> -> memref<64x128xf32, #tpu.memory_space<hbm>>
      %dma_wait3A_1511 = arith.constant 0 : i32
      %dma_wait3A_1512 = arith.constant 0 : i32
      %dma_wait3A_1513 = tpu.memref_slice %arg6[%dma_wait3A_1511, %dma_wait3A_1512] : memref<256x128xf32, #tpu.memory_space<vmem>> -> memref<64x128xf32, #tpu.memory_space<vmem>>
      %dma_wait3A_1514 = arith.constant 0 : i32
      %dma_wait3A_1515 = arith.constant 0 : i32
      %dma_wait3A_1516 = tpu.memref_slice %arg3[%dma_wait3A_1514, %dma_wait3A_1515] : memref<1000000x128xf32, #tpu.memory_space<hbm>> -> memref<64x128xf32, #tpu.memory_space<hbm>>
      tpu.wait_dma2 semaphore(%arg11 : memref<!tpu.dma_semaphore, #tpu.memory_space<semaphore_mem>>) src(%dma_wait3A_1516 : memref<64x128xf32, #tpu.memory_space<hbm>>) dst(%dma_wait3A_1513 : memref<64x128xf32, #tpu.memory_space<vmem>>)
      %add3A_1517 = arith.constant 1 : i32
      %add3A_1518 = arith.addi %add3A_1212, %add3A_1517 : i32
      %dma_wait3A_1519 = arith.constant 0 : i32
      %dma_wait3A_1520 = tpu.memref_slice %arg5[%dma_wait3A_1519] : memref<25600xi32, #tpu.memory_space<vmem>> -> memref<256xi32, #tpu.memory_space<vmem>>
      %dma_wait3A_1521 = arith.constant 0 : i32
      %dma_wait3A_1522 = arith.constant 0 : i32
      %dma_wait3A_1523 = tpu.memref_slice %arg3[%dma_wait3A_1521, %dma_wait3A_1522] : memref<1000000x128xf32, #tpu.memory_space<hbm>> -> memref<1000000x128xf32, #tpu.memory_space<hbm>>
      tpu.wait_indirect_dma semaphore(%arg10 : memref<!tpu.dma_semaphore, #tpu.memory_space<semaphore_mem>>) src(%dma_wait3A_1523 : memref<1000000x128xf32, #tpu.memory_space<hbm>>) dst(%arg7 : memref<256x128xf32, #tpu.memory_space<vmem>>)
      %parallel_loop3A_1524 = arith.constant 0 : i32
      %parallel_loop3A_1525 = arith.constant 256 : i32
      %parallel_loop3A_1526 = arith.constant 1 : i32
      scf.for %parallel_loop3A_1799 = %parallel_loop3A_1524 to %parallel_loop3A_1525 step %parallel_loop3A_1526  : i32 {
        %parallel_loop3A_1800 = arith.constant 128 : i32
        %parallel_loop3A_1801 = arith.divsi %parallel_loop3A_1799, %parallel_loop3A_1800 : i32
        %parallel_loop3A_1802 = arith.constant 0 : i32
        %parallel_loop3A_1803 = arith.cmpi sgt, %parallel_loop3A_1799, %parallel_loop3A_1802 : i32
        %parallel_loop3A_1804 = arith.extui %parallel_loop3A_1803 : i1 to i32
        %parallel_loop3A_1805 = arith.constant 0 : i32
        %parallel_loop3A_1806 = arith.cmpi slt, %parallel_loop3A_1799, %parallel_loop3A_1805 : i32
        %parallel_loop3A_1807 = arith.extui %parallel_loop3A_1806 : i1 to i32
        %parallel_loop3A_1808 = arith.subi %parallel_loop3A_1804, %parallel_loop3A_1807 : i32
        %parallel_loop3A_1809 = arith.constant 0 : i32
        %parallel_loop3A_1810 = arith.cmpi sgt, %parallel_loop3A_1800, %parallel_loop3A_1809 : i32
        %parallel_loop3A_1811 = arith.extui %parallel_loop3A_1810 : i1 to i32
        %parallel_loop3A_1812 = arith.constant 0 : i32
        %parallel_loop3A_1813 = arith.cmpi slt, %parallel_loop3A_1800, %parallel_loop3A_1812 : i32
        %parallel_loop3A_1814 = arith.extui %parallel_loop3A_1813 : i1 to i32
        %parallel_loop3A_1815 = arith.subi %parallel_loop3A_1811, %parallel_loop3A_1814 : i32
        %parallel_loop3A_1816 = arith.cmpi ne, %parallel_loop3A_1808, %parallel_loop3A_1815 : i32
        %parallel_loop3A_1817 = arith.remsi %parallel_loop3A_1799, %parallel_loop3A_1800 : i32
        %parallel_loop3A_1818 = arith.constant 0 : i32
        %parallel_loop3A_1819 = arith.cmpi ne, %parallel_loop3A_1817, %parallel_loop3A_1818 : i32
        %parallel_loop3A_1820 = arith.andi %parallel_loop3A_1816, %parallel_loop3A_1819 : i1
        %parallel_loop3A_1821 = arith.constant 1 : i32
        %parallel_loop3A_1822 = arith.subi %parallel_loop3A_1801, %parallel_loop3A_1821 : i32
        %parallel_loop3A_1823 = arith.select %parallel_loop3A_1820, %parallel_loop3A_1822, %parallel_loop3A_1801 : i32
        %parallel_loop3A_1824 = arith.constant 4096 : i32
        %parallel_loop3A_1825 = arith.muli %parallel_loop3A_1823, %parallel_loop3A_1824 : i32
        %parallel_loop3A_1826 = arith.constant 128 : i32
        %parallel_loop3A_1827 = arith.constant 0 : i32
        %parallel_loop3A_1828 = arith.cmpi eq, %parallel_loop3A_1826, %parallel_loop3A_1827 : i32
        %parallel_loop3A_1829 = arith.constant 1 : i32
        %parallel_loop3A_1830 = arith.select %parallel_loop3A_1828, %parallel_loop3A_1829, %parallel_loop3A_1826 : i32
        %parallel_loop3A_1831 = arith.remsi %parallel_loop3A_1799, %parallel_loop3A_1830 : i32
        %parallel_loop3A_1832 = arith.constant 0 : i32
        %parallel_loop3A_1833 = arith.cmpi ne, %parallel_loop3A_1831, %parallel_loop3A_1832 : i32
        %parallel_loop3A_1834 = arith.constant 0 : i32
        %parallel_loop3A_1835 = arith.cmpi slt, %parallel_loop3A_1831, %parallel_loop3A_1834 : i32
        %parallel_loop3A_1836 = arith.constant 0 : i32
        %parallel_loop3A_1837 = arith.cmpi slt, %parallel_loop3A_1830, %parallel_loop3A_1836 : i32
        %parallel_loop3A_1838 = arith.xori %parallel_loop3A_1835, %parallel_loop3A_1837 : i1
        %parallel_loop3A_1839 = arith.andi %parallel_loop3A_1838, %parallel_loop3A_1833 : i1
        %parallel_loop3A_1840 = arith.addi %parallel_loop3A_1831, %parallel_loop3A_1830 : i32
        %parallel_loop3A_1841 = arith.select %parallel_loop3A_1839, %parallel_loop3A_1840, %parallel_loop3A_1831 : i32
        %parallel_loop3A_1842 = arith.addi %parallel_loop3A_1825, %parallel_loop3A_1841 : i32
        %parallel_loop3A_1843 = arith.index_cast %parallel_loop3A_1799 : i32 to index
        %parallel_loop3A_1844 = arith.constant 0 : index
        %parallel_loop3A_1845 = tpu.vector_load %arg7[%parallel_loop3A_1843, %parallel_loop3A_1844] {strides = array<i32>} : memref<256x128xf32, #tpu.memory_space<vmem>>, vector<16xf32>,
        %parallel_loop3A_1846 = arith.index_cast %parallel_loop3A_1799 : i32 to index
        %parallel_loop3A_1847 = arith.constant 16 : index
        %parallel_loop3A_1848 = tpu.vector_load %arg7[%parallel_loop3A_1846, %parallel_loop3A_1847] {strides = array<i32>} : memref<256x128xf32, #tpu.memory_space<vmem>>, vector<16xf32>,
        %parallel_loop3A_1849 = vector.broadcast %parallel_loop3A_1842 : i32 to vector<16xi32>
        %parallel_loop3A_1850 = arith.addi %add3A_52, %parallel_loop3A_1849 : vector<16xi32>
        tpu.vector_store_idx %arg9[%parallel_loop3A_1850], %parallel_loop3A_1845 : memref<8192xf32, #tpu.memory_space<vmem>>[vector<16xi32>], vector<16xf32>,
        %parallel_loop3A_1851 = vector.broadcast %parallel_loop3A_1842 : i32 to vector<16xi32>
        %parallel_loop3A_1852 = arith.addi %add3A_55, %parallel_loop3A_1851 : vector<16xi32>
        tpu.vector_store_idx %arg9[%parallel_loop3A_1852], %parallel_loop3A_1848 : memref<8192xf32, #tpu.memory_space<vmem>>[vector<16xi32>], vector<16xf32>,
      } {sc.loop_unroll_factor = 16 : i64, sc.parallel_access}
      %mul3A_1527 = arith.constant 2 : i32
      %mul3A_1528 = arith.muli %add3A_1518, %mul3A_1527 : i32
      %add3A_1529 = arith.addi %mul3A_2, %mul3A_1528 : i32
      %add3A_1530 = arith.constant 0 : i32
      %add3A_1531 = arith.addi %add3A_1529, %add3A_1530 : i32
      %jit3A_1532 = arith.constant 256 : i32
      %div3A_1533 = arith.divsi %add3A_1531, %jit3A_1532 : i32
      %sign3A_1534 = arith.constant 0 : i32
      %sign3A_1535 = arith.cmpi sgt, %add3A_1531, %sign3A_1534 : i32
      %sign3A_1536 = arith.extui %sign3A_1535 : i1 to i32
      %sign3A_1537 = arith.constant 0 : i32
      %sign3A_1538 = arith.cmpi slt, %add3A_1531, %sign3A_1537 : i32
      %sign3A_1539 = arith.extui %sign3A_1538 : i1 to i32
      %sign3A_1540 = arith.subi %sign3A_1536, %sign3A_1539 : i32
      %sign3A_1541 = arith.constant 0 : i32
      %sign3A_1542 = arith.cmpi sgt, %jit3A_1532, %sign3A_1541 : i32
      %sign3A_1543 = arith.extui %sign3A_1542 : i1 to i32
      %sign3A_1544 = arith.constant 0 : i32
      %sign3A_1545 = arith.cmpi slt, %jit3A_1532, %sign3A_1544 : i32
      %sign3A_1546 = arith.extui %sign3A_1545 : i1 to i32
      %sign3A_1547 = arith.subi %sign3A_1543, %sign3A_1546 : i32
      %ne3A_1548 = arith.cmpi ne, %sign3A_1540, %sign3A_1547 : i32
      %rem3A_1549 = arith.remsi %add3A_1531, %jit3A_1532 : i32
      %ne3A_1550 = arith.constant 0 : i32
      %ne3A_1551 = arith.cmpi ne, %rem3A_1549, %ne3A_1550 : i32
      %and3A_1552 = arith.andi %ne3A_1548, %ne3A_1551 : i1
      %sub3A_1553 = arith.constant 1 : i32
      %sub3A_1554 = arith.subi %div3A_1533, %sub3A_1553 : i32
      %select_n3A_1555 = arith.select %and3A_1552, %sub3A_1554, %div3A_1533 : i32
      %jit3A_1556 = arith.constant 8 : i32
      %div3A_1557 = arith.divsi %add3A_1531, %jit3A_1556 : i32
      %sign3A_1558 = arith.constant 0 : i32
      %sign3A_1559 = arith.cmpi sgt, %add3A_1531, %sign3A_1558 : i32
      %sign3A_1560 = arith.extui %sign3A_1559 : i1 to i32
      %sign3A_1561 = arith.constant 0 : i32
      %sign3A_1562 = arith.cmpi slt, %add3A_1531, %sign3A_1561 : i32
      %sign3A_1563 = arith.extui %sign3A_1562 : i1 to i32
      %sign3A_1564 = arith.subi %sign3A_1560, %sign3A_1563 : i32
      %sign3A_1565 = arith.constant 0 : i32
      %sign3A_1566 = arith.cmpi sgt, %jit3A_1556, %sign3A_1565 : i32
      %sign3A_1567 = arith.extui %sign3A_1566 : i1 to i32
      %sign3A_1568 = arith.constant 0 : i32
      %sign3A_1569 = arith.cmpi slt, %jit3A_1556, %sign3A_1568 : i32
      %sign3A_1570 = arith.extui %sign3A_1569 : i1 to i32
      %sign3A_1571 = arith.subi %sign3A_1567, %sign3A_1570 : i32
      %ne3A_1572 = arith.cmpi ne, %sign3A_1564, %sign3A_1571 : i32
      %rem3A_1573 = arith.remsi %add3A_1531, %jit3A_1556 : i32
      %ne3A_1574 = arith.constant 0 : i32
      %ne3A_1575 = arith.cmpi ne, %rem3A_1573, %ne3A_1574 : i32
      %and3A_1576 = arith.andi %ne3A_1572, %ne3A_1575 : i1
      %sub3A_1577 = arith.constant 1 : i32
      %sub3A_1578 = arith.subi %div3A_1557, %sub3A_1577 : i32
      %select_n3A_1579 = arith.select %and3A_1576, %sub3A_1578, %div3A_1557 : i32
      %jit3A_1580 = arith.constant 32 : i32
      %eq3A_1581 = arith.constant 0 : i32
      %eq3A_1582 = arith.cmpi eq, %jit3A_1580, %eq3A_1581 : i32
      %jit3A_1583 = arith.constant 1 : i32
      %select_n3A_1584 = arith.select %eq3A_1582, %jit3A_1583, %jit3A_1580 : i32
      %rem3A_1585 = arith.remsi %select_n3A_1579, %select_n3A_1584 : i32
      %ne3A_1586 = arith.constant 0 : i32
      %ne3A_1587 = arith.cmpi ne, %rem3A_1585, %ne3A_1586 : i32
      %lt3A_1588 = arith.constant 0 : i32
      %lt3A_1589 = arith.cmpi slt, %rem3A_1585, %lt3A_1588 : i32
      %lt3A_1590 = arith.constant 0 : i32
      %lt3A_1591 = arith.cmpi slt, %select_n3A_1584, %lt3A_1590 : i32
      %ne3A_1592 = arith.xori %lt3A_1589, %lt3A_1591 : i1
      %and3A_1593 = arith.andi %ne3A_1592, %ne3A_1587 : i1
      %add3A_1594 = arith.addi %rem3A_1585, %select_n3A_1584 : i32
      %select_n3A_1595 = arith.select %and3A_1593, %add3A_1594, %rem3A_1585 : i32
      %mul3A_1596 = arith.constant 8 : i32
      %mul3A_1597 = arith.muli %select_n3A_1555, %mul3A_1596 : i32
      %jit3A_1598 = arith.constant 8 : i32
      %eq3A_1599 = arith.constant 0 : i32
      %eq3A_1600 = arith.cmpi eq, %jit3A_1598, %eq3A_1599 : i32
      %jit3A_1601 = arith.constant 1 : i32
      %select_n3A_1602 = arith.select %eq3A_1600, %jit3A_1601, %jit3A_1598 : i32
      %rem3A_1603 = arith.remsi %add3A_1531, %select_n3A_1602 : i32
      %ne3A_1604 = arith.constant 0 : i32
      %ne3A_1605 = arith.cmpi ne, %rem3A_1603, %ne3A_1604 : i32
      %lt3A_1606 = arith.constant 0 : i32
      %lt3A_1607 = arith.cmpi slt, %rem3A_1603, %lt3A_1606 : i32
      %lt3A_1608 = arith.constant 0 : i32
      %lt3A_1609 = arith.cmpi slt, %select_n3A_1602, %lt3A_1608 : i32
      %ne3A_1610 = arith.xori %lt3A_1607, %lt3A_1609 : i1
      %and3A_1611 = arith.andi %ne3A_1610, %ne3A_1605 : i1
      %add3A_1612 = arith.addi %rem3A_1603, %select_n3A_1602 : i32
      %select_n3A_1613 = arith.select %and3A_1611, %add3A_1612, %rem3A_1603 : i32
      %add3A_1614 = arith.addi %mul3A_1597, %select_n3A_1613 : i32
      %dma_start3A_1615 = arith.constant 0 : i32
      %dma_start3A_1616 = arith.constant 0 : i32
      %dma_start3A_1617 = tpu.memref_slice %arg9[%dma_start3A_1616] : memref<8192xf32, #tpu.memory_space<vmem>> -> memref<1024xf32, #tpu.memory_space<vmem>>
      %dma_start3A_1618 = arith.constant 0 : i32
      %dma_start3A_1619 = tpu.memref_slice %arg4[%add3A_1614, %dma_start3A_1615, %select_n3A_1595, %dma_start3A_1618] : memref<200x4x32x1024xf32, #tpu.memory_space<hbm>> -> memref<1x1x1x1024xf32, #tpu.memory_space<hbm>>
      %dma_start3A_1620 = tpu.memref_squeeze %dma_start3A_1619 : memref<1x1x1x1024xf32, #tpu.memory_space<hbm>> -> memref<1024xf32, #tpu.memory_space<hbm>>
      %dma_start3A_1621 = arith.constant 0 : i32
      %dma_start3A_1622 = tpu.memref_slice %arg4[%add3A_1614, %dma_start3A_1615, %select_n3A_1595, %dma_start3A_1621] : memref<200x4x32x1024xf32, #tpu.memory_space<hbm>> -> memref<1x1x1x1024xf32, #tpu.memory_space<hbm>>
      %dma_start3A_1623 = tpu.memref_squeeze %dma_start3A_1622 : memref<1x1x1x1024xf32, #tpu.memory_space<hbm>> -> memref<1024xf32, #tpu.memory_space<hbm>>
      %dma_start3A_1624 = arith.constant 0 : i32
      %dma_start3A_1625 = tpu.memref_slice %arg9[%dma_start3A_1624] : memref<8192xf32, #tpu.memory_space<vmem>> -> memref<1024xf32, #tpu.memory_space<vmem>>
      tpu.enqueue_dma source(%dma_start3A_1625 : memref<1024xf32, #tpu.memory_space<vmem>>) target(%dma_start3A_1623 : memref<1024xf32, #tpu.memory_space<hbm>>) target_semaphore(%arg11 : memref<!tpu.dma_semaphore, #tpu.memory_space<semaphore_mem>>)
      %dma_start3A_1626 = arith.constant 1 : i32
      %dma_start3A_1627 = arith.constant 1024 : i32
      %dma_start3A_1628 = tpu.memref_slice %arg9[%dma_start3A_1627] : memref<8192xf32, #tpu.memory_space<vmem>> -> memref<1024xf32, #tpu.memory_space<vmem>>
      %dma_start3A_1629 = arith.constant 0 : i32
      %dma_start3A_1630 = tpu.memref_slice %arg4[%add3A_1614, %dma_start3A_1626, %select_n3A_1595, %dma_start3A_1629] : memref<200x4x32x1024xf32, #tpu.memory_space<hbm>> -> memref<1x1x1x1024xf32, #tpu.memory_space<hbm>>
      %dma_start3A_1631 = tpu.memref_squeeze %dma_start3A_1630 : memref<1x1x1x1024xf32, #tpu.memory_space<hbm>> -> memref<1024xf32, #tpu.memory_space<hbm>>
      %dma_start3A_1632 = arith.constant 0 : i32
      %dma_start3A_1633 = tpu.memref_slice %arg4[%add3A_1614, %dma_start3A_1626, %select_n3A_1595, %dma_start3A_1632] : memref<200x4x32x1024xf32, #tpu.memory_space<hbm>> -> memref<1x1x1x1024xf32, #tpu.memory_space<hbm>>
      %dma_start3A_1634 = tpu.memref_squeeze %dma_start3A_1633 : memref<1x1x1x1024xf32, #tpu.memory_space<hbm>> -> memref<1024xf32, #tpu.memory_space<hbm>>
      %dma_start3A_1635 = arith.constant 1024 : i32
      %dma_start3A_1636 = tpu.memref_slice %arg9[%dma_start3A_1635] : memref<8192xf32, #tpu.memory_space<vmem>> -> memref<1024xf32, #tpu.memory_space<vmem>>
      tpu.enqueue_dma source(%dma_start3A_1636 : memref<1024xf32, #tpu.memory_space<vmem>>) target(%dma_start3A_1634 : memref<1024xf32, #tpu.memory_space<hbm>>) target_semaphore(%arg11 : memref<!tpu.dma_semaphore, #tpu.memory_space<semaphore_mem>>)
      %dma_start3A_1637 = arith.constant 2 : i32
      %dma_start3A_1638 = arith.constant 2048 : i32
      %dma_start3A_1639 = tpu.memref_slice %arg9[%dma_start3A_1638] : memref<8192xf32, #tpu.memory_space<vmem>> -> memref<1024xf32, #tpu.memory_space<vmem>>
      %dma_start3A_1640 = arith.constant 0 : i32
      %dma_start3A_1641 = tpu.memref_slice %arg4[%add3A_1614, %dma_start3A_1637, %select_n3A_1595, %dma_start3A_1640] : memref<200x4x32x1024xf32, #tpu.memory_space<hbm>> -> memref<1x1x1x1024xf32, #tpu.memory_space<hbm>>
      %dma_start3A_1642 = tpu.memref_squeeze %dma_start3A_1641 : memref<1x1x1x1024xf32, #tpu.memory_space<hbm>> -> memref<1024xf32, #tpu.memory_space<hbm>>
      %dma_start3A_1643 = arith.constant 0 : i32
      %dma_start3A_1644 = tpu.memref_slice %arg4[%add3A_1614, %dma_start3A_1637, %select_n3A_1595, %dma_start3A_1643] : memref<200x4x32x1024xf32, #tpu.memory_space<hbm>> -> memref<1x1x1x1024xf32, #tpu.memory_space<hbm>>
      %dma_start3A_1645 = tpu.memref_squeeze %dma_start3A_1644 : memref<1x1x1x1024xf32, #tpu.memory_space<hbm>> -> memref<1024xf32, #tpu.memory_space<hbm>>
      %dma_start3A_1646 = arith.constant 2048 : i32
      %dma_start3A_1647 = tpu.memref_slice %arg9[%dma_start3A_1646] : memref<8192xf32, #tpu.memory_space<vmem>> -> memref<1024xf32, #tpu.memory_space<vmem>>
      tpu.enqueue_dma source(%dma_start3A_1647 : memref<1024xf32, #tpu.memory_space<vmem>>) target(%dma_start3A_1645 : memref<1024xf32, #tpu.memory_space<hbm>>) target_semaphore(%arg11 : memref<!tpu.dma_semaphore, #tpu.memory_space<semaphore_mem>>)
      %dma_start3A_1648 = arith.constant 3 : i32
      %dma_start3A_1649 = arith.constant 3072 : i32
      %dma_start3A_1650 = tpu.memref_slice %arg9[%dma_start3A_1649] : memref<8192xf32, #tpu.memory_space<vmem>> -> memref<1024xf32, #tpu.memory_space<vmem>>
      %dma_start3A_1651 = arith.constant 0 : i32
      %dma_start3A_1652 = tpu.memref_slice %arg4[%add3A_1614, %dma_start3A_1648, %select_n3A_1595, %dma_start3A_1651] : memref<200x4x32x1024xf32, #tpu.memory_space<hbm>> -> memref<1x1x1x1024xf32, #tpu.memory_space<hbm>>
      %dma_start3A_1653 = tpu.memref_squeeze %dma_start3A_1652 : memref<1x1x1x1024xf32, #tpu.memory_space<hbm>> -> memref<1024xf32, #tpu.memory_space<hbm>>
      %dma_start3A_1654 = arith.constant 0 : i32
      %dma_start3A_1655 = tpu.memref_slice %arg4[%add3A_1614, %dma_start3A_1648, %select_n3A_1595, %dma_start3A_1654] : memref<200x4x32x1024xf32, #tpu.memory_space<hbm>> -> memref<1x1x1x1024xf32, #tpu.memory_space<hbm>>
      %dma_start3A_1656 = tpu.memref_squeeze %dma_start3A_1655 : memref<1x1x1x1024xf32, #tpu.memory_space<hbm>> -> memref<1024xf32, #tpu.memory_space<hbm>>
      %dma_start3A_1657 = arith.constant 3072 : i32
      %dma_start3A_1658 = tpu.memref_slice %arg9[%dma_start3A_1657] : memref<8192xf32, #tpu.memory_space<vmem>> -> memref<1024xf32, #tpu.memory_space<vmem>>
      tpu.enqueue_dma source(%dma_start3A_1658 : memref<1024xf32, #tpu.memory_space<vmem>>) target(%dma_start3A_1656 : memref<1024xf32, #tpu.memory_space<hbm>>) target_semaphore(%arg11 : memref<!tpu.dma_semaphore, #tpu.memory_space<semaphore_mem>>)
      %mul3A_1659 = arith.constant 2 : i32
      %mul3A_1660 = arith.muli %add3A_1518, %mul3A_1659 : i32
      %add3A_1661 = arith.addi %mul3A_2, %mul3A_1660 : i32
      %add3A_1662 = arith.constant 1 : i32
      %add3A_1663 = arith.addi %add3A_1661, %add3A_1662 : i32
      %jit3A_1664 = arith.constant 256 : i32
      %div3A_1665 = arith.divsi %add3A_1663, %jit3A_1664 : i32
      %sign3A_1666 = arith.constant 0 : i32
      %sign3A_1667 = arith.cmpi sgt, %add3A_1663, %sign3A_1666 : i32
      %sign3A_1668 = arith.extui %sign3A_1667 : i1 to i32
      %sign3A_1669 = arith.constant 0 : i32
      %sign3A_1670 = arith.cmpi slt, %add3A_1663, %sign3A_1669 : i32
      %sign3A_1671 = arith.extui %sign3A_1670 : i1 to i32
      %sign3A_1672 = arith.subi %sign3A_1668, %sign3A_1671 : i32
      %sign3A_1673 = arith.constant 0 : i32
      %sign3A_1674 = arith.cmpi sgt, %jit3A_1664, %sign3A_1673 : i32
      %sign3A_1675 = arith.extui %sign3A_1674 : i1 to i32
      %sign3A_1676 = arith.constant 0 : i32
      %sign3A_1677 = arith.cmpi slt, %jit3A_1664, %sign3A_1676 : i32
      %sign3A_1678 = arith.extui %sign3A_1677 : i1 to i32
      %sign3A_1679 = arith.subi %sign3A_1675, %sign3A_1678 : i32
      %ne3A_1680 = arith.cmpi ne, %sign3A_1672, %sign3A_1679 : i32
      %rem3A_1681 = arith.remsi %add3A_1663, %jit3A_1664 : i32
      %ne3A_1682 = arith.constant 0 : i32
      %ne3A_1683 = arith.cmpi ne, %rem3A_1681, %ne3A_1682 : i32
      %and3A_1684 = arith.andi %ne3A_1680, %ne3A_1683 : i1
      %sub3A_1685 = arith.constant 1 : i32
      %sub3A_1686 = arith.subi %div3A_1665, %sub3A_1685 : i32
      %select_n3A_1687 = arith.select %and3A_1684, %sub3A_1686, %div3A_1665 : i32
      %jit3A_1688 = arith.constant 8 : i32
      %div3A_1689 = arith.divsi %add3A_1663, %jit3A_1688 : i32
      %sign3A_1690 = arith.constant 0 : i32
      %sign3A_1691 = arith.cmpi sgt, %add3A_1663, %sign3A_1690 : i32
      %sign3A_1692 = arith.extui %sign3A_1691 : i1 to i32
      %sign3A_1693 = arith.constant 0 : i32
      %sign3A_1694 = arith.cmpi slt, %add3A_1663, %sign3A_1693 : i32
      %sign3A_1695 = arith.extui %sign3A_1694 : i1 to i32
      %sign3A_1696 = arith.subi %sign3A_1692, %sign3A_1695 : i32
      %sign3A_1697 = arith.constant 0 : i32
      %sign3A_1698 = arith.cmpi sgt, %jit3A_1688, %sign3A_1697 : i32
      %sign3A_1699 = arith.extui %sign3A_1698 : i1 to i32
      %sign3A_1700 = arith.constant 0 : i32
      %sign3A_1701 = arith.cmpi slt, %jit3A_1688, %sign3A_1700 : i32
      %sign3A_1702 = arith.extui %sign3A_1701 : i1 to i32
      %sign3A_1703 = arith.subi %sign3A_1699, %sign3A_1702 : i32
      %ne3A_1704 = arith.cmpi ne, %sign3A_1696, %sign3A_1703 : i32
      %rem3A_1705 = arith.remsi %add3A_1663, %jit3A_1688 : i32
      %ne3A_1706 = arith.constant 0 : i32
      %ne3A_1707 = arith.cmpi ne, %rem3A_1705, %ne3A_1706 : i32
      %and3A_1708 = arith.andi %ne3A_1704, %ne3A_1707 : i1
      %sub3A_1709 = arith.constant 1 : i32
      %sub3A_1710 = arith.subi %div3A_1689, %sub3A_1709 : i32
      %select_n3A_1711 = arith.select %and3A_1708, %sub3A_1710, %div3A_1689 : i32
      %jit3A_1712 = arith.constant 32 : i32
      %eq3A_1713 = arith.constant 0 : i32
      %eq3A_1714 = arith.cmpi eq, %jit3A_1712, %eq3A_1713 : i32
      %jit3A_1715 = arith.constant 1 : i32
      %select_n3A_1716 = arith.select %eq3A_1714, %jit3A_1715, %jit3A_1712 : i32
      %rem3A_1717 = arith.remsi %select_n3A_1711, %select_n3A_1716 : i32
      %ne3A_1718 = arith.constant 0 : i32
      %ne3A_1719 = arith.cmpi ne, %rem3A_1717, %ne3A_1718 : i32
      %lt3A_1720 = arith.constant 0 : i32
      %lt3A_1721 = arith.cmpi slt, %rem3A_1717, %lt3A_1720 : i32
      %lt3A_1722 = arith.constant 0 : i32
      %lt3A_1723 = arith.cmpi slt, %select_n3A_1716, %lt3A_1722 : i32
      %ne3A_1724 = arith.xori %lt3A_1721, %lt3A_1723 : i1
      %and3A_1725 = arith.andi %ne3A_1724, %ne3A_1719 : i1
      %add3A_1726 = arith.addi %rem3A_1717, %select_n3A_1716 : i32
      %select_n3A_1727 = arith.select %and3A_1725, %add3A_1726, %rem3A_1717 : i32
      %mul3A_1728 = arith.constant 8 : i32
      %mul3A_1729 = arith.muli %select_n3A_1687, %mul3A_1728 : i32
      %jit3A_1730 = arith.constant 8 : i32
      %eq3A_1731 = arith.constant 0 : i32
      %eq3A_1732 = arith.cmpi eq, %jit3A_1730, %eq3A_1731 : i32
      %jit3A_1733 = arith.constant 1 : i32
      %select_n3A_1734 = arith.select %eq3A_1732, %jit3A_1733, %jit3A_1730 : i32
      %rem3A_1735 = arith.remsi %add3A_1663, %select_n3A_1734 : i32
      %ne3A_1736 = arith.constant 0 : i32
      %ne3A_1737 = arith.cmpi ne, %rem3A_1735, %ne3A_1736 : i32
      %lt3A_1738 = arith.constant 0 : i32
      %lt3A_1739 = arith.cmpi slt, %rem3A_1735, %lt3A_1738 : i32
      %lt3A_1740 = arith.constant 0 : i32
      %lt3A_1741 = arith.cmpi slt, %select_n3A_1734, %lt3A_1740 : i32
      %ne3A_1742 = arith.xori %lt3A_1739, %lt3A_1741 : i1
      %and3A_1743 = arith.andi %ne3A_1742, %ne3A_1737 : i1
      %add3A_1744 = arith.addi %rem3A_1735, %select_n3A_1734 : i32
      %select_n3A_1745 = arith.select %and3A_1743, %add3A_1744, %rem3A_1735 : i32
      %add3A_1746 = arith.addi %mul3A_1729, %select_n3A_1745 : i32
      %dma_start3A_1747 = arith.constant 0 : i32
      %dma_start3A_1748 = arith.constant 4096 : i32
      %dma_start3A_1749 = tpu.memref_slice %arg9[%dma_start3A_1748] : memref<8192xf32, #tpu.memory_space<vmem>> -> memref<1024xf32, #tpu.memory_space<vmem>>
      %dma_start3A_1750 = arith.constant 0 : i32
      %dma_start3A_1751 = tpu.memref_slice %arg4[%add3A_1746, %dma_start3A_1747, %select_n3A_1727, %dma_start3A_1750] : memref<200x4x32x1024xf32, #tpu.memory_space<hbm>> -> memref<1x1x1x1024xf32, #tpu.memory_space<hbm>>
      %dma_start3A_1752 = tpu.memref_squeeze %dma_start3A_1751 : memref<1x1x1x1024xf32, #tpu.memory_space<hbm>> -> memref<1024xf32, #tpu.memory_space<hbm>>
      %dma_start3A_1753 = arith.constant 0 : i32
      %dma_start3A_1754 = tpu.memref_slice %arg4[%add3A_1746, %dma_start3A_1747, %select_n3A_1727, %dma_start3A_1753] : memref<200x4x32x1024xf32, #tpu.memory_space<hbm>> -> memref<1x1x1x1024xf32, #tpu.memory_space<hbm>>
      %dma_start3A_1755 = tpu.memref_squeeze %dma_start3A_1754 : memref<1x1x1x1024xf32, #tpu.memory_space<hbm>> -> memref<1024xf32, #tpu.memory_space<hbm>>
      %dma_start3A_1756 = arith.constant 4096 : i32
      %dma_start3A_1757 = tpu.memref_slice %arg9[%dma_start3A_1756] : memref<8192xf32, #tpu.memory_space<vmem>> -> memref<1024xf32, #tpu.memory_space<vmem>>
      tpu.enqueue_dma source(%dma_start3A_1757 : memref<1024xf32, #tpu.memory_space<vmem>>) target(%dma_start3A_1755 : memref<1024xf32, #tpu.memory_space<hbm>>) target_semaphore(%arg11 : memref<!tpu.dma_semaphore, #tpu.memory_space<semaphore_mem>>)
      %dma_start3A_1758 = arith.constant 1 : i32
      %dma_start3A_1759 = arith.constant 5120 : i32
      %dma_start3A_1760 = tpu.memref_slice %arg9[%dma_start3A_1759] : memref<8192xf32, #tpu.memory_space<vmem>> -> memref<1024xf32, #tpu.memory_space<vmem>>
      %dma_start3A_1761 = arith.constant 0 : i32
      %dma_start3A_1762 = tpu.memref_slice %arg4[%add3A_1746, %dma_start3A_1758, %select_n3A_1727, %dma_start3A_1761] : memref<200x4x32x1024xf32, #tpu.memory_space<hbm>> -> memref<1x1x1x1024xf32, #tpu.memory_space<hbm>>
      %dma_start3A_1763 = tpu.memref_squeeze %dma_start3A_1762 : memref<1x1x1x1024xf32, #tpu.memory_space<hbm>> -> memref<1024xf32, #tpu.memory_space<hbm>>
      %dma_start3A_1764 = arith.constant 0 : i32
      %dma_start3A_1765 = tpu.memref_slice %arg4[%add3A_1746, %dma_start3A_1758, %select_n3A_1727, %dma_start3A_1764] : memref<200x4x32x1024xf32, #tpu.memory_space<hbm>> -> memref<1x1x1x1024xf32, #tpu.memory_space<hbm>>
      %dma_start3A_1766 = tpu.memref_squeeze %dma_start3A_1765 : memref<1x1x1x1024xf32, #tpu.memory_space<hbm>> -> memref<1024xf32, #tpu.memory_space<hbm>>
      %dma_start3A_1767 = arith.constant 5120 : i32
      %dma_start3A_1768 = tpu.memref_slice %arg9[%dma_start3A_1767] : memref<8192xf32, #tpu.memory_space<vmem>> -> memref<1024xf32, #tpu.memory_space<vmem>>
      tpu.enqueue_dma source(%dma_start3A_1768 : memref<1024xf32, #tpu.memory_space<vmem>>) target(%dma_start3A_1766 : memref<1024xf32, #tpu.memory_space<hbm>>) target_semaphore(%arg11 : memref<!tpu.dma_semaphore, #tpu.memory_space<semaphore_mem>>)
      %dma_start3A_1769 = arith.constant 2 : i32
      %dma_start3A_1770 = arith.constant 6144 : i32
      %dma_start3A_1771 = tpu.memref_slice %arg9[%dma_start3A_1770] : memref<8192xf32, #tpu.memory_space<vmem>> -> memref<1024xf32, #tpu.memory_space<vmem>>
      %dma_start3A_1772 = arith.constant 0 : i32
      %dma_start3A_1773 = tpu.memref_slice %arg4[%add3A_1746, %dma_start3A_1769, %select_n3A_1727, %dma_start3A_1772] : memref<200x4x32x1024xf32, #tpu.memory_space<hbm>> -> memref<1x1x1x1024xf32, #tpu.memory_space<hbm>>
      %dma_start3A_1774 = tpu.memref_squeeze %dma_start3A_1773 : memref<1x1x1x1024xf32, #tpu.memory_space<hbm>> -> memref<1024xf32, #tpu.memory_space<hbm>>
      %dma_start3A_1775 = arith.constant 0 : i32
      %dma_start3A_1776 = tpu.memref_slice %arg4[%add3A_1746, %dma_start3A_1769, %select_n3A_1727, %dma_start3A_1775] : memref<200x4x32x1024xf32, #tpu.memory_space<hbm>> -> memref<1x1x1x1024xf32, #tpu.memory_space<hbm>>
      %dma_start3A_1777 = tpu.memref_squeeze %dma_start3A_1776 : memref<1x1x1x1024xf32, #tpu.memory_space<hbm>> -> memref<1024xf32, #tpu.memory_space<hbm>>
      %dma_start3A_1778 = arith.constant 6144 : i32
      %dma_start3A_1779 = tpu.memref_slice %arg9[%dma_start3A_1778] : memref<8192xf32, #tpu.memory_space<vmem>> -> memref<1024xf32, #tpu.memory_space<vmem>>
      tpu.enqueue_dma source(%dma_start3A_1779 : memref<1024xf32, #tpu.memory_space<vmem>>) target(%dma_start3A_1777 : memref<1024xf32, #tpu.memory_space<hbm>>) target_semaphore(%arg11 : memref<!tpu.dma_semaphore, #tpu.memory_space<semaphore_mem>>)
      %dma_start3A_1780 = arith.constant 3 : i32
      %dma_start3A_1781 = arith.constant 7168 : i32
      %dma_start3A_1782 = tpu.memref_slice %arg9[%dma_start3A_1781] : memref<8192xf32, #tpu.memory_space<vmem>> -> memref<1024xf32, #tpu.memory_space<vmem>>
      %dma_start3A_1783 = arith.constant 0 : i32
      %dma_start3A_1784 = tpu.memref_slice %arg4[%add3A_1746, %dma_start3A_1780, %select_n3A_1727, %dma_start3A_1783] : memref<200x4x32x1024xf32, #tpu.memory_space<hbm>> -> memref<1x1x1x1024xf32, #tpu.memory_space<hbm>>
      %dma_start3A_1785 = tpu.memref_squeeze %dma_start3A_1784 : memref<1x1x1x1024xf32, #tpu.memory_space<hbm>> -> memref<1024xf32, #tpu.memory_space<hbm>>
      %dma_start3A_1786 = arith.constant 0 : i32
      %dma_start3A_1787 = tpu.memref_slice %arg4[%add3A_1746, %dma_start3A_1780, %select_n3A_1727, %dma_start3A_1786] : memref<200x4x32x1024xf32, #tpu.memory_space<hbm>> -> memref<1x1x1x1024xf32, #tpu.memory_space<hbm>>
      %dma_start3A_1788 = tpu.memref_squeeze %dma_start3A_1787 : memref<1x1x1x1024xf32, #tpu.memory_space<hbm>> -> memref<1024xf32, #tpu.memory_space<hbm>>
      %dma_start3A_1789 = arith.constant 7168 : i32
      %dma_start3A_1790 = tpu.memref_slice %arg9[%dma_start3A_1789] : memref<8192xf32, #tpu.memory_space<vmem>> -> memref<1024xf32, #tpu.memory_space<vmem>>
      tpu.enqueue_dma source(%dma_start3A_1790 : memref<1024xf32, #tpu.memory_space<vmem>>) target(%dma_start3A_1788 : memref<1024xf32, #tpu.memory_space<hbm>>) target_semaphore(%arg11 : memref<!tpu.dma_semaphore, #tpu.memory_space<semaphore_mem>>)
      %add3A_1791 = arith.constant 3 : i32
      %add3A_1792 = arith.addi %add3A_1212, %add3A_1791 : i32
      %mul3A_1793 = arith.constant 256 : i32
      %mul3A_1794 = arith.muli %add3A_1792, %mul3A_1793 : i32
      %dma_start3A_1795 = tpu.memref_slice %arg5[%mul3A_1794] : memref<25600xi32, #tpu.memory_space<vmem>> -> memref<256xi32, #tpu.memory_space<vmem>>
      %dma_start3A_1796 = arith.constant 0 : i32
      %dma_start3A_1797 = arith.constant 0 : i32
      %dma_start3A_1798 = tpu.memref_slice %arg3[%dma_start3A_1796, %dma_start3A_1797] : memref<1000000x128xf32, #tpu.memory_space<hbm>> -> memref<1000000x128xf32, #tpu.memory_space<hbm>>
      tpu.enqueue_indirect_dma source(%dma_start3A_1798 : memref<1000000x128xf32, #tpu.memory_space<hbm>>) target(%arg7 : memref<256x128xf32, #tpu.memory_space<vmem>>) offsets(%dma_start3A_1795 : memref<256xi32, #tpu.memory_space<vmem>>) semaphore(%arg10 : memref<!tpu.dma_semaphore, #tpu.memory_space<semaphore_mem>>)
    }
    %scan3A_619 = arith.constant 48 : i32
    %dma_wait3A_620 = arith.constant 0 : i32
    %dma_wait3A_621 = arith.constant 0 : i32
    %dma_wait3A_622 = tpu.memref_slice %arg6[%dma_wait3A_620, %dma_wait3A_621] : memref<256x128xf32, #tpu.memory_space<vmem>> -> memref<64x128xf32, #tpu.memory_space<vmem>>
    %dma_wait3A_623 = arith.constant 0 : i32
    %dma_wait3A_624 = arith.constant 0 : i32
    %dma_wait3A_625 = tpu.memref_slice %arg3[%dma_wait3A_623, %dma_wait3A_624] : memref<1000000x128xf32, #tpu.memory_space<hbm>> -> memref<64x128xf32, #tpu.memory_space<hbm>>
    %dma_wait3A_626 = arith.constant 0 : i32
    %dma_wait3A_627 = arith.constant 0 : i32
    %dma_wait3A_628 = tpu.memref_slice %arg6[%dma_wait3A_626, %dma_wait3A_627] : memref<256x128xf32, #tpu.memory_space<vmem>> -> memref<64x128xf32, #tpu.memory_space<vmem>>
    %dma_wait3A_629 = arith.constant 0 : i32
    %dma_wait3A_630 = arith.constant 0 : i32
    %dma_wait3A_631 = tpu.memref_slice %arg3[%dma_wait3A_629, %dma_wait3A_630] : memref<1000000x128xf32, #tpu.memory_space<hbm>> -> memref<64x128xf32, #tpu.memory_space<hbm>>
    tpu.wait_dma2 semaphore(%arg11 : memref<!tpu.dma_semaphore, #tpu.memory_space<semaphore_mem>>) src(%dma_wait3A_631 : memref<64x128xf32, #tpu.memory_space<hbm>>) dst(%dma_wait3A_628 : memref<64x128xf32, #tpu.memory_space<vmem>>)
    %dma_wait3A_632 = arith.constant 0 : i32
    %dma_wait3A_633 = tpu.memref_slice %arg5[%dma_wait3A_632] : memref<25600xi32, #tpu.memory_space<vmem>> -> memref<256xi32, #tpu.memory_space<vmem>>
    %dma_wait3A_634 = arith.constant 0 : i32
    %dma_wait3A_635 = arith.constant 0 : i32
    %dma_wait3A_636 = tpu.memref_slice %arg3[%dma_wait3A_634, %dma_wait3A_635] : memref<1000000x128xf32, #tpu.memory_space<hbm>> -> memref<1000000x128xf32, #tpu.memory_space<hbm>>
    tpu.wait_indirect_dma semaphore(%arg10 : memref<!tpu.dma_semaphore, #tpu.memory_space<semaphore_mem>>) src(%dma_wait3A_636 : memref<1000000x128xf32, #tpu.memory_space<hbm>>) dst(%arg6 : memref<256x128xf32, #tpu.memory_space<vmem>>)
    %parallel_loop3A_637 = arith.constant 0 : i32
    %parallel_loop3A_638 = arith.constant 256 : i32
    %parallel_loop3A_639 = arith.constant 1 : i32
    scf.for %parallel_loop3A_1208 = %parallel_loop3A_637 to %parallel_loop3A_638 step %parallel_loop3A_639  : i32 {
      %parallel_loop3A_1209 = arith.constant 128 : i32
      %parallel_loop3A_1210 = arith.divsi %parallel_loop3A_1208, %parallel_loop3A_1209 : i32
      %parallel_loop3A_1211 = arith.constant 0 : i32
      %parallel_loop3A_1212 = arith.cmpi sgt, %parallel_loop3A_1208, %parallel_loop3A_1211 : i32
      %parallel_loop3A_1213 = arith.extui %parallel_loop3A_1212 : i1 to i32
      %parallel_loop3A_1214 = arith.constant 0 : i32
      %parallel_loop3A_1215 = arith.cmpi slt, %parallel_loop3A_1208, %parallel_loop3A_1214 : i32
      %parallel_loop3A_1216 = arith.extui %parallel_loop3A_1215 : i1 to i32
      %parallel_loop3A_1217 = arith.subi %parallel_loop3A_1213, %parallel_loop3A_1216 : i32
      %parallel_loop3A_1218 = arith.constant 0 : i32
      %parallel_loop3A_1219 = arith.cmpi sgt, %parallel_loop3A_1209, %parallel_loop3A_1218 : i32
      %parallel_loop3A_1220 = arith.extui %parallel_loop3A_1219 : i1 to i32
      %parallel_loop3A_1221 = arith.constant 0 : i32
      %parallel_loop3A_1222 = arith.cmpi slt, %parallel_loop3A_1209, %parallel_loop3A_1221 : i32
      %parallel_loop3A_1223 = arith.extui %parallel_loop3A_1222 : i1 to i32
      %parallel_loop3A_1224 = arith.subi %parallel_loop3A_1220, %parallel_loop3A_1223 : i32
      %parallel_loop3A_1225 = arith.cmpi ne, %parallel_loop3A_1217, %parallel_loop3A_1224 : i32
      %parallel_loop3A_1226 = arith.remsi %parallel_loop3A_1208, %parallel_loop3A_1209 : i32
      %parallel_loop3A_1227 = arith.constant 0 : i32
      %parallel_loop3A_1228 = arith.cmpi ne, %parallel_loop3A_1226, %parallel_loop3A_1227 : i32
      %parallel_loop3A_1229 = arith.andi %parallel_loop3A_1225, %parallel_loop3A_1228 : i1
      %parallel_loop3A_1230 = arith.constant 1 : i32
      %parallel_loop3A_1231 = arith.subi %parallel_loop3A_1210, %parallel_loop3A_1230 : i32
      %parallel_loop3A_1232 = arith.select %parallel_loop3A_1229, %parallel_loop3A_1231, %parallel_loop3A_1210 : i32
      %parallel_loop3A_1233 = arith.constant 4096 : i32
      %parallel_loop3A_1234 = arith.muli %parallel_loop3A_1232, %parallel_loop3A_1233 : i32
      %parallel_loop3A_1235 = arith.constant 128 : i32
      %parallel_loop3A_1236 = arith.constant 0 : i32
      %parallel_loop3A_1237 = arith.cmpi eq, %parallel_loop3A_1235, %parallel_loop3A_1236 : i32
      %parallel_loop3A_1238 = arith.constant 1 : i32
      %parallel_loop3A_1239 = arith.select %parallel_loop3A_1237, %parallel_loop3A_1238, %parallel_loop3A_1235 : i32
      %parallel_loop3A_1240 = arith.remsi %parallel_loop3A_1208, %parallel_loop3A_1239 : i32
      %parallel_loop3A_1241 = arith.constant 0 : i32
      %parallel_loop3A_1242 = arith.cmpi ne, %parallel_loop3A_1240, %parallel_loop3A_1241 : i32
      %parallel_loop3A_1243 = arith.constant 0 : i32
      %parallel_loop3A_1244 = arith.cmpi slt, %parallel_loop3A_1240, %parallel_loop3A_1243 : i32
      %parallel_loop3A_1245 = arith.constant 0 : i32
      %parallel_loop3A_1246 = arith.cmpi slt, %parallel_loop3A_1239, %parallel_loop3A_1245 : i32
      %parallel_loop3A_1247 = arith.xori %parallel_loop3A_1244, %parallel_loop3A_1246 : i1
      %parallel_loop3A_1248 = arith.andi %parallel_loop3A_1247, %parallel_loop3A_1242 : i1
      %parallel_loop3A_1249 = arith.addi %parallel_loop3A_1240, %parallel_loop3A_1239 : i32
      %parallel_loop3A_1250 = arith.select %parallel_loop3A_1248, %parallel_loop3A_1249, %parallel_loop3A_1240 : i32
      %parallel_loop3A_1251 = arith.addi %parallel_loop3A_1234, %parallel_loop3A_1250 : i32
      %parallel_loop3A_1252 = arith.index_cast %parallel_loop3A_1208 : i32 to index
      %parallel_loop3A_1253 = arith.constant 0 : index
      %parallel_loop3A_1254 = tpu.vector_load %arg6[%parallel_loop3A_1252, %parallel_loop3A_1253] {strides = array<i32>} : memref<256x128xf32, #tpu.memory_space<vmem>>, vector<16xf32>,
      %parallel_loop3A_1255 = arith.index_cast %parallel_loop3A_1208 : i32 to index
      %parallel_loop3A_1256 = arith.constant 16 : index
      %parallel_loop3A_1257 = tpu.vector_load %arg6[%parallel_loop3A_1255, %parallel_loop3A_1256] {strides = array<i32>} : memref<256x128xf32, #tpu.memory_space<vmem>>, vector<16xf32>,
      %parallel_loop3A_1258 = vector.broadcast %parallel_loop3A_1251 : i32 to vector<16xi32>
      %parallel_loop3A_1259 = arith.addi %add3A_52, %parallel_loop3A_1258 : vector<16xi32>
      tpu.vector_store_idx %arg8[%parallel_loop3A_1259], %parallel_loop3A_1254 : memref<8192xf32, #tpu.memory_space<vmem>>[vector<16xi32>], vector<16xf32>,
      %parallel_loop3A_1260 = vector.broadcast %parallel_loop3A_1251 : i32 to vector<16xi32>
      %parallel_loop3A_1261 = arith.addi %add3A_55, %parallel_loop3A_1260 : vector<16xi32>
      tpu.vector_store_idx %arg8[%parallel_loop3A_1261], %parallel_loop3A_1257 : memref<8192xf32, #tpu.memory_space<vmem>>[vector<16xi32>], vector<16xf32>,
    } {sc.loop_unroll_factor = 16 : i64, sc.parallel_access}
    %add3A_640 = arith.constant 196 : i32
    %add3A_641 = arith.addi %mul3A_2, %add3A_640 : i32
    %add3A_642 = arith.constant 0 : i32
    %add3A_643 = arith.addi %add3A_641, %add3A_642 : i32
    %jit3A_644 = arith.constant 256 : i32
    %div3A_645 = arith.divsi %add3A_643, %jit3A_644 : i32
    %sign3A_646 = arith.constant 0 : i32
    %sign3A_647 = arith.cmpi sgt, %add3A_643, %sign3A_646 : i32
    %sign3A_648 = arith.extui %sign3A_647 : i1 to i32
    %sign3A_649 = arith.constant 0 : i32
    %sign3A_650 = arith.cmpi slt, %add3A_643, %sign3A_649 : i32
    %sign3A_651 = arith.extui %sign3A_650 : i1 to i32
    %sign3A_652 = arith.subi %sign3A_648, %sign3A_651 : i32
    %sign3A_653 = arith.constant 0 : i32
    %sign3A_654 = arith.cmpi sgt, %jit3A_644, %sign3A_653 : i32
    %sign3A_655 = arith.extui %sign3A_654 : i1 to i32
    %sign3A_656 = arith.constant 0 : i32
    %sign3A_657 = arith.cmpi slt, %jit3A_644, %sign3A_656 : i32
    %sign3A_658 = arith.extui %sign3A_657 : i1 to i32
    %sign3A_659 = arith.subi %sign3A_655, %sign3A_658 : i32
    %ne3A_660 = arith.cmpi ne, %sign3A_652, %sign3A_659 : i32
    %rem3A_661 = arith.remsi %add3A_643, %jit3A_644 : i32
    %ne3A_662 = arith.constant 0 : i32
    %ne3A_663 = arith.cmpi ne, %rem3A_661, %ne3A_662 : i32
    %and3A_664 = arith.andi %ne3A_660, %ne3A_663 : i1
    %sub3A_665 = arith.constant 1 : i32
    %sub3A_666 = arith.subi %div3A_645, %sub3A_665 : i32
    %select_n3A_667 = arith.select %and3A_664, %sub3A_666, %div3A_645 : i32
    %jit3A_668 = arith.constant 8 : i32
    %div3A_669 = arith.divsi %add3A_643, %jit3A_668 : i32
    %sign3A_670 = arith.constant 0 : i32
    %sign3A_671 = arith.cmpi sgt, %add3A_643, %sign3A_670 : i32
    %sign3A_672 = arith.extui %sign3A_671 : i1 to i32
    %sign3A_673 = arith.constant 0 : i32
    %sign3A_674 = arith.cmpi slt, %add3A_643, %sign3A_673 : i32
    %sign3A_675 = arith.extui %sign3A_674 : i1 to i32
    %sign3A_676 = arith.subi %sign3A_672, %sign3A_675 : i32
    %sign3A_677 = arith.constant 0 : i32
    %sign3A_678 = arith.cmpi sgt, %jit3A_668, %sign3A_677 : i32
    %sign3A_679 = arith.extui %sign3A_678 : i1 to i32
    %sign3A_680 = arith.constant 0 : i32
    %sign3A_681 = arith.cmpi slt, %jit3A_668, %sign3A_680 : i32
    %sign3A_682 = arith.extui %sign3A_681 : i1 to i32
    %sign3A_683 = arith.subi %sign3A_679, %sign3A_682 : i32
    %ne3A_684 = arith.cmpi ne, %sign3A_676, %sign3A_683 : i32
    %rem3A_685 = arith.remsi %add3A_643, %jit3A_668 : i32
    %ne3A_686 = arith.constant 0 : i32
    %ne3A_687 = arith.cmpi ne, %rem3A_685, %ne3A_686 : i32
    %and3A_688 = arith.andi %ne3A_684, %ne3A_687 : i1
    %sub3A_689 = arith.constant 1 : i32
    %sub3A_690 = arith.subi %div3A_669, %sub3A_689 : i32
    %select_n3A_691 = arith.select %and3A_688, %sub3A_690, %div3A_669 : i32
    %jit3A_692 = arith.constant 32 : i32
    %eq3A_693 = arith.constant 0 : i32
    %eq3A_694 = arith.cmpi eq, %jit3A_692, %eq3A_693 : i32
    %jit3A_695 = arith.constant 1 : i32
    %select_n3A_696 = arith.select %eq3A_694, %jit3A_695, %jit3A_692 : i32
    %rem3A_697 = arith.remsi %select_n3A_691, %select_n3A_696 : i32
    %ne3A_698 = arith.constant 0 : i32
    %ne3A_699 = arith.cmpi ne, %rem3A_697, %ne3A_698 : i32
    %lt3A_700 = arith.constant 0 : i32
    %lt3A_701 = arith.cmpi slt, %rem3A_697, %lt3A_700 : i32
    %lt3A_702 = arith.constant 0 : i32
    %lt3A_703 = arith.cmpi slt, %select_n3A_696, %lt3A_702 : i32
    %ne3A_704 = arith.xori %lt3A_701, %lt3A_703 : i1
    %and3A_705 = arith.andi %ne3A_704, %ne3A_699 : i1
    %add3A_706 = arith.addi %rem3A_697, %select_n3A_696 : i32
    %select_n3A_707 = arith.select %and3A_705, %add3A_706, %rem3A_697 : i32
    %mul3A_708 = arith.constant 8 : i32
    %mul3A_709 = arith.muli %select_n3A_667, %mul3A_708 : i32
    %jit3A_710 = arith.constant 8 : i32
    %eq3A_711 = arith.constant 0 : i32
    %eq3A_712 = arith.cmpi eq, %jit3A_710, %eq3A_711 : i32
    %jit3A_713 = arith.constant 1 : i32
    %select_n3A_714 = arith.select %eq3A_712, %jit3A_713, %jit3A_710 : i32
    %rem3A_715 = arith.remsi %add3A_643, %select_n3A_714 : i32
    %ne3A_716 = arith.constant 0 : i32
    %ne3A_717 = arith.cmpi ne, %rem3A_715, %ne3A_716 : i32
    %lt3A_718 = arith.constant 0 : i32
    %lt3A_719 = arith.cmpi slt, %rem3A_715, %lt3A_718 : i32
    %lt3A_720 = arith.constant 0 : i32
    %lt3A_721 = arith.cmpi slt, %select_n3A_714, %lt3A_720 : i32
    %ne3A_722 = arith.xori %lt3A_719, %lt3A_721 : i1
    %and3A_723 = arith.andi %ne3A_722, %ne3A_717 : i1
    %add3A_724 = arith.addi %rem3A_715, %select_n3A_714 : i32
    %select_n3A_725 = arith.select %and3A_723, %add3A_724, %rem3A_715 : i32
    %add3A_726 = arith.addi %mul3A_709, %select_n3A_725 : i32
    %dma_start3A_727 = arith.constant 0 : i32
    %dma_start3A_728 = arith.constant 0 : i32
    %dma_start3A_729 = tpu.memref_slice %arg8[%dma_start3A_728] : memref<8192xf32, #tpu.memory_space<vmem>> -> memref<1024xf32, #tpu.memory_space<vmem>>
    %dma_start3A_730 = arith.constant 0 : i32
    %dma_start3A_731 = tpu.memref_slice %arg4[%add3A_726, %dma_start3A_727, %select_n3A_707, %dma_start3A_730] : memref<200x4x32x1024xf32, #tpu.memory_space<hbm>> -> memref<1x1x1x1024xf32, #tpu.memory_space<hbm>>
    %dma_start3A_732 = tpu.memref_squeeze %dma_start3A_731 : memref<1x1x1x1024xf32, #tpu.memory_space<hbm>> -> memref<1024xf32, #tpu.memory_space<hbm>>
    %dma_start3A_733 = arith.constant 0 : i32
    %dma_start3A_734 = tpu.memref_slice %arg4[%add3A_726, %dma_start3A_727, %select_n3A_707, %dma_start3A_733] : memref<200x4x32x1024xf32, #tpu.memory_space<hbm>> -> memref<1x1x1x1024xf32, #tpu.memory_space<hbm>>
    %dma_start3A_735 = tpu.memref_squeeze %dma_start3A_734 : memref<1x1x1x1024xf32, #tpu.memory_space<hbm>> -> memref<1024xf32, #tpu.memory_space<hbm>>
    %dma_start3A_736 = arith.constant 0 : i32
    %dma_start3A_737 = tpu.memref_slice %arg8[%dma_start3A_736] : memref<8192xf32, #tpu.memory_space<vmem>> -> memref<1024xf32, #tpu.memory_space<vmem>>
    tpu.enqueue_dma source(%dma_start3A_737 : memref<1024xf32, #tpu.memory_space<vmem>>) target(%dma_start3A_735 : memref<1024xf32, #tpu.memory_space<hbm>>) target_semaphore(%arg11 : memref<!tpu.dma_semaphore, #tpu.memory_space<semaphore_mem>>)
    %dma_start3A_738 = arith.constant 1 : i32
    %dma_start3A_739 = arith.constant 1024 : i32
    %dma_start3A_740 = tpu.memref_slice %arg8[%dma_start3A_739] : memref<8192xf32, #tpu.memory_space<vmem>> -> memref<1024xf32, #tpu.memory_space<vmem>>
    %dma_start3A_741 = arith.constant 0 : i32
    %dma_start3A_742 = tpu.memref_slice %arg4[%add3A_726, %dma_start3A_738, %select_n3A_707, %dma_start3A_741] : memref<200x4x32x1024xf32, #tpu.memory_space<hbm>> -> memref<1x1x1x1024xf32, #tpu.memory_space<hbm>>
    %dma_start3A_743 = tpu.memref_squeeze %dma_start3A_742 : memref<1x1x1x1024xf32, #tpu.memory_space<hbm>> -> memref<1024xf32, #tpu.memory_space<hbm>>
    %dma_start3A_744 = arith.constant 0 : i32
    %dma_start3A_745 = tpu.memref_slice %arg4[%add3A_726, %dma_start3A_738, %select_n3A_707, %dma_start3A_744] : memref<200x4x32x1024xf32, #tpu.memory_space<hbm>> -> memref<1x1x1x1024xf32, #tpu.memory_space<hbm>>
    %dma_start3A_746 = tpu.memref_squeeze %dma_start3A_745 : memref<1x1x1x1024xf32, #tpu.memory_space<hbm>> -> memref<1024xf32, #tpu.memory_space<hbm>>
    %dma_start3A_747 = arith.constant 1024 : i32
    %dma_start3A_748 = tpu.memref_slice %arg8[%dma_start3A_747] : memref<8192xf32, #tpu.memory_space<vmem>> -> memref<1024xf32, #tpu.memory_space<vmem>>
    tpu.enqueue_dma source(%dma_start3A_748 : memref<1024xf32, #tpu.memory_space<vmem>>) target(%dma_start3A_746 : memref<1024xf32, #tpu.memory_space<hbm>>) target_semaphore(%arg11 : memref<!tpu.dma_semaphore, #tpu.memory_space<semaphore_mem>>)
    %dma_start3A_749 = arith.constant 2 : i32
    %dma_start3A_750 = arith.constant 2048 : i32
    %dma_start3A_751 = tpu.memref_slice %arg8[%dma_start3A_750] : memref<8192xf32, #tpu.memory_space<vmem>> -> memref<1024xf32, #tpu.memory_space<vmem>>
    %dma_start3A_752 = arith.constant 0 : i32
    %dma_start3A_753 = tpu.memref_slice %arg4[%add3A_726, %dma_start3A_749, %select_n3A_707, %dma_start3A_752] : memref<200x4x32x1024xf32, #tpu.memory_space<hbm>> -> memref<1x1x1x1024xf32, #tpu.memory_space<hbm>>
    %dma_start3A_754 = tpu.memref_squeeze %dma_start3A_753 : memref<1x1x1x1024xf32, #tpu.memory_space<hbm>> -> memref<1024xf32, #tpu.memory_space<hbm>>
    %dma_start3A_755 = arith.constant 0 : i32
    %dma_start3A_756 = tpu.memref_slice %arg4[%add3A_726, %dma_start3A_749, %select_n3A_707, %dma_start3A_755] : memref<200x4x32x1024xf32, #tpu.memory_space<hbm>> -> memref<1x1x1x1024xf32, #tpu.memory_space<hbm>>
    %dma_start3A_757 = tpu.memref_squeeze %dma_start3A_756 : memref<1x1x1x1024xf32, #tpu.memory_space<hbm>> -> memref<1024xf32, #tpu.memory_space<hbm>>
    %dma_start3A_758 = arith.constant 2048 : i32
    %dma_start3A_759 = tpu.memref_slice %arg8[%dma_start3A_758] : memref<8192xf32, #tpu.memory_space<vmem>> -> memref<1024xf32, #tpu.memory_space<vmem>>
    tpu.enqueue_dma source(%dma_start3A_759 : memref<1024xf32, #tpu.memory_space<vmem>>) target(%dma_start3A_757 : memref<1024xf32, #tpu.memory_space<hbm>>) target_semaphore(%arg11 : memref<!tpu.dma_semaphore, #tpu.memory_space<semaphore_mem>>)
    %dma_start3A_760 = arith.constant 3 : i32
    %dma_start3A_761 = arith.constant 3072 : i32
    %dma_start3A_762 = tpu.memref_slice %arg8[%dma_start3A_761] : memref<8192xf32, #tpu.memory_space<vmem>> -> memref<1024xf32, #tpu.memory_space<vmem>>
    %dma_start3A_763 = arith.constant 0 : i32
    %dma_start3A_764 = tpu.memref_slice %arg4[%add3A_726, %dma_start3A_760, %select_n3A_707, %dma_start3A_763] : memref<200x4x32x1024xf32, #tpu.memory_space<hbm>> -> memref<1x1x1x1024xf32, #tpu.memory_space<hbm>>
    %dma_start3A_765 = tpu.memref_squeeze %dma_start3A_764 : memref<1x1x1x1024xf32, #tpu.memory_space<hbm>> -> memref<1024xf32, #tpu.memory_space<hbm>>
    %dma_start3A_766 = arith.constant 0 : i32
    %dma_start3A_767 = tpu.memref_slice %arg4[%add3A_726, %dma_start3A_760, %select_n3A_707, %dma_start3A_766] : memref<200x4x32x1024xf32, #tpu.memory_space<hbm>> -> memref<1x1x1x1024xf32, #tpu.memory_space<hbm>>
    %dma_start3A_768 = tpu.memref_squeeze %dma_start3A_767 : memref<1x1x1x1024xf32, #tpu.memory_space<hbm>> -> memref<1024xf32, #tpu.memory_space<hbm>>
    %dma_start3A_769 = arith.constant 3072 : i32
    %dma_start3A_770 = tpu.memref_slice %arg8[%dma_start3A_769] : memref<8192xf32, #tpu.memory_space<vmem>> -> memref<1024xf32, #tpu.memory_space<vmem>>
    tpu.enqueue_dma source(%dma_start3A_770 : memref<1024xf32, #tpu.memory_space<vmem>>) target(%dma_start3A_768 : memref<1024xf32, #tpu.memory_space<hbm>>) target_semaphore(%arg11 : memref<!tpu.dma_semaphore, #tpu.memory_space<semaphore_mem>>)
    %add3A_771 = arith.constant 196 : i32
    %add3A_772 = arith.addi %mul3A_2, %add3A_771 : i32
    %add3A_773 = arith.constant 1 : i32
    %add3A_774 = arith.addi %add3A_772, %add3A_773 : i32
    %jit3A_775 = arith.constant 256 : i32
    %div3A_776 = arith.divsi %add3A_774, %jit3A_775 : i32
    %sign3A_777 = arith.constant 0 : i32
    %sign3A_778 = arith.cmpi sgt, %add3A_774, %sign3A_777 : i32
    %sign3A_779 = arith.extui %sign3A_778 : i1 to i32
    %sign3A_780 = arith.constant 0 : i32
    %sign3A_781 = arith.cmpi slt, %add3A_774, %sign3A_780 : i32
    %sign3A_782 = arith.extui %sign3A_781 : i1 to i32
    %sign3A_783 = arith.subi %sign3A_779, %sign3A_782 : i32
    %sign3A_784 = arith.constant 0 : i32
    %sign3A_785 = arith.cmpi sgt, %jit3A_775, %sign3A_784 : i32
    %sign3A_786 = arith.extui %sign3A_785 : i1 to i32
    %sign3A_787 = arith.constant 0 : i32
    %sign3A_788 = arith.cmpi slt, %jit3A_775, %sign3A_787 : i32
    %sign3A_789 = arith.extui %sign3A_788 : i1 to i32
    %sign3A_790 = arith.subi %sign3A_786, %sign3A_789 : i32
    %ne3A_791 = arith.cmpi ne, %sign3A_783, %sign3A_790 : i32
    %rem3A_792 = arith.remsi %add3A_774, %jit3A_775 : i32
    %ne3A_793 = arith.constant 0 : i32
    %ne3A_794 = arith.cmpi ne, %rem3A_792, %ne3A_793 : i32
    %and3A_795 = arith.andi %ne3A_791, %ne3A_794 : i1
    %sub3A_796 = arith.constant 1 : i32
    %sub3A_797 = arith.subi %div3A_776, %sub3A_796 : i32
    %select_n3A_798 = arith.select %and3A_795, %sub3A_797, %div3A_776 : i32
    %jit3A_799 = arith.constant 8 : i32
    %div3A_800 = arith.divsi %add3A_774, %jit3A_799 : i32
    %sign3A_801 = arith.constant 0 : i32
    %sign3A_802 = arith.cmpi sgt, %add3A_774, %sign3A_801 : i32
    %sign3A_803 = arith.extui %sign3A_802 : i1 to i32
    %sign3A_804 = arith.constant 0 : i32
    %sign3A_805 = arith.cmpi slt, %add3A_774, %sign3A_804 : i32
    %sign3A_806 = arith.extui %sign3A_805 : i1 to i32
    %sign3A_807 = arith.subi %sign3A_803, %sign3A_806 : i32
    %sign3A_808 = arith.constant 0 : i32
    %sign3A_809 = arith.cmpi sgt, %jit3A_799, %sign3A_808 : i32
    %sign3A_810 = arith.extui %sign3A_809 : i1 to i32
    %sign3A_811 = arith.constant 0 : i32
    %sign3A_812 = arith.cmpi slt, %jit3A_799, %sign3A_811 : i32
    %sign3A_813 = arith.extui %sign3A_812 : i1 to i32
    %sign3A_814 = arith.subi %sign3A_810, %sign3A_813 : i32
    %ne3A_815 = arith.cmpi ne, %sign3A_807, %sign3A_814 : i32
    %rem3A_816 = arith.remsi %add3A_774, %jit3A_799 : i32
    %ne3A_817 = arith.constant 0 : i32
    %ne3A_818 = arith.cmpi ne, %rem3A_816, %ne3A_817 : i32
    %and3A_819 = arith.andi %ne3A_815, %ne3A_818 : i1
    %sub3A_820 = arith.constant 1 : i32
    %sub3A_821 = arith.subi %div3A_800, %sub3A_820 : i32
    %select_n3A_822 = arith.select %and3A_819, %sub3A_821, %div3A_800 : i32
    %jit3A_823 = arith.constant 32 : i32
    %eq3A_824 = arith.constant 0 : i32
    %eq3A_825 = arith.cmpi eq, %jit3A_823, %eq3A_824 : i32
    %jit3A_826 = arith.constant 1 : i32
    %select_n3A_827 = arith.select %eq3A_825, %jit3A_826, %jit3A_823 : i32
    %rem3A_828 = arith.remsi %select_n3A_822, %select_n3A_827 : i32
    %ne3A_829 = arith.constant 0 : i32
    %ne3A_830 = arith.cmpi ne, %rem3A_828, %ne3A_829 : i32
    %lt3A_831 = arith.constant 0 : i32
    %lt3A_832 = arith.cmpi slt, %rem3A_828, %lt3A_831 : i32
    %lt3A_833 = arith.constant 0 : i32
    %lt3A_834 = arith.cmpi slt, %select_n3A_827, %lt3A_833 : i32
    %ne3A_835 = arith.xori %lt3A_832, %lt3A_834 : i1
    %and3A_836 = arith.andi %ne3A_835, %ne3A_830 : i1
    %add3A_837 = arith.addi %rem3A_828, %select_n3A_827 : i32
    %select_n3A_838 = arith.select %and3A_836, %add3A_837, %rem3A_828 : i32
    %mul3A_839 = arith.constant 8 : i32
    %mul3A_840 = arith.muli %select_n3A_798, %mul3A_839 : i32
    %jit3A_841 = arith.constant 8 : i32
    %eq3A_842 = arith.constant 0 : i32
    %eq3A_843 = arith.cmpi eq, %jit3A_841, %eq3A_842 : i32
    %jit3A_844 = arith.constant 1 : i32
    %select_n3A_845 = arith.select %eq3A_843, %jit3A_844, %jit3A_841 : i32
    %rem3A_846 = arith.remsi %add3A_774, %select_n3A_845 : i32
    %ne3A_847 = arith.constant 0 : i32
    %ne3A_848 = arith.cmpi ne, %rem3A_846, %ne3A_847 : i32
    %lt3A_849 = arith.constant 0 : i32
    %lt3A_850 = arith.cmpi slt, %rem3A_846, %lt3A_849 : i32
    %lt3A_851 = arith.constant 0 : i32
    %lt3A_852 = arith.cmpi slt, %select_n3A_845, %lt3A_851 : i32
    %ne3A_853 = arith.xori %lt3A_850, %lt3A_852 : i1
    %and3A_854 = arith.andi %ne3A_853, %ne3A_848 : i1
    %add3A_855 = arith.addi %rem3A_846, %select_n3A_845 : i32
    %select_n3A_856 = arith.select %and3A_854, %add3A_855, %rem3A_846 : i32
    %add3A_857 = arith.addi %mul3A_840, %select_n3A_856 : i32
    %dma_start3A_858 = arith.constant 0 : i32
    %dma_start3A_859 = arith.constant 4096 : i32
    %dma_start3A_860 = tpu.memref_slice %arg8[%dma_start3A_859] : memref<8192xf32, #tpu.memory_space<vmem>> -> memref<1024xf32, #tpu.memory_space<vmem>>
    %dma_start3A_861 = arith.constant 0 : i32
    %dma_start3A_862 = tpu.memref_slice %arg4[%add3A_857, %dma_start3A_858, %select_n3A_838, %dma_start3A_861] : memref<200x4x32x1024xf32, #tpu.memory_space<hbm>> -> memref<1x1x1x1024xf32, #tpu.memory_space<hbm>>
    %dma_start3A_863 = tpu.memref_squeeze %dma_start3A_862 : memref<1x1x1x1024xf32, #tpu.memory_space<hbm>> -> memref<1024xf32, #tpu.memory_space<hbm>>
    %dma_start3A_864 = arith.constant 0 : i32
    %dma_start3A_865 = tpu.memref_slice %arg4[%add3A_857, %dma_start3A_858, %select_n3A_838, %dma_start3A_864] : memref<200x4x32x1024xf32, #tpu.memory_space<hbm>> -> memref<1x1x1x1024xf32, #tpu.memory_space<hbm>>
    %dma_start3A_866 = tpu.memref_squeeze %dma_start3A_865 : memref<1x1x1x1024xf32, #tpu.memory_space<hbm>> -> memref<1024xf32, #tpu.memory_space<hbm>>
    %dma_start3A_867 = arith.constant 4096 : i32
    %dma_start3A_868 = tpu.memref_slice %arg8[%dma_start3A_867] : memref<8192xf32, #tpu.memory_space<vmem>> -> memref<1024xf32, #tpu.memory_space<vmem>>
    tpu.enqueue_dma source(%dma_start3A_868 : memref<1024xf32, #tpu.memory_space<vmem>>) target(%dma_start3A_866 : memref<1024xf32, #tpu.memory_space<hbm>>) target_semaphore(%arg11 : memref<!tpu.dma_semaphore, #tpu.memory_space<semaphore_mem>>)
    %dma_start3A_869 = arith.constant 1 : i32
    %dma_start3A_870 = arith.constant 5120 : i32
    %dma_start3A_871 = tpu.memref_slice %arg8[%dma_start3A_870] : memref<8192xf32, #tpu.memory_space<vmem>> -> memref<1024xf32, #tpu.memory_space<vmem>>
    %dma_start3A_872 = arith.constant 0 : i32
    %dma_start3A_873 = tpu.memref_slice %arg4[%add3A_857, %dma_start3A_869, %select_n3A_838, %dma_start3A_872] : memref<200x4x32x1024xf32, #tpu.memory_space<hbm>> -> memref<1x1x1x1024xf32, #tpu.memory_space<hbm>>
    %dma_start3A_874 = tpu.memref_squeeze %dma_start3A_873 : memref<1x1x1x1024xf32, #tpu.memory_space<hbm>> -> memref<1024xf32, #tpu.memory_space<hbm>>
    %dma_start3A_875 = arith.constant 0 : i32
    %dma_start3A_876 = tpu.memref_slice %arg4[%add3A_857, %dma_start3A_869, %select_n3A_838, %dma_start3A_875] : memref<200x4x32x1024xf32, #tpu.memory_space<hbm>> -> memref<1x1x1x1024xf32, #tpu.memory_space<hbm>>
    %dma_start3A_877 = tpu.memref_squeeze %dma_start3A_876 : memref<1x1x1x1024xf32, #tpu.memory_space<hbm>> -> memref<1024xf32, #tpu.memory_space<hbm>>
    %dma_start3A_878 = arith.constant 5120 : i32
    %dma_start3A_879 = tpu.memref_slice %arg8[%dma_start3A_878] : memref<8192xf32, #tpu.memory_space<vmem>> -> memref<1024xf32, #tpu.memory_space<vmem>>
    tpu.enqueue_dma source(%dma_start3A_879 : memref<1024xf32, #tpu.memory_space<vmem>>) target(%dma_start3A_877 : memref<1024xf32, #tpu.memory_space<hbm>>) target_semaphore(%arg11 : memref<!tpu.dma_semaphore, #tpu.memory_space<semaphore_mem>>)
    %dma_start3A_880 = arith.constant 2 : i32
    %dma_start3A_881 = arith.constant 6144 : i32
    %dma_start3A_882 = tpu.memref_slice %arg8[%dma_start3A_881] : memref<8192xf32, #tpu.memory_space<vmem>> -> memref<1024xf32, #tpu.memory_space<vmem>>
    %dma_start3A_883 = arith.constant 0 : i32
    %dma_start3A_884 = tpu.memref_slice %arg4[%add3A_857, %dma_start3A_880, %select_n3A_838, %dma_start3A_883] : memref<200x4x32x1024xf32, #tpu.memory_space<hbm>> -> memref<1x1x1x1024xf32, #tpu.memory_space<hbm>>
    %dma_start3A_885 = tpu.memref_squeeze %dma_start3A_884 : memref<1x1x1x1024xf32, #tpu.memory_space<hbm>> -> memref<1024xf32, #tpu.memory_space<hbm>>
    %dma_start3A_886 = arith.constant 0 : i32
    %dma_start3A_887 = tpu.memref_slice %arg4[%add3A_857, %dma_start3A_880, %select_n3A_838, %dma_start3A_886] : memref<200x4x32x1024xf32, #tpu.memory_space<hbm>> -> memref<1x1x1x1024xf32, #tpu.memory_space<hbm>>
    %dma_start3A_888 = tpu.memref_squeeze %dma_start3A_887 : memref<1x1x1x1024xf32, #tpu.memory_space<hbm>> -> memref<1024xf32, #tpu.memory_space<hbm>>
    %dma_start3A_889 = arith.constant 6144 : i32
    %dma_start3A_890 = tpu.memref_slice %arg8[%dma_start3A_889] : memref<8192xf32, #tpu.memory_space<vmem>> -> memref<1024xf32, #tpu.memory_space<vmem>>
    tpu.enqueue_dma source(%dma_start3A_890 : memref<1024xf32, #tpu.memory_space<vmem>>) target(%dma_start3A_888 : memref<1024xf32, #tpu.memory_space<hbm>>) target_semaphore(%arg11 : memref<!tpu.dma_semaphore, #tpu.memory_space<semaphore_mem>>)
    %dma_start3A_891 = arith.constant 3 : i32
    %dma_start3A_892 = arith.constant 7168 : i32
    %dma_start3A_893 = tpu.memref_slice %arg8[%dma_start3A_892] : memref<8192xf32, #tpu.memory_space<vmem>> -> memref<1024xf32, #tpu.memory_space<vmem>>
    %dma_start3A_894 = arith.constant 0 : i32
    %dma_start3A_895 = tpu.memref_slice %arg4[%add3A_857, %dma_start3A_891, %select_n3A_838, %dma_start3A_894] : memref<200x4x32x1024xf32, #tpu.memory_space<hbm>> -> memref<1x1x1x1024xf32, #tpu.memory_space<hbm>>
    %dma_start3A_896 = tpu.memref_squeeze %dma_start3A_895 : memref<1x1x1x1024xf32, #tpu.memory_space<hbm>> -> memref<1024xf32, #tpu.memory_space<hbm>>
    %dma_start3A_897 = arith.constant 0 : i32
    %dma_start3A_898 = tpu.memref_slice %arg4[%add3A_857, %dma_start3A_891, %select_n3A_838, %dma_start3A_897] : memref<200x4x32x1024xf32, #tpu.memory_space<hbm>> -> memref<1x1x1x1024xf32, #tpu.memory_space<hbm>>
    %dma_start3A_899 = tpu.memref_squeeze %dma_start3A_898 : memref<1x1x1x1024xf32, #tpu.memory_space<hbm>> -> memref<1024xf32, #tpu.memory_space<hbm>>
    %dma_start3A_900 = arith.constant 7168 : i32
    %dma_start3A_901 = tpu.memref_slice %arg8[%dma_start3A_900] : memref<8192xf32, #tpu.memory_space<vmem>> -> memref<1024xf32, #tpu.memory_space<vmem>>
    tpu.enqueue_dma source(%dma_start3A_901 : memref<1024xf32, #tpu.memory_space<vmem>>) target(%dma_start3A_899 : memref<1024xf32, #tpu.memory_space<hbm>>) target_semaphore(%arg11 : memref<!tpu.dma_semaphore, #tpu.memory_space<semaphore_mem>>)
    %dma_wait3A_902 = arith.constant 0 : i32
    %dma_wait3A_903 = arith.constant 0 : i32
    %dma_wait3A_904 = tpu.memref_slice %arg6[%dma_wait3A_902, %dma_wait3A_903] : memref<256x128xf32, #tpu.memory_space<vmem>> -> memref<64x128xf32, #tpu.memory_space<vmem>>
    %dma_wait3A_905 = arith.constant 0 : i32
    %dma_wait3A_906 = arith.constant 0 : i32
    %dma_wait3A_907 = tpu.memref_slice %arg3[%dma_wait3A_905, %dma_wait3A_906] : memref<1000000x128xf32, #tpu.memory_space<hbm>> -> memref<64x128xf32, #tpu.memory_space<hbm>>
    %dma_wait3A_908 = arith.constant 0 : i32
    %dma_wait3A_909 = arith.constant 0 : i32
    %dma_wait3A_910 = tpu.memref_slice %arg6[%dma_wait3A_908, %dma_wait3A_909] : memref<256x128xf32, #tpu.memory_space<vmem>> -> memref<64x128xf32, #tpu.memory_space<vmem>>
    %dma_wait3A_911 = arith.constant 0 : i32
    %dma_wait3A_912 = arith.constant 0 : i32
    %dma_wait3A_913 = tpu.memref_slice %arg3[%dma_wait3A_911, %dma_wait3A_912] : memref<1000000x128xf32, #tpu.memory_space<hbm>> -> memref<64x128xf32, #tpu.memory_space<hbm>>
    tpu.wait_dma2 semaphore(%arg11 : memref<!tpu.dma_semaphore, #tpu.memory_space<semaphore_mem>>) src(%dma_wait3A_913 : memref<64x128xf32, #tpu.memory_space<hbm>>) dst(%dma_wait3A_910 : memref<64x128xf32, #tpu.memory_space<vmem>>)
    %dma_wait3A_914 = arith.constant 0 : i32
    %dma_wait3A_915 = tpu.memref_slice %arg5[%dma_wait3A_914] : memref<25600xi32, #tpu.memory_space<vmem>> -> memref<256xi32, #tpu.memory_space<vmem>>
    %dma_wait3A_916 = arith.constant 0 : i32
    %dma_wait3A_917 = arith.constant 0 : i32
    %dma_wait3A_918 = tpu.memref_slice %arg3[%dma_wait3A_916, %dma_wait3A_917] : memref<1000000x128xf32, #tpu.memory_space<hbm>> -> memref<1000000x128xf32, #tpu.memory_space<hbm>>
    tpu.wait_indirect_dma semaphore(%arg10 : memref<!tpu.dma_semaphore, #tpu.memory_space<semaphore_mem>>) src(%dma_wait3A_918 : memref<1000000x128xf32, #tpu.memory_space<hbm>>) dst(%arg7 : memref<256x128xf32, #tpu.memory_space<vmem>>)
    %parallel_loop3A_919 = arith.constant 0 : i32
    %parallel_loop3A_920 = arith.constant 256 : i32
    %parallel_loop3A_921 = arith.constant 1 : i32
    scf.for %parallel_loop3A_1208 = %parallel_loop3A_919 to %parallel_loop3A_920 step %parallel_loop3A_921  : i32 {
      %parallel_loop3A_1209 = arith.constant 128 : i32
      %parallel_loop3A_1210 = arith.divsi %parallel_loop3A_1208, %parallel_loop3A_1209 : i32
      %parallel_loop3A_1211 = arith.constant 0 : i32
      %parallel_loop3A_1212 = arith.cmpi sgt, %parallel_loop3A_1208, %parallel_loop3A_1211 : i32
      %parallel_loop3A_1213 = arith.extui %parallel_loop3A_1212 : i1 to i32
      %parallel_loop3A_1214 = arith.constant 0 : i32
      %parallel_loop3A_1215 = arith.cmpi slt, %parallel_loop3A_1208, %parallel_loop3A_1214 : i32
      %parallel_loop3A_1216 = arith.extui %parallel_loop3A_1215 : i1 to i32
      %parallel_loop3A_1217 = arith.subi %parallel_loop3A_1213, %parallel_loop3A_1216 : i32
      %parallel_loop3A_1218 = arith.constant 0 : i32
      %parallel_loop3A_1219 = arith.cmpi sgt, %parallel_loop3A_1209, %parallel_loop3A_1218 : i32
      %parallel_loop3A_1220 = arith.extui %parallel_loop3A_1219 : i1 to i32
      %parallel_loop3A_1221 = arith.constant 0 : i32
      %parallel_loop3A_1222 = arith.cmpi slt, %parallel_loop3A_1209, %parallel_loop3A_1221 : i32
      %parallel_loop3A_1223 = arith.extui %parallel_loop3A_1222 : i1 to i32
      %parallel_loop3A_1224 = arith.subi %parallel_loop3A_1220, %parallel_loop3A_1223 : i32
      %parallel_loop3A_1225 = arith.cmpi ne, %parallel_loop3A_1217, %parallel_loop3A_1224 : i32
      %parallel_loop3A_1226 = arith.remsi %parallel_loop3A_1208, %parallel_loop3A_1209 : i32
      %parallel_loop3A_1227 = arith.constant 0 : i32
      %parallel_loop3A_1228 = arith.cmpi ne, %parallel_loop3A_1226, %parallel_loop3A_1227 : i32
      %parallel_loop3A_1229 = arith.andi %parallel_loop3A_1225, %parallel_loop3A_1228 : i1
      %parallel_loop3A_1230 = arith.constant 1 : i32
      %parallel_loop3A_1231 = arith.subi %parallel_loop3A_1210, %parallel_loop3A_1230 : i32
      %parallel_loop3A_1232 = arith.select %parallel_loop3A_1229, %parallel_loop3A_1231, %parallel_loop3A_1210 : i32
      %parallel_loop3A_1233 = arith.constant 4096 : i32
      %parallel_loop3A_1234 = arith.muli %parallel_loop3A_1232, %parallel_loop3A_1233 : i32
      %parallel_loop3A_1235 = arith.constant 128 : i32
      %parallel_loop3A_1236 = arith.constant 0 : i32
      %parallel_loop3A_1237 = arith.cmpi eq, %parallel_loop3A_1235, %parallel_loop3A_1236 : i32
      %parallel_loop3A_1238 = arith.constant 1 : i32
      %parallel_loop3A_1239 = arith.select %parallel_loop3A_1237, %parallel_loop3A_1238, %parallel_loop3A_1235 : i32
      %parallel_loop3A_1240 = arith.remsi %parallel_loop3A_1208, %parallel_loop3A_1239 : i32
      %parallel_loop3A_1241 = arith.constant 0 : i32
      %parallel_loop3A_1242 = arith.cmpi ne, %parallel_loop3A_1240, %parallel_loop3A_1241 : i32
      %parallel_loop3A_1243 = arith.constant 0 : i32
      %parallel_loop3A_1244 = arith.cmpi slt, %parallel_loop3A_1240, %parallel_loop3A_1243 : i32
      %parallel_loop3A_1245 = arith.constant 0 : i32
      %parallel_loop3A_1246 = arith.cmpi slt, %parallel_loop3A_1239, %parallel_loop3A_1245 : i32
      %parallel_loop3A_1247 = arith.xori %parallel_loop3A_1244, %parallel_loop3A_1246 : i1
      %parallel_loop3A_1248 = arith.andi %parallel_loop3A_1247, %parallel_loop3A_1242 : i1
      %parallel_loop3A_1249 = arith.addi %parallel_loop3A_1240, %parallel_loop3A_1239 : i32
      %parallel_loop3A_1250 = arith.select %parallel_loop3A_1248, %parallel_loop3A_1249, %parallel_loop3A_1240 : i32
      %parallel_loop3A_1251 = arith.addi %parallel_loop3A_1234, %parallel_loop3A_1250 : i32
      %parallel_loop3A_1252 = arith.index_cast %parallel_loop3A_1208 : i32 to index
      %parallel_loop3A_1253 = arith.constant 0 : index
      %parallel_loop3A_1254 = tpu.vector_load %arg7[%parallel_loop3A_1252, %parallel_loop3A_1253] {strides = array<i32>} : memref<256x128xf32, #tpu.memory_space<vmem>>, vector<16xf32>,
      %parallel_loop3A_1255 = arith.index_cast %parallel_loop3A_1208 : i32 to index
      %parallel_loop3A_1256 = arith.constant 16 : index
      %parallel_loop3A_1257 = tpu.vector_load %arg7[%parallel_loop3A_1255, %parallel_loop3A_1256] {strides = array<i32>} : memref<256x128xf32, #tpu.memory_space<vmem>>, vector<16xf32>,
      %parallel_loop3A_1258 = vector.broadcast %parallel_loop3A_1251 : i32 to vector<16xi32>
      %parallel_loop3A_1259 = arith.addi %add3A_52, %parallel_loop3A_1258 : vector<16xi32>
      tpu.vector_store_idx %arg9[%parallel_loop3A_1259], %parallel_loop3A_1254 : memref<8192xf32, #tpu.memory_space<vmem>>[vector<16xi32>], vector<16xf32>,
      %parallel_loop3A_1260 = vector.broadcast %parallel_loop3A_1251 : i32 to vector<16xi32>
      %parallel_loop3A_1261 = arith.addi %add3A_55, %parallel_loop3A_1260 : vector<16xi32>
      tpu.vector_store_idx %arg9[%parallel_loop3A_1261], %parallel_loop3A_1257 : memref<8192xf32, #tpu.memory_space<vmem>>[vector<16xi32>], vector<16xf32>,
    } {sc.loop_unroll_factor = 16 : i64, sc.parallel_access}
    %add3A_922 = arith.constant 198 : i32
    %add3A_923 = arith.addi %mul3A_2, %add3A_922 : i32
    %add3A_924 = arith.constant 0 : i32
    %add3A_925 = arith.addi %add3A_923, %add3A_924 : i32
    %jit3A_926 = arith.constant 256 : i32
    %div3A_927 = arith.divsi %add3A_925, %jit3A_926 : i32
    %sign3A_928 = arith.constant 0 : i32
    %sign3A_929 = arith.cmpi sgt, %add3A_925, %sign3A_928 : i32
    %sign3A_930 = arith.extui %sign3A_929 : i1 to i32
    %sign3A_931 = arith.constant 0 : i32
    %sign3A_932 = arith.cmpi slt, %add3A_925, %sign3A_931 : i32
    %sign3A_933 = arith.extui %sign3A_932 : i1 to i32
    %sign3A_934 = arith.subi %sign3A_930, %sign3A_933 : i32
    %sign3A_935 = arith.constant 0 : i32
    %sign3A_936 = arith.cmpi sgt, %jit3A_926, %sign3A_935 : i32
    %sign3A_937 = arith.extui %sign3A_936 : i1 to i32
    %sign3A_938 = arith.constant 0 : i32
    %sign3A_939 = arith.cmpi slt, %jit3A_926, %sign3A_938 : i32
    %sign3A_940 = arith.extui %sign3A_939 : i1 to i32
    %sign3A_941 = arith.subi %sign3A_937, %sign3A_940 : i32
    %ne3A_942 = arith.cmpi ne, %sign3A_934, %sign3A_941 : i32
    %rem3A_943 = arith.remsi %add3A_925, %jit3A_926 : i32
    %ne3A_944 = arith.constant 0 : i32
    %ne3A_945 = arith.cmpi ne, %rem3A_943, %ne3A_944 : i32
    %and3A_946 = arith.andi %ne3A_942, %ne3A_945 : i1
    %sub3A_947 = arith.constant 1 : i32
    %sub3A_948 = arith.subi %div3A_927, %sub3A_947 : i32
    %select_n3A_949 = arith.select %and3A_946, %sub3A_948, %div3A_927 : i32
    %jit3A_950 = arith.constant 8 : i32
    %div3A_951 = arith.divsi %add3A_925, %jit3A_950 : i32
    %sign3A_952 = arith.constant 0 : i32
    %sign3A_953 = arith.cmpi sgt, %add3A_925, %sign3A_952 : i32
    %sign3A_954 = arith.extui %sign3A_953 : i1 to i32
    %sign3A_955 = arith.constant 0 : i32
    %sign3A_956 = arith.cmpi slt, %add3A_925, %sign3A_955 : i32
    %sign3A_957 = arith.extui %sign3A_956 : i1 to i32
    %sign3A_958 = arith.subi %sign3A_954, %sign3A_957 : i32
    %sign3A_959 = arith.constant 0 : i32
    %sign3A_960 = arith.cmpi sgt, %jit3A_950, %sign3A_959 : i32
    %sign3A_961 = arith.extui %sign3A_960 : i1 to i32
    %sign3A_962 = arith.constant 0 : i32
    %sign3A_963 = arith.cmpi slt, %jit3A_950, %sign3A_962 : i32
    %sign3A_964 = arith.extui %sign3A_963 : i1 to i32
    %sign3A_965 = arith.subi %sign3A_961, %sign3A_964 : i32
    %ne3A_966 = arith.cmpi ne, %sign3A_958, %sign3A_965 : i32
    %rem3A_967 = arith.remsi %add3A_925, %jit3A_950 : i32
    %ne3A_968 = arith.constant 0 : i32
    %ne3A_969 = arith.cmpi ne, %rem3A_967, %ne3A_968 : i32
    %and3A_970 = arith.andi %ne3A_966, %ne3A_969 : i1
    %sub3A_971 = arith.constant 1 : i32
    %sub3A_972 = arith.subi %div3A_951, %sub3A_971 : i32
    %select_n3A_973 = arith.select %and3A_970, %sub3A_972, %div3A_951 : i32
    %jit3A_974 = arith.constant 32 : i32
    %eq3A_975 = arith.constant 0 : i32
    %eq3A_976 = arith.cmpi eq, %jit3A_974, %eq3A_975 : i32
    %jit3A_977 = arith.constant 1 : i32
    %select_n3A_978 = arith.select %eq3A_976, %jit3A_977, %jit3A_974 : i32
    %rem3A_979 = arith.remsi %select_n3A_973, %select_n3A_978 : i32
    %ne3A_980 = arith.constant 0 : i32
    %ne3A_981 = arith.cmpi ne, %rem3A_979, %ne3A_980 : i32
    %lt3A_982 = arith.constant 0 : i32
    %lt3A_983 = arith.cmpi slt, %rem3A_979, %lt3A_982 : i32
    %lt3A_984 = arith.constant 0 : i32
    %lt3A_985 = arith.cmpi slt, %select_n3A_978, %lt3A_984 : i32
    %ne3A_986 = arith.xori %lt3A_983, %lt3A_985 : i1
    %and3A_987 = arith.andi %ne3A_986, %ne3A_981 : i1
    %add3A_988 = arith.addi %rem3A_979, %select_n3A_978 : i32
    %select_n3A_989 = arith.select %and3A_987, %add3A_988, %rem3A_979 : i32
    %mul3A_990 = arith.constant 8 : i32
    %mul3A_991 = arith.muli %select_n3A_949, %mul3A_990 : i32
    %jit3A_992 = arith.constant 8 : i32
    %eq3A_993 = arith.constant 0 : i32
    %eq3A_994 = arith.cmpi eq, %jit3A_992, %eq3A_993 : i32
    %jit3A_995 = arith.constant 1 : i32
    %select_n3A_996 = arith.select %eq3A_994, %jit3A_995, %jit3A_992 : i32
    %rem3A_997 = arith.remsi %add3A_925, %select_n3A_996 : i32
    %ne3A_998 = arith.constant 0 : i32
    %ne3A_999 = arith.cmpi ne, %rem3A_997, %ne3A_998 : i32
    %lt3A_1000 = arith.constant 0 : i32
    %lt3A_1001 = arith.cmpi slt, %rem3A_997, %lt3A_1000 : i32
    %lt3A_1002 = arith.constant 0 : i32
    %lt3A_1003 = arith.cmpi slt, %select_n3A_996, %lt3A_1002 : i32
    %ne3A_1004 = arith.xori %lt3A_1001, %lt3A_1003 : i1
    %and3A_1005 = arith.andi %ne3A_1004, %ne3A_999 : i1
    %add3A_1006 = arith.addi %rem3A_997, %select_n3A_996 : i32
    %select_n3A_1007 = arith.select %and3A_1005, %add3A_1006, %rem3A_997 : i32
    %add3A_1008 = arith.addi %mul3A_991, %select_n3A_1007 : i32
    %dma_start3A_1009 = arith.constant 0 : i32
    %dma_start3A_1010 = arith.constant 0 : i32
    %dma_start3A_1011 = tpu.memref_slice %arg9[%dma_start3A_1010] : memref<8192xf32, #tpu.memory_space<vmem>> -> memref<1024xf32, #tpu.memory_space<vmem>>
    %dma_start3A_1012 = arith.constant 0 : i32
    %dma_start3A_1013 = tpu.memref_slice %arg4[%add3A_1008, %dma_start3A_1009, %select_n3A_989, %dma_start3A_1012] : memref<200x4x32x1024xf32, #tpu.memory_space<hbm>> -> memref<1x1x1x1024xf32, #tpu.memory_space<hbm>>
    %dma_start3A_1014 = tpu.memref_squeeze %dma_start3A_1013 : memref<1x1x1x1024xf32, #tpu.memory_space<hbm>> -> memref<1024xf32, #tpu.memory_space<hbm>>
    %dma_start3A_1015 = arith.constant 0 : i32
    %dma_start3A_1016 = tpu.memref_slice %arg4[%add3A_1008, %dma_start3A_1009, %select_n3A_989, %dma_start3A_1015] : memref<200x4x32x1024xf32, #tpu.memory_space<hbm>> -> memref<1x1x1x1024xf32, #tpu.memory_space<hbm>>
    %dma_start3A_1017 = tpu.memref_squeeze %dma_start3A_1016 : memref<1x1x1x1024xf32, #tpu.memory_space<hbm>> -> memref<1024xf32, #tpu.memory_space<hbm>>
    %dma_start3A_1018 = arith.constant 0 : i32
    %dma_start3A_1019 = tpu.memref_slice %arg9[%dma_start3A_1018] : memref<8192xf32, #tpu.memory_space<vmem>> -> memref<1024xf32, #tpu.memory_space<vmem>>
    tpu.enqueue_dma source(%dma_start3A_1019 : memref<1024xf32, #tpu.memory_space<vmem>>) target(%dma_start3A_1017 : memref<1024xf32, #tpu.memory_space<hbm>>) target_semaphore(%arg11 : memref<!tpu.dma_semaphore, #tpu.memory_space<semaphore_mem>>)
    %dma_start3A_1020 = arith.constant 1 : i32
    %dma_start3A_1021 = arith.constant 1024 : i32
    %dma_start3A_1022 = tpu.memref_slice %arg9[%dma_start3A_1021] : memref<8192xf32, #tpu.memory_space<vmem>> -> memref<1024xf32, #tpu.memory_space<vmem>>
    %dma_start3A_1023 = arith.constant 0 : i32
    %dma_start3A_1024 = tpu.memref_slice %arg4[%add3A_1008, %dma_start3A_1020, %select_n3A_989, %dma_start3A_1023] : memref<200x4x32x1024xf32, #tpu.memory_space<hbm>> -> memref<1x1x1x1024xf32, #tpu.memory_space<hbm>>
    %dma_start3A_1025 = tpu.memref_squeeze %dma_start3A_1024 : memref<1x1x1x1024xf32, #tpu.memory_space<hbm>> -> memref<1024xf32, #tpu.memory_space<hbm>>
    %dma_start3A_1026 = arith.constant 0 : i32
    %dma_start3A_1027 = tpu.memref_slice %arg4[%add3A_1008, %dma_start3A_1020, %select_n3A_989, %dma_start3A_1026] : memref<200x4x32x1024xf32, #tpu.memory_space<hbm>> -> memref<1x1x1x1024xf32, #tpu.memory_space<hbm>>
    %dma_start3A_1028 = tpu.memref_squeeze %dma_start3A_1027 : memref<1x1x1x1024xf32, #tpu.memory_space<hbm>> -> memref<1024xf32, #tpu.memory_space<hbm>>
    %dma_start3A_1029 = arith.constant 1024 : i32
    %dma_start3A_1030 = tpu.memref_slice %arg9[%dma_start3A_1029] : memref<8192xf32, #tpu.memory_space<vmem>> -> memref<1024xf32, #tpu.memory_space<vmem>>
    tpu.enqueue_dma source(%dma_start3A_1030 : memref<1024xf32, #tpu.memory_space<vmem>>) target(%dma_start3A_1028 : memref<1024xf32, #tpu.memory_space<hbm>>) target_semaphore(%arg11 : memref<!tpu.dma_semaphore, #tpu.memory_space<semaphore_mem>>)
    %dma_start3A_1031 = arith.constant 2 : i32
    %dma_start3A_1032 = arith.constant 2048 : i32
    %dma_start3A_1033 = tpu.memref_slice %arg9[%dma_start3A_1032] : memref<8192xf32, #tpu.memory_space<vmem>> -> memref<1024xf32, #tpu.memory_space<vmem>>
    %dma_start3A_1034 = arith.constant 0 : i32
    %dma_start3A_1035 = tpu.memref_slice %arg4[%add3A_1008, %dma_start3A_1031, %select_n3A_989, %dma_start3A_1034] : memref<200x4x32x1024xf32, #tpu.memory_space<hbm>> -> memref<1x1x1x1024xf32, #tpu.memory_space<hbm>>
    %dma_start3A_1036 = tpu.memref_squeeze %dma_start3A_1035 : memref<1x1x1x1024xf32, #tpu.memory_space<hbm>> -> memref<1024xf32, #tpu.memory_space<hbm>>
    %dma_start3A_1037 = arith.constant 0 : i32
    %dma_start3A_1038 = tpu.memref_slice %arg4[%add3A_1008, %dma_start3A_1031, %select_n3A_989, %dma_start3A_1037] : memref<200x4x32x1024xf32, #tpu.memory_space<hbm>> -> memref<1x1x1x1024xf32, #tpu.memory_space<hbm>>
    %dma_start3A_1039 = tpu.memref_squeeze %dma_start3A_1038 : memref<1x1x1x1024xf32, #tpu.memory_space<hbm>> -> memref<1024xf32, #tpu.memory_space<hbm>>
    %dma_start3A_1040 = arith.constant 2048 : i32
    %dma_start3A_1041 = tpu.memref_slice %arg9[%dma_start3A_1040] : memref<8192xf32, #tpu.memory_space<vmem>> -> memref<1024xf32, #tpu.memory_space<vmem>>
    tpu.enqueue_dma source(%dma_start3A_1041 : memref<1024xf32, #tpu.memory_space<vmem>>) target(%dma_start3A_1039 : memref<1024xf32, #tpu.memory_space<hbm>>) target_semaphore(%arg11 : memref<!tpu.dma_semaphore, #tpu.memory_space<semaphore_mem>>)
    %dma_start3A_1042 = arith.constant 3 : i32
    %dma_start3A_1043 = arith.constant 3072 : i32
    %dma_start3A_1044 = tpu.memref_slice %arg9[%dma_start3A_1043] : memref<8192xf32, #tpu.memory_space<vmem>> -> memref<1024xf32, #tpu.memory_space<vmem>>
    %dma_start3A_1045 = arith.constant 0 : i32
    %dma_start3A_1046 = tpu.memref_slice %arg4[%add3A_1008, %dma_start3A_1042, %select_n3A_989, %dma_start3A_1045] : memref<200x4x32x1024xf32, #tpu.memory_space<hbm>> -> memref<1x1x1x1024xf32, #tpu.memory_space<hbm>>
    %dma_start3A_1047 = tpu.memref_squeeze %dma_start3A_1046 : memref<1x1x1x1024xf32, #tpu.memory_space<hbm>> -> memref<1024xf32, #tpu.memory_space<hbm>>
    %dma_start3A_1048 = arith.constant 0 : i32
    %dma_start3A_1049 = tpu.memref_slice %arg4[%add3A_1008, %dma_start3A_1042, %select_n3A_989, %dma_start3A_1048] : memref<200x4x32x1024xf32, #tpu.memory_space<hbm>> -> memref<1x1x1x1024xf32, #tpu.memory_space<hbm>>
    %dma_start3A_1050 = tpu.memref_squeeze %dma_start3A_1049 : memref<1x1x1x1024xf32, #tpu.memory_space<hbm>> -> memref<1024xf32, #tpu.memory_space<hbm>>
    %dma_start3A_1051 = arith.constant 3072 : i32
    %dma_start3A_1052 = tpu.memref_slice %arg9[%dma_start3A_1051] : memref<8192xf32, #tpu.memory_space<vmem>> -> memref<1024xf32, #tpu.memory_space<vmem>>
    tpu.enqueue_dma source(%dma_start3A_1052 : memref<1024xf32, #tpu.memory_space<vmem>>) target(%dma_start3A_1050 : memref<1024xf32, #tpu.memory_space<hbm>>) target_semaphore(%arg11 : memref<!tpu.dma_semaphore, #tpu.memory_space<semaphore_mem>>)
    %add3A_1053 = arith.constant 198 : i32
    %add3A_1054 = arith.addi %mul3A_2, %add3A_1053 : i32
    %add3A_1055 = arith.constant 1 : i32
    %add3A_1056 = arith.addi %add3A_1054, %add3A_1055 : i32
    %jit3A_1057 = arith.constant 256 : i32
    %div3A_1058 = arith.divsi %add3A_1056, %jit3A_1057 : i32
    %sign3A_1059 = arith.constant 0 : i32
    %sign3A_1060 = arith.cmpi sgt, %add3A_1056, %sign3A_1059 : i32
    %sign3A_1061 = arith.extui %sign3A_1060 : i1 to i32
    %sign3A_1062 = arith.constant 0 : i32
    %sign3A_1063 = arith.cmpi slt, %add3A_1056, %sign3A_1062 : i32
    %sign3A_1064 = arith.extui %sign3A_1063 : i1 to i32
    %sign3A_1065 = arith.subi %sign3A_1061, %sign3A_1064 : i32
    %sign3A_1066 = arith.constant 0 : i32
    %sign3A_1067 = arith.cmpi sgt, %jit3A_1057, %sign3A_1066 : i32
    %sign3A_1068 = arith.extui %sign3A_1067 : i1 to i32
    %sign3A_1069 = arith.constant 0 : i32
    %sign3A_1070 = arith.cmpi slt, %jit3A_1057, %sign3A_1069 : i32
    %sign3A_1071 = arith.extui %sign3A_1070 : i1 to i32
    %sign3A_1072 = arith.subi %sign3A_1068, %sign3A_1071 : i32
    %ne3A_1073 = arith.cmpi ne, %sign3A_1065, %sign3A_1072 : i32
    %rem3A_1074 = arith.remsi %add3A_1056, %jit3A_1057 : i32
    %ne3A_1075 = arith.constant 0 : i32
    %ne3A_1076 = arith.cmpi ne, %rem3A_1074, %ne3A_1075 : i32
    %and3A_1077 = arith.andi %ne3A_1073, %ne3A_1076 : i1
    %sub3A_1078 = arith.constant 1 : i32
    %sub3A_1079 = arith.subi %div3A_1058, %sub3A_1078 : i32
    %select_n3A_1080 = arith.select %and3A_1077, %sub3A_1079, %div3A_1058 : i32
    %jit3A_1081 = arith.constant 8 : i32
    %div3A_1082 = arith.divsi %add3A_1056, %jit3A_1081 : i32
    %sign3A_1083 = arith.constant 0 : i32
    %sign3A_1084 = arith.cmpi sgt, %add3A_1056, %sign3A_1083 : i32
    %sign3A_1085 = arith.extui %sign3A_1084 : i1 to i32
    %sign3A_1086 = arith.constant 0 : i32
    %sign3A_1087 = arith.cmpi slt, %add3A_1056, %sign3A_1086 : i32
    %sign3A_1088 = arith.extui %sign3A_1087 : i1 to i32
    %sign3A_1089 = arith.subi %sign3A_1085, %sign3A_1088 : i32
    %sign3A_1090 = arith.constant 0 : i32
    %sign3A_1091 = arith.cmpi sgt, %jit3A_1081, %sign3A_1090 : i32
    %sign3A_1092 = arith.extui %sign3A_1091 : i1 to i32
    %sign3A_1093 = arith.constant 0 : i32
    %sign3A_1094 = arith.cmpi slt, %jit3A_1081, %sign3A_1093 : i32
    %sign3A_1095 = arith.extui %sign3A_1094 : i1 to i32
    %sign3A_1096 = arith.subi %sign3A_1092, %sign3A_1095 : i32
    %ne3A_1097 = arith.cmpi ne, %sign3A_1089, %sign3A_1096 : i32
    %rem3A_1098 = arith.remsi %add3A_1056, %jit3A_1081 : i32
    %ne3A_1099 = arith.constant 0 : i32
    %ne3A_1100 = arith.cmpi ne, %rem3A_1098, %ne3A_1099 : i32
    %and3A_1101 = arith.andi %ne3A_1097, %ne3A_1100 : i1
    %sub3A_1102 = arith.constant 1 : i32
    %sub3A_1103 = arith.subi %div3A_1082, %sub3A_1102 : i32
    %select_n3A_1104 = arith.select %and3A_1101, %sub3A_1103, %div3A_1082 : i32
    %jit3A_1105 = arith.constant 32 : i32
    %eq3A_1106 = arith.constant 0 : i32
    %eq3A_1107 = arith.cmpi eq, %jit3A_1105, %eq3A_1106 : i32
    %jit3A_1108 = arith.constant 1 : i32
    %select_n3A_1109 = arith.select %eq3A_1107, %jit3A_1108, %jit3A_1105 : i32
    %rem3A_1110 = arith.remsi %select_n3A_1104, %select_n3A_1109 : i32
    %ne3A_1111 = arith.constant 0 : i32
    %ne3A_1112 = arith.cmpi ne, %rem3A_1110, %ne3A_1111 : i32
    %lt3A_1113 = arith.constant 0 : i32
    %lt3A_1114 = arith.cmpi slt, %rem3A_1110, %lt3A_1113 : i32
    %lt3A_1115 = arith.constant 0 : i32
    %lt3A_1116 = arith.cmpi slt, %select_n3A_1109, %lt3A_1115 : i32
    %ne3A_1117 = arith.xori %lt3A_1114, %lt3A_1116 : i1
    %and3A_1118 = arith.andi %ne3A_1117, %ne3A_1112 : i1
    %add3A_1119 = arith.addi %rem3A_1110, %select_n3A_1109 : i32
    %select_n3A_1120 = arith.select %and3A_1118, %add3A_1119, %rem3A_1110 : i32
    %mul3A_1121 = arith.constant 8 : i32
    %mul3A_1122 = arith.muli %select_n3A_1080, %mul3A_1121 : i32
    %jit3A_1123 = arith.constant 8 : i32
    %eq3A_1124 = arith.constant 0 : i32
    %eq3A_1125 = arith.cmpi eq, %jit3A_1123, %eq3A_1124 : i32
    %jit3A_1126 = arith.constant 1 : i32
    %select_n3A_1127 = arith.select %eq3A_1125, %jit3A_1126, %jit3A_1123 : i32
    %rem3A_1128 = arith.remsi %add3A_1056, %select_n3A_1127 : i32
    %ne3A_1129 = arith.constant 0 : i32
    %ne3A_1130 = arith.cmpi ne, %rem3A_1128, %ne3A_1129 : i32
    %lt3A_1131 = arith.constant 0 : i32
    %lt3A_1132 = arith.cmpi slt, %rem3A_1128, %lt3A_1131 : i32
    %lt3A_1133 = arith.constant 0 : i32
    %lt3A_1134 = arith.cmpi slt, %select_n3A_1127, %lt3A_1133 : i32
    %ne3A_1135 = arith.xori %lt3A_1132, %lt3A_1134 : i1
    %and3A_1136 = arith.andi %ne3A_1135, %ne3A_1130 : i1
    %add3A_1137 = arith.addi %rem3A_1128, %select_n3A_1127 : i32
    %select_n3A_1138 = arith.select %and3A_1136, %add3A_1137, %rem3A_1128 : i32
    %add3A_1139 = arith.addi %mul3A_1122, %select_n3A_1138 : i32
    %dma_start3A_1140 = arith.constant 0 : i32
    %dma_start3A_1141 = arith.constant 4096 : i32
    %dma_start3A_1142 = tpu.memref_slice %arg9[%dma_start3A_1141] : memref<8192xf32, #tpu.memory_space<vmem>> -> memref<1024xf32, #tpu.memory_space<vmem>>
    %dma_start3A_1143 = arith.constant 0 : i32
    %dma_start3A_1144 = tpu.memref_slice %arg4[%add3A_1139, %dma_start3A_1140, %select_n3A_1120, %dma_start3A_1143] : memref<200x4x32x1024xf32, #tpu.memory_space<hbm>> -> memref<1x1x1x1024xf32, #tpu.memory_space<hbm>>
    %dma_start3A_1145 = tpu.memref_squeeze %dma_start3A_1144 : memref<1x1x1x1024xf32, #tpu.memory_space<hbm>> -> memref<1024xf32, #tpu.memory_space<hbm>>
    %dma_start3A_1146 = arith.constant 0 : i32
    %dma_start3A_1147 = tpu.memref_slice %arg4[%add3A_1139, %dma_start3A_1140, %select_n3A_1120, %dma_start3A_1146] : memref<200x4x32x1024xf32, #tpu.memory_space<hbm>> -> memref<1x1x1x1024xf32, #tpu.memory_space<hbm>>
    %dma_start3A_1148 = tpu.memref_squeeze %dma_start3A_1147 : memref<1x1x1x1024xf32, #tpu.memory_space<hbm>> -> memref<1024xf32, #tpu.memory_space<hbm>>
    %dma_start3A_1149 = arith.constant 4096 : i32
    %dma_start3A_1150 = tpu.memref_slice %arg9[%dma_start3A_1149] : memref<8192xf32, #tpu.memory_space<vmem>> -> memref<1024xf32, #tpu.memory_space<vmem>>
    tpu.enqueue_dma source(%dma_start3A_1150 : memref<1024xf32, #tpu.memory_space<vmem>>) target(%dma_start3A_1148 : memref<1024xf32, #tpu.memory_space<hbm>>) target_semaphore(%arg11 : memref<!tpu.dma_semaphore, #tpu.memory_space<semaphore_mem>>)
    %dma_start3A_1151 = arith.constant 1 : i32
    %dma_start3A_1152 = arith.constant 5120 : i32
    %dma_start3A_1153 = tpu.memref_slice %arg9[%dma_start3A_1152] : memref<8192xf32, #tpu.memory_space<vmem>> -> memref<1024xf32, #tpu.memory_space<vmem>>
    %dma_start3A_1154 = arith.constant 0 : i32
    %dma_start3A_1155 = tpu.memref_slice %arg4[%add3A_1139, %dma_start3A_1151, %select_n3A_1120, %dma_start3A_1154] : memref<200x4x32x1024xf32, #tpu.memory_space<hbm>> -> memref<1x1x1x1024xf32, #tpu.memory_space<hbm>>
    %dma_start3A_1156 = tpu.memref_squeeze %dma_start3A_1155 : memref<1x1x1x1024xf32, #tpu.memory_space<hbm>> -> memref<1024xf32, #tpu.memory_space<hbm>>
    %dma_start3A_1157 = arith.constant 0 : i32
    %dma_start3A_1158 = tpu.memref_slice %arg4[%add3A_1139, %dma_start3A_1151, %select_n3A_1120, %dma_start3A_1157] : memref<200x4x32x1024xf32, #tpu.memory_space<hbm>> -> memref<1x1x1x1024xf32, #tpu.memory_space<hbm>>
    %dma_start3A_1159 = tpu.memref_squeeze %dma_start3A_1158 : memref<1x1x1x1024xf32, #tpu.memory_space<hbm>> -> memref<1024xf32, #tpu.memory_space<hbm>>
    %dma_start3A_1160 = arith.constant 5120 : i32
    %dma_start3A_1161 = tpu.memref_slice %arg9[%dma_start3A_1160] : memref<8192xf32, #tpu.memory_space<vmem>> -> memref<1024xf32, #tpu.memory_space<vmem>>
    tpu.enqueue_dma source(%dma_start3A_1161 : memref<1024xf32, #tpu.memory_space<vmem>>) target(%dma_start3A_1159 : memref<1024xf32, #tpu.memory_space<hbm>>) target_semaphore(%arg11 : memref<!tpu.dma_semaphore, #tpu.memory_space<semaphore_mem>>)
    %dma_start3A_1162 = arith.constant 2 : i32
    %dma_start3A_1163 = arith.constant 6144 : i32
    %dma_start3A_1164 = tpu.memref_slice %arg9[%dma_start3A_1163] : memref<8192xf32, #tpu.memory_space<vmem>> -> memref<1024xf32, #tpu.memory_space<vmem>>
    %dma_start3A_1165 = arith.constant 0 : i32
    %dma_start3A_1166 = tpu.memref_slice %arg4[%add3A_1139, %dma_start3A_1162, %select_n3A_1120, %dma_start3A_1165] : memref<200x4x32x1024xf32, #tpu.memory_space<hbm>> -> memref<1x1x1x1024xf32, #tpu.memory_space<hbm>>
    %dma_start3A_1167 = tpu.memref_squeeze %dma_start3A_1166 : memref<1x1x1x1024xf32, #tpu.memory_space<hbm>> -> memref<1024xf32, #tpu.memory_space<hbm>>
    %dma_start3A_1168 = arith.constant 0 : i32
    %dma_start3A_1169 = tpu.memref_slice %arg4[%add3A_1139, %dma_start3A_1162, %select_n3A_1120, %dma_start3A_1168] : memref<200x4x32x1024xf32, #tpu.memory_space<hbm>> -> memref<1x1x1x1024xf32, #tpu.memory_space<hbm>>
    %dma_start3A_1170 = tpu.memref_squeeze %dma_start3A_1169 : memref<1x1x1x1024xf32, #tpu.memory_space<hbm>> -> memref<1024xf32, #tpu.memory_space<hbm>>
    %dma_start3A_1171 = arith.constant 6144 : i32
    %dma_start3A_1172 = tpu.memref_slice %arg9[%dma_start3A_1171] : memref<8192xf32, #tpu.memory_space<vmem>> -> memref<1024xf32, #tpu.memory_space<vmem>>
    tpu.enqueue_dma source(%dma_start3A_1172 : memref<1024xf32, #tpu.memory_space<vmem>>) target(%dma_start3A_1170 : memref<1024xf32, #tpu.memory_space<hbm>>) target_semaphore(%arg11 : memref<!tpu.dma_semaphore, #tpu.memory_space<semaphore_mem>>)
    %dma_start3A_1173 = arith.constant 3 : i32
    %dma_start3A_1174 = arith.constant 7168 : i32
    %dma_start3A_1175 = tpu.memref_slice %arg9[%dma_start3A_1174] : memref<8192xf32, #tpu.memory_space<vmem>> -> memref<1024xf32, #tpu.memory_space<vmem>>
    %dma_start3A_1176 = arith.constant 0 : i32
    %dma_start3A_1177 = tpu.memref_slice %arg4[%add3A_1139, %dma_start3A_1173, %select_n3A_1120, %dma_start3A_1176] : memref<200x4x32x1024xf32, #tpu.memory_space<hbm>> -> memref<1x1x1x1024xf32, #tpu.memory_space<hbm>>
    %dma_start3A_1178 = tpu.memref_squeeze %dma_start3A_1177 : memref<1x1x1x1024xf32, #tpu.memory_space<hbm>> -> memref<1024xf32, #tpu.memory_space<hbm>>
    %dma_start3A_1179 = arith.constant 0 : i32
    %dma_start3A_1180 = tpu.memref_slice %arg4[%add3A_1139, %dma_start3A_1173, %select_n3A_1120, %dma_start3A_1179] : memref<200x4x32x1024xf32, #tpu.memory_space<hbm>> -> memref<1x1x1x1024xf32, #tpu.memory_space<hbm>>
    %dma_start3A_1181 = tpu.memref_squeeze %dma_start3A_1180 : memref<1x1x1x1024xf32, #tpu.memory_space<hbm>> -> memref<1024xf32, #tpu.memory_space<hbm>>
    %dma_start3A_1182 = arith.constant 7168 : i32
    %dma_start3A_1183 = tpu.memref_slice %arg9[%dma_start3A_1182] : memref<8192xf32, #tpu.memory_space<vmem>> -> memref<1024xf32, #tpu.memory_space<vmem>>
    tpu.enqueue_dma source(%dma_start3A_1183 : memref<1024xf32, #tpu.memory_space<vmem>>) target(%dma_start3A_1181 : memref<1024xf32, #tpu.memory_space<hbm>>) target_semaphore(%arg11 : memref<!tpu.dma_semaphore, #tpu.memory_space<semaphore_mem>>)
    %dma_wait3A_1184 = arith.constant 0 : i32
    %dma_wait3A_1185 = arith.constant 0 : i32
    %dma_wait3A_1186 = tpu.memref_slice %arg6[%dma_wait3A_1184, %dma_wait3A_1185] : memref<256x128xf32, #tpu.memory_space<vmem>> -> memref<64x128xf32, #tpu.memory_space<vmem>>
    %dma_wait3A_1187 = arith.constant 0 : i32
    %dma_wait3A_1188 = arith.constant 0 : i32
    %dma_wait3A_1189 = tpu.memref_slice %arg3[%dma_wait3A_1187, %dma_wait3A_1188] : memref<1000000x128xf32, #tpu.memory_space<hbm>> -> memref<64x128xf32, #tpu.memory_space<hbm>>
    %dma_wait3A_1190 = arith.constant 0 : i32
    %dma_wait3A_1191 = arith.constant 0 : i32
    %dma_wait3A_1192 = tpu.memref_slice %arg6[%dma_wait3A_1190, %dma_wait3A_1191] : memref<256x128xf32, #tpu.memory_space<vmem>> -> memref<64x128xf32, #tpu.memory_space<vmem>>
    %dma_wait3A_1193 = arith.constant 0 : i32
    %dma_wait3A_1194 = arith.constant 0 : i32
    %dma_wait3A_1195 = tpu.memref_slice %arg3[%dma_wait3A_1193, %dma_wait3A_1194] : memref<1000000x128xf32, #tpu.memory_space<hbm>> -> memref<64x128xf32, #tpu.memory_space<hbm>>
    tpu.wait_dma2 semaphore(%arg11 : memref<!tpu.dma_semaphore, #tpu.memory_space<semaphore_mem>>) src(%dma_wait3A_1195 : memref<64x128xf32, #tpu.memory_space<hbm>>) dst(%dma_wait3A_1192 : memref<64x128xf32, #tpu.memory_space<vmem>>)
    %dma_wait3A_1196 = arith.constant 0 : i32
    %dma_wait3A_1197 = arith.constant 0 : i32
    %dma_wait3A_1198 = tpu.memref_slice %arg6[%dma_wait3A_1196, %dma_wait3A_1197] : memref<256x128xf32, #tpu.memory_space<vmem>> -> memref<64x128xf32, #tpu.memory_space<vmem>>
    %dma_wait3A_1199 = arith.constant 0 : i32
    %dma_wait3A_1200 = arith.constant 0 : i32
    %dma_wait3A_1201 = tpu.memref_slice %arg3[%dma_wait3A_1199, %dma_wait3A_1200] : memref<1000000x128xf32, #tpu.memory_space<hbm>> -> memref<64x128xf32, #tpu.memory_space<hbm>>
    %dma_wait3A_1202 = arith.constant 0 : i32
    %dma_wait3A_1203 = arith.constant 0 : i32
    %dma_wait3A_1204 = tpu.memref_slice %arg6[%dma_wait3A_1202, %dma_wait3A_1203] : memref<256x128xf32, #tpu.memory_space<vmem>> -> memref<64x128xf32, #tpu.memory_space<vmem>>
    %dma_wait3A_1205 = arith.constant 0 : i32
    %dma_wait3A_1206 = arith.constant 0 : i32
    %dma_wait3A_1207 = tpu.memref_slice %arg3[%dma_wait3A_1205, %dma_wait3A_1206] : memref<1000000x128xf32, #tpu.memory_space<hbm>> -> memref<64x128xf32, #tpu.memory_space<hbm>>
    tpu.wait_dma2 semaphore(%arg11 : memref<!tpu.dma_semaphore, #tpu.memory_space<semaphore_mem>>) src(%dma_wait3A_1207 : memref<64x128xf32, #tpu.memory_space<hbm>>) dst(%dma_wait3A_1204 : memref<64x128xf32, #tpu.memory_space<vmem>>)
    return
  }
}

</mosaic_0001>

<sc_bundles>
// kernel: _embedding_lookup.3.cloned.1.call-start
scs
__scs_entry_jumppad:
0x0: {  	(pc) =	sbr.rel $0x88, $3  }
0x1: {  	(tag) =	ssettag $0x0;
	lr =	simm.s32 $0x1  }
0x2: {  	[smem:$0x3F9F] =	sst lr;
	_ =	strace $0xD0000000  }
0x3: {  	_ = 	snop  }
0x4: {  	_ = 	snop  }
0x5: {  	_ = 	snop  }
0x6: {  	_ = 	snop  }
0x7: {  	_ = 	snop  }
__scs_overlays_trampoline_lowered:
0x8: {  	[smem:$0x3FAE] =	sst s0  }
0x9: {  	[smem:$0x3FAF] =	sst s1  }
0xa: {  	[smem:$0x3FB0] =	sst s2  }
0xb: {  	[smem:$0x3FB1] =	sst s3  }
0xc: {  	[smem:$0x3FB2] =	sst s4  }
0xd: {  	[smem:$0x3FB3] =	sst s5  }
0xe: {  	[smem:$0x3FB4] =	sst s6  }
0xf: {  	[smem:$0x3FB5] =	sst s7  }
0x10: {  	[smem:$0x3FB6] =	sst s8  }
0x11: {  	[smem:$0x3FB7] =	sst s9;
	s0 =	simm.s32 @!p0 $0x0  }
0x12: {  	s1 =	sld [smem:$0x3F9D];
	s0 =	simm.s32 @p0 $0x1  }
0x13: {  	[smem:$0x3FB8] =	sst s0;
	s0 =	simm.s32 @!p1 $0x0  }
0x14: {  	s2 =	sld [smem:$0x3F9C];
	s0 =	simm.s32 @p1 $0x1  }
0x15: {  	[smem:$0x3FB9] =	sst s0;
	s0 =	simm.s32 @!p2 $0x0  }
0x16: {  	s3 =	sld [smem:$0x3FDB];
	s0 =	simm.s32 @p2 $0x1  }
0x17: {  	s4 =	simm.s32 $0x1BF5;
	[smem:$0x3FBB] =	sst s0  }
0x18: {  	s0 =	sld [smem:$0x3F9E];
	_ =	swait.ge [sflag:s4], $0x0  }
0x19: {  	s7 =	sld [smem:$0x3F9F]  }
0x1a: {  	s8 =	sadd.s32 $0xFFFFE003, lr  }
0x1b: {  	s9 =	sadd.s32 $0xFFFFFEF7, lr;
	s5 =	simm.s32 $0xFFFFFFFF;
	p2 =	slt.u32 s8, $0xFFFFF086  }
0x1c: {  	p1 =	slt.u32 s9, $0xF7A;
	s5 =	simm.s32 @!p2 $0x0  }
0x1d: {  	s5 =	simm.s32 @p1 $0x1;
	p0 =	seq.s32 s7, s2  }
0x1e: {  	s7 =	smul.u32 @!p0 $0xF7A, s2;
	p2 =	seq.s32 @!p0 s5, $0x0  }
0x1f: {  	s9 =	smul.u32 $0xF7A, s1;
	s8 =	simm.s32 @!p0 $0x1BF5;
	p2 =	por !p2, p0  }
0x20: {  	[sflag:s8] =	ssyncset.s32 @!p0 $0xFFFFF086;
	s6 =	sadd.s32 @!p0 s3, s7;
	s7 =	simm.s32 @!p0 $0x108  }
0x21: {  	s3 =	sadd.s32 s3, s9;
	s6 =	sadd.s32 @!p0 $0x88, s6;
	s7 =	simm.s32 @p2 $0x1082  }
0x22: {  	[simem:s7], [sflag:s8] =	dma.local @!p0 [hbm:s6], $0xF7A  }
0x23: {  	s9 =	sor.u32 $0xD0000000, s2;
	s6 =	simm.s32 $0x108;
	_ =	swait.ge @!p0 [sflag:s8], $0x0  }
0x24: {  	s3 =	sadd.s32 $0x88, s3;
	s6 =	simm.s32 @!p1 $0x1082;
	[sflag:s4] =	ssyncset.s32 $0xFFFFF086  }
0x25: {  	[simem:s6], [sflag:s4] =	dma.local [hbm:s3], $0xF7A  }
0x26: {  	[smem:$0x3F9F] =	sst s1;
	(tag) =	ssettag s2;
	_ =	strace s9  }
0x27: {  	s1 =	sld [smem:$0x3FAF]  }
0x28: {  	s2 =	sld [smem:$0x3FB0]  }
0x29: {  	s4 =	sld [smem:$0x3FB2]  }
0x2a: {  	p0 =	seq.s32 s5, $0x0;
	s5 =	sld [smem:$0x3FB3]  }
0x2b: {  	s6 =	sld [smem:$0x3FB4]  }
0x2c: {  	s7 =	sld [smem:$0x3FB5]  }
0x2d: {  	s3 =	simm.s32 $0x108;
	s8 =	sld [smem:$0x3FB6]  }
0x2e: {  	s3 =	simm.s32 @!p0 $0x1082;
	s9 =	sld [smem:$0x3FB7]  }
0x2f: {  	lr =	sadd.s32 s0, s3;
	s0 =	sld [smem:$0x3FAE]  }
0x30: {  	s3 =	sld [smem:$0x3FB1]  }
0x31: {  	[smem:$0x3FBA] =	sst s10  }
0x32: {  	s10 =	sld [smem:$0x3FB8];
	_ =	sdelay $0x3  }
0x33: {  	p0 =	seq.s32 s10, $0x1;
	s10 =	sld [smem:$0x3FBA];
	_ =	sdelay $0x3  }
0x34: {  	[smem:$0x3FBA] =	sst s10  }
0x35: {  	s10 =	sld [smem:$0x3FB9];
	_ =	sdelay $0x3  }
0x36: {  	p1 =	seq.s32 s10, $0x1;
	s10 =	sld [smem:$0x3FBA];
	_ =	sdelay $0x3  }
0x37: {  	[smem:$0x3FBA] =	sst s10  }
0x38: {  	s10 =	sld [smem:$0x3FBB]  }
0x39: {  	_ = 	snop;
	(pc) =	sbr.ind lr, $3  }
0x3a: {  	_ = 	snop  }
0x3b: {  	_ = 	snop  }
0x3c: {  	p2 =	seq.s32 s10, $0x1;
	s10 =	sld [smem:$0x3FBA]  }
0x3d: {  	_ =	shalt  }
0x3e: {  	_ =	shalt  }
0x3f: {  	_ =	shalt  }
0x40: {  	_ =	shalt  }
0x41: {  	_ =	shalt  }
0x42: {  	_ =	shalt  }
0x43: {  	_ =	shalt  }
0x44: {  	_ =	shalt  }
0x45: {  	_ =	shalt  }
0x46: {  	_ =	shalt  }
0x47: {  	_ =	shalt  }
0x48: {  	_ =	shalt  }
0x49: {  	_ =	shalt  }
0x4a: {  	_ =	shalt  }
0x4b: {  	_ =	shalt  }
0x4c: {  	_ =	shalt  }
0x4d: {  	_ =	shalt  }
0x4e: {  	_ =	shalt  }
0x4f: {  	_ =	shalt  }
0x50: {  	_ =	shalt  }
0x51: {  	_ =	shalt  }
0x52: {  	_ =	shalt  }
0x53: {  	_ =	shalt  }
0x54: {  	_ =	shalt  }
0x55: {  	_ =	shalt  }
0x56: {  	_ =	shalt  }
0x57: {  	_ =	shalt  }
0x58: {  	_ =	shalt  }
0x59: {  	_ =	shalt  }
0x5a: {  	_ =	shalt  }
0x5b: {  	_ =	shalt  }
0x5c: {  	_ =	shalt  }
0x5d: {  	_ =	shalt  }
0x5e: {  	_ =	shalt  }
0x5f: {  	_ =	shalt  }
0x60: {  	_ =	shalt  }
0x61: {  	_ =	shalt  }
0x62: {  	_ =	shalt  }
0x63: {  	_ =	shalt  }
0x64: {  	_ =	shalt  }
0x65: {  	_ =	shalt  }
0x66: {  	_ =	shalt  }
0x67: {  	_ =	shalt  }
0x68: {  	_ =	shalt  }
0x69: {  	_ =	shalt  }
0x6a: {  	_ =	shalt  }
0x6b: {  	_ =	shalt  }
0x6c: {  	_ =	shalt  }
0x6d: {  	_ =	shalt  }
0x6e: {  	_ =	shalt  }
0x6f: {  	_ =	shalt  }
0x70: {  	_ =	shalt  }
0x71: {  	_ =	shalt  }
0x72: {  	_ =	shalt  }
0x73: {  	_ =	shalt  }
0x74: {  	_ =	shalt  }
0x75: {  	_ =	shalt  }
0x76: {  	_ =	shalt  }
0x77: {  	_ =	shalt  }
0x78: {  	_ =	shalt  }
0x79: {  	_ =	shalt  }
0x7a: {  	_ =	shalt  }
0x7b: {  	_ =	shalt  }
0x7c: {  	_ =	shalt  }
0x7d: {  	_ =	shalt  }
0x7e: {  	_ =	shalt  }
0x7f: {  	_ =	shalt  }
0x80: {  	_ =	shalt  }
0x81: {  	_ =	shalt  }
0x82: {  	_ =	shalt  }
0x83: {  	_ =	shalt  }
0x84: {  	_ =	shalt  }
0x85: {  	_ =	shalt  }
0x86: {  	_ =	shalt  }
0x87: {  	_ =	shalt  }
.Lfunc_end0:
.L_simem_size_0:
called_computation_lowered:
.L_overlay_start_0:
0x88: {  	s2 =	sld [smem:$0x3FD9]  }
0x89: {  	s3 =	sld [smem:$0x3FFE];
	_ =	sdelay $0x1  }
0x8a: {  	s1 =	srdreg.scid  }
0x8b: {  	s0 =	sand.u32 $0x1, s1  }
0x8c: {  	s17 =	sshll.u32 s0, $0xA;
	s2 =	sadd.s32 s3, s2  }
0x8d: {  	s2 =	sadd.s32 s2, s17  }
0x8e: {  	[smem:$0x3FC6] =	sst s2  }
0x8f: {  	_ = 	snop  }
0x90: {  	s2 =	sld [smem:$0x3FC9]  }
0x91: {  	s18 =	sld [smem:$0x3FC8];
	(tm) =	ssettm $0x1  }
0x92: {  	s4 =	sld [smem:$0x3FFB];
	_ =	sdelay $0x3  }
0x93: {  	_ =	strace s4  }
0x94: {  	s4 =	sld [smem:$0x3FFC];
	_ =	sdelay $0x3  }
0x95: {  	_ =	strace s4  }
0x96: {  	s4 =	sld [smem:$0x3FFD];
	_ =	sdelay $0x3  }
0x97: {  	_ =	strace s4  }
0x98: {  	_ =	strace $0x8FFFFFFF  }
0x99: {  	s19 =	sld [smem:$0x3FDB];
	_ =	sdelay $0x1  }
0x9a: {  	s5 =	simm.s32 $_scs_section_size  }
0x9b: {  	s6 =	simm.s32 $_size__tile_overlayer_lowered;
	s7 =	simm.s32 $_tile_overlayer_lowered  }
0x9c: {  	s22 =	simm.s32 $0x1BFF;
	s21 =	sshll.u32 s7, $0x1;
	s4 =	sadd.s32 s5, s19  }
0x9d: {  	s8 =	simm.s32 $0x0;
	s20 =	sshll.u32 s6, $0x1;
	s6 =	sadd.s32 s21, s4  }
0x9e: {  	[timem:s8], [sflag:s22] =	dma.local [hbm:s6], s20  }
0x9f: {  	_ =	swait.ge [sflag:s22], s20  }
0xa0: {  	s5 =	ssub.s32 $0x0, s20;
	[sflag:s22] =	ssyncset.done $0x0  }
0xa1: {  	[sflag:s22] =	ssyncadd.s32 s5;
	_ =	sdelay $0x1  }
0xa2: {  	s23 =	simm.s32 $0x1B8B  }
0xa3: {  	_ =	swait.ge [sflag:s23], $0x1  }
0xa4: {  	[sflag:s23] =	ssyncset.done $0x0  }
0xa5: {  	s25 =	simm.s32 $0x1B8E;
	s24 =	sld [smem:$0x3FFE];
	[sflag:s23] =	ssyncadd.s32 $0xFFFFFFFF  }
0xa6: {  	s26 =	simm.s32 $execute0_lowered;
	[smem:$0x3FD2] =	sst s25  }
0xa7: {  	s6 =	sshll.u32 s26, $0x1;
	_ =	strace $0x80000046;
	[dreg:$0x1] =	wrdreg $0xFFFFFFFF  }
0xa8: {  	s28 =	simm.s32 $_size_execute0_lowered;
	s4 =	sadd.s32 s4, s6;
	[dreg:$0x0] =	wrdreg $0x0  }
0xa9: {  	s6 =	sshll.u32 s28, $0x1;
	[dreg:$0x2] =	wrdreg s4  }
0xaa: {  	[dreg:$0x3] =	wrdreg s6  }
0xab: {  	[dreg:$0x4] =	wrdreg $0xC0  }
0xac: {  	_ =	task [dreg:s8], $0x5FFFF  }
0xad: {  	[dreg:$0x1] =	wrdreg $0xFFFFFFFF  }
0xae: {  	[dreg:$0x0] =	wrdreg $0x60  }
0xaf: {  	[dreg:$0x2] =	wrdreg s2  }
0xb0: {  	[dreg:$0x3] =	wrdreg s18  }
0xb1: {  	[dreg:$0x4] =	wrdreg s24  }
0xb2: {  	[dreg:$0x5] =	wrdreg $0x9  }
0xb3: {  	_ =	task.clear_ibuf [dreg:s8], $0x6FFFF;
	_ =	strace $0x90000046  }
0xb4: {  	s29 =	simm.s32 $0x9;
	_ =	strace $0x80000048  }
0xb5: {  	_ =	swait.ge [sflag:s29], $0x1  }
0xb6: {  	[sflag:s29] =	ssyncadd.s32 $0xFFFFFFFF  }
0xb7: {  	_ =	strace $0x90000048  }
0xb8: {  	_ =	sfence  }
0xb9: {  	s30 =	sld [smem:$0x0];
	_ =	sdelay $0x2  }
0xba: {  	s31 =	sshll.u32 s1, $0xD;
	s1 =	sshrl.u32 s1, $0x2  }
0xbb: {  	s3 =	sand.u32 $0x4000, s31;
	s1 =	sadd.s32 s1, s30  }
0xbc: {  	s0 =	sor.u32 s3, s0;
	s1 =	sshll.u32 s1, $0x11  }
0xbd: {  	s0 =	sor.u32 s1, s0  }
0xbe: {  	s0 =	sadd.s32 $0x8F2B, s0  }
0xbf: {  	[sflag:s0] =	ssyncadd.remote.s32 $0x1  }
0xc0: {  	_ =	sfence.sel $0xFFFF  }
0xc1: {  	[dreg:$0x0] =	wrdreg $0xFFFFFFFF;
	(pc) =	sbr.abs _section_cstart, $3  }
0xc2: {  	[dreg:$0x1] =	wrdreg $0xFFFFFFFF  }
0xc3: {  	_ =	task.clear_ibuf [dreg:s8], $0x2FFFF;
	_ =	strace $0x9FFFFFFF  }
0xc4: {  	(tm) =	ssettm $0x7FFFFFFF  }
0xc5: {  	_ =	shalt  }
tec
execute0_lowered:
.L_overlay_start_1:
0x0: {  	(tag) =	ssettag $0x1  }
0x1: {  	s1 =	srdreg.scid;
	s2 =	stileid.u32  }
0x2: {  	s0 =	rddreg [dreg:$0x0];
	s1 =	sand.u32 $0x1, s1;
	s3 =	sshll.u32 s2, $0x1  }
0x3: {  	s6 =	rddreg [dreg:$0x2];
	s5 =	sor.u32 s1, s3  }
0x4: {  	s24 =	rddreg [dreg:$0x1];
	s4 =	sadd.s32 $0x400, s6;
	s7 =	smul.u32 $0xC8000, s5  }
0x5: {  	s10 =	sadd.s32 $0x2400, s6;
	s12 =	sadd.s32 $0x3400, s6;
	s8 =	smul.u32 $0x6400, s5  }
0x6: {  	s3 =	simm.s32 $0x0;
	s1 =	ssub.s32 $0x2, s1;
	s9 =	smul.u32 $0xC80, s5  }
0x7: {  	[smem:$0x7FF] =	sst s3;
	s13 =	sshrl.u32 s1, $0x1;
	s14 =	smul.u32 $0xC8, s5  }
0x8: {  	_ =	strace $0x80000047;
	s1 =	ssub.s32 s1, s13;
	s7 =	sor.u32 s8, s7  }
0x9: {  	s0 =	sadd.s32 s0, s9;
	s8 =	sadd.s32 $0x1400, s6;
	s16 =	sadd.s32 $0xC4, s14  }
0xa: {  	s19 =	sadd.s32 $0xC5, s14;
	[dreg:$0x4] =	wrdreg s14;
	s31 =	sadd.s32 $0xC7, s14  }
0xb: {  	s7 =	sand.u32 $0x1F07C00, s7;
	[dreg:$0x5] =	wrdreg s0;
	s18 =	sshll.u32 s16, $0x9  }
0xc: {  	s0 =	sshll.u32 s16, $0x4;
	s11 =	sshll.u32 s19, $0x9;
	s7 =	sshrl.u32 s7, $0x3  }
0xd: {  	s9 =	sshll.u32 s19, $0x4;
	s2 =	sshll.u32 s31, $0x9;
	s15 =	sadd.s32 s7, s8  }
0xe: {  	s6 =	sand.u32 $0x7E0000, s18;
	s17 =	sadd.s32 s7, s10;
	[dreg:$0x7] =	wrdreg s15  }
0xf: {  	s5 =	sadd.s32 s4, s7;
	s7 =	sadd.s32 s7, s12;
	[dreg:$0x8] =	wrdreg s17  }
0x10: {  	s0 =	sand.u32 $0xF80, s0;
	s20 =	sand.u32 $0x7E0000, s11;
	[dreg:$0x9] =	wrdreg s7  }
0x11: {  	s9 =	sand.u32 $0xF80, s9;
	s17 =	smax.u32 s1, $0x1;
	[dreg:$0x6] =	wrdreg s5  }
0x12: {  	s0 =	sor.u32 s0, s6;
	s18 =	sadd.s32 $0x4000, s5;
	[dreg:$0x1a] =	wrdreg s17  }
0x13: {  	s6 =	sor.u32 s9, s20;
	s19 =	sadd.s32 $0x5000, s5;
	[dreg:$0x1b] =	wrdreg s18  }
0x14: {  	s0 =	sadd.s32 s0, s4;
	s20 =	sadd.s32 $0x6000, s5;
	[dreg:$0x1c] =	wrdreg s19  }
0x15: {  	s7 =	sshll.u32 s31, $0x4;
	s31 =	sadd.s32 $0xF000, s5;
	[dreg:$0x1d] =	wrdreg s20  }
0x16: {  	s21 =	sadd.s32 $0x10000, s0;
	[smem:$0x7FD] =	sst s31  }
0x17: {  	s22 =	sadd.s32 $0x11000, s0;
	[dreg:$0xa] =	wrdreg s21  }
0x18: {  	s23 =	sadd.s32 $0x12000, s0;
	[dreg:$0xb] =	wrdreg s22  }
0x19: {  	s6 =	sadd.s32 s6, s4;
	s0 =	sadd.s32 $0x13000, s0;
	[dreg:$0xc] =	wrdreg s23  }
0x1a: {  	s25 =	sadd.s32 $0x14000, s6;
	[dreg:$0xd] =	wrdreg s0  }
0x1b: {  	s26 =	sadd.s32 $0x15000, s6;
	[dreg:$0xe] =	wrdreg s25  }
0x1c: {  	s28 =	sadd.s32 $0x16000, s6;
	[dreg:$0xf] =	wrdreg s26  }
0x1d: {  	s29 =	sadd.s32 $0xC6, s14;
	s6 =	sadd.s32 $0x17000, s6;
	[dreg:$0x10] =	wrdreg s28  }
0x1e: {  	s30 =	sshll.u32 s29, $0x9;
	[dreg:$0x11] =	wrdreg s6;
	s21 =	sadd.s32 $0x7000, s5  }
0x1f: {  	s7 =	sand.u32 $0xF80, s7;
	s22 =	sadd.s32 $0x8000, s5;
	[dreg:$0x1e] =	wrdreg s21  }
0x20: {  	s0 =	sshll.u32 s29, $0x4;
	s23 =	sadd.s32 $0x9000, s5;
	[dreg:$0x1f] =	wrdreg s22  }
0x21: {  	s6 =	sand.u32 $0x7E0000, s30;
	s25 =	sadd.s32 $0xA000, s5;
	[smem:$0x7F7] =	sst s23  }
0x22: {  	s26 =	sadd.s32 $0xB000, s5;
	s28 =	sadd.s32 $0xC000, s5;
	[smem:$0x7F8] =	sst s25  }
0x23: {  	s29 =	sadd.s32 $0xD000, s5;
	s0 =	sand.u32 $0xF80, s0;
	[smem:$0x7F9] =	sst s26  }
0x24: {  	s30 =	sadd.s32 $0xE000, s5;
	[smem:$0x7FA] =	sst s28;
	s0 =	sor.u32 s0, s6  }
0x25: {  	[smem:$0x7FB] =	sst s29;
	s6 =	sand.u32 $0x7E0000, s2;
	s0 =	sadd.s32 s0, s4  }
0x26: {  	[smem:$0x7FC] =	sst s30;
	s6 =	sor.u32 s7, s6;
	s7 =	sadd.s32 $0x18000, s0  }
0x27: {  	v0 =	vlaneseq.u32;
	s9 =	sadd.s32 $0x19000, s0;
	[dreg:$0x12] =	wrdreg s7  }
0x28: {  	v0 =	vmul.u32 $0x80, v0;
	s11 =	sadd.s32 $0x1A000, s0;
	[dreg:$0x13] =	wrdreg s9  }
0x29: {  	s0 =	sadd.s32 $0x1B000, s0;
	s13 =	sadd.s32 s6, s4;
	[dreg:$0x14] =	wrdreg s11  }
0x2a: {  	v1 =	vor.u32 $0x800, v0;
	v2 =	vor.u32 $0x1, v0;
	v3 =	vor.u32 $0x801, v0;
	[dreg:$0x15] =	wrdreg s0;
	s14 =	sadd.s32 $0x1C000, s13  }
0x2b: {  	v4 =	vor.u32 $0x2, v0;
	v5 =	vor.u32 $0x802, v0;
	v6 =	vor.u32 $0x3, v0;
	s15 =	sadd.s32 $0x1D000, s13;
	[dreg:$0x16] =	wrdreg s14  }
0x2c: {  	v7 =	vor.u32 $0x803, v0;
	v8 =	vor.u32 $0x4, v0;
	v9 =	vor.u32 $0x804, v0;
	s5 =	simm.s32 $0x100;
	s16 =	sadd.s32 $0x1E000, s13;
	[dreg:$0x17] =	wrdreg s15  }
0x2d: {  	v10 =	vor.u32 $0x5, v0;
	v11 =	vor.u32 $0x805, v0;
	v12 =	vor.u32 $0x6, v0;
	s25 =	simm.s32 $0x16400;
	s0 =	sadd.s32 $0x1F000, s13;
	[dreg:$0x18] =	wrdreg s16  }
0x2e: {  	v13 =	vor.u32 $0x806, v0;
	v14 =	vor.u32 $0x7, v0;
	v15 =	vor.u32 $0x807, v0;
	s2 =	simm.s32 $0x0;
	s6 =	simm.s32 $0x18400;
	[dreg:$0x19] =	wrdreg s0  }
.LBB2_1:
0x2f: {  	[smem:$0x7F6] =	sst s2  }
0x30: {  	s0 =	rddreg [dreg:$0x5];
	s28 =	simm.s32 $0x3  }
0x31: {  	[tilespmem:s3], [sflag:$0x3] =	stream.linear.gather [hbm4b:s0+s3], $0x6400, $0x38;
	[tilespmem:$0x1A400] =	vst v63  }
0x32: {  	_ =	swait.ge [sflag:s28], $0x6400  }
0x33: {  	[sflag:s28] =	ssyncset.done $0x0  }
0x34: {  	s29 =	simm.s32 $0x6400;
	[sflag:s28] =	ssyncadd.s32 $0xFFFF9C00  }
0x35: {  	[tilespmem:s29], [sflag:$0x1] =	stream.indirect.gather [hbm4b:s24+s5], $0x80, s3, s5, $0xb8;
	[tilespmem:$0x1A400] =	vst v63  }
0x36: {  	s30 =	simm.s32 $0xE400;
	s31 =	simm.s32 $0x1  }
0x37: {  	[tilespmem:s30], [sflag:$0x1] =	stream.indirect.gather [hbm4b:s24+s5], $0x80, s5, s5, $0xb8;
	[tilespmem:$0x1A400] =	vst v63  }
0x38: {  	s7 =	simm.s32 $0xF;
	_ =	swait.ge [sflag:s31], $0x8000  }
0x39: {  	s20 =	sand.u32 $0x1000, s3;
	s19 =	simm.s32 $0x0;
	[sflag:s31] =	ssyncset.done $0x0  }
0x3a: {  	s22 =	sand.u32 $0x7F, s7;
	s7 =	simm.s32 $0x6800;
	[sflag:s31] =	ssyncadd.s32 $0xFFFF8000  }
0x3b: {  	s23 =	sand.u32 $0x70, s19;
	s22 =	sor.u32 s22, s20;
	v16 =	vld [tilespmem:s7+$0x380]  }
0x3c: {  	s26 =	simm.s32 $0x1;
	s23 =	sor.u32 s23, s20;
	v17 =	vor.u32 s22, v14;
	v18 =	vld [tilespmem:s7+$0x390]  }
0x3d: {  	s1 =	sand.u32 $0x71, s26;
	v20 =	vor.u32 s23, v0;
	v21 =	vld [tilespmem:s7+$0xFFFFFC00]  }
0x3e: {  	v19 =	vor.u32 s22, v15;
	s22 =	sor.u32 s1, s20;
	v23 =	vld [tilespmem:s7+$0xFFFFFC10]  }
0x3f: {  	s2 =	simm.s32 $0x2;
	v24 =	vor.u32 s22, v2;
	v25 =	vld [tilespmem:s7+$0xFFFFFC80]  }
0x40: {  	s11 =	simm.s32 $0x3;
	s9 =	sand.u32 $0x72, s2;
	v22 =	vor.u32 s23, v1;
	v27 =	vld [tilespmem:s7+$0xFFFFFC90]  }
0x41: {  	s13 =	simm.s32 $0x5;
	s14 =	simm.s32 $0x9;
	s23 =	sor.u32 s9, s20;
	v26 =	vor.u32 s22, v3;
	v35 =	vld [tilespmem:s7+$0xFFFFFE00];
	[tilespmem:v17+s25+$0x0] =	vst.idx.msk $0xffff, v16  }
0x42: {  	s15 =	simm.s32 $0xB;
	s26 =	sand.u32 $0x73, s11;
	s28 =	simm.s32 $0x4;
	v16 =	vor.u32 s23, v4;
	v17 =	vld [tilespmem:s7+$0xFFFFFD00];
	[tilespmem:v20+s25+$0x0] =	vst.idx.msk $0xffff, v21  }
0x43: {  	s16 =	simm.s32 $0xD;
	s26 =	sor.u32 s26, s20;
	s28 =	sand.u32 $0x74, s28;
	[tilespmem:v19+s25+$0x0] =	vst.idx.msk $0xffff, v18;
	v18 =	vor.u32 s23, v5;
	v19 =	vld [tilespmem:s7+$0xFFFFFD10]  }
0x44: {  	s11 =	simm.s32 $0xE;
	s0 =	sand.u32 $0x7B, s15;
	s28 =	sor.u32 s28, s20;
	v20 =	vor.u32 s26, v6;
	v21 =	vld [tilespmem:s7+$0xFFFFFD80];
	[tilespmem:v24+s25+$0x0] =	vst.idx.msk $0xffff, v25  }
0x45: {  	s0 =	sor.u32 s0, s20;
	s1 =	simm.s32 $0xA;
	s9 =	simm.s32 $0xC;
	v39 =	vld [tilespmem:s7+$0xFFFFFE90];
	v24 =	vor.u32 s28, v8;
	[tilespmem:v22+s25+$0x0] =	vst.idx.msk $0xffff, v23  }
0x46: {  	s22 =	sand.u32 $0x75, s13;
	s29 =	simm.s32 $0x6;
	s30 =	simm.s32 $0x7;
	v22 =	vor.u32 s26, v7;
	v23 =	vld [tilespmem:s7+$0xFFFFFD90];
	[tilespmem:v26+s25+$0x0] =	vst.idx.msk $0xffff, v27  }
0x47: {  	s22 =	sor.u32 s22, s20;
	s17 =	sand.u32 $0x76, s29;
	v36 =	vor.u32 s28, v9;
	s18 =	sand.u32 $0x77, s30;
	[tilespmem:v16+s25+$0x0] =	vst.idx.msk $0xffff, v17;
	v16 =	vld [tilespmem:s7+$0xFFFFFE10]  }
0x48: {  	v38 =	vor.u32 s22, v11;
	s29 =	sor.u32 s18, s20;
	s28 =	sor.u32 s17, s20;
	s23 =	sand.u32 $0x79, s14;
	v17 =	vor.u32 s22, v10;
	[tilespmem:v18+s25+$0x0] =	vst.idx.msk $0xffff, v19;
	v18 =	vld [tilespmem:s7+$0xFFFFFE80]  }
0x49: {  	s1 =	sand.u32 $0x7A, s1;
	s31 =	simm.s32 $0x8;
	v31 =	vor.u32 s29, v14;
	v30 =	vor.u32 s29, v15;
	v34 =	vld [tilespmem:s7+$0xFFFFFF00];
	v33 =	vor.u32 s28, v12;
	s23 =	sor.u32 s23, s20;
	[tilespmem:v20+s25+$0x0] =	vst.idx.msk $0xffff, v21  }
0x4a: {  	s9 =	sand.u32 $0x7C, s9;
	s1 =	sor.u32 s1, s20;
	s21 =	sand.u32 $0x78, s31;
	v37 =	vld [tilespmem:s7+$0xFFFFFF90];
	v32 =	vor.u32 s28, v13;
	v27 =	vor.u32 s23, v2;
	v26 =	vor.u32 s23, v3;
	[tilespmem:v24+s25+$0x0] =	vst.idx.msk $0xffff, v35  }
0x4b: {  	s30 =	sor.u32 s9, s20;
	v25 =	vor.u32 s1, v4;
	s28 =	sand.u32 $0x7D, s16;
	s22 =	sor.u32 s21, s20;
	v35 =	vld [tilespmem:s7+$0xFFFFFF10];
	v24 =	vor.u32 s1, v5;
	v21 =	vor.u32 s0, v7;
	[tilespmem:v22+s25+$0x0] =	vst.idx.msk $0xffff, v23  }
0x4c: {  	s29 =	sand.u32 $0x7E, s11;
	s31 =	sor.u32 s28, s20;
	v20 =	vor.u32 s30, v9;
	v29 =	vor.u32 s22, v0;
	v28 =	vor.u32 s22, v1;
	[tilespmem:v36+s25+$0x0] =	vst.idx.msk $0xffff, v16;
	v36 =	vld [tilespmem:s7+$0xFFFFFF80]  }
0x4d: {  	v23 =	vor.u32 s0, v6;
	s0 =	sor.u32 s29, s20;
	v22 =	vor.u32 s30, v8;
	v19 =	vor.u32 s31, v10;
	[tilespmem:v17+s25+$0x0] =	vst.idx.msk $0xffff, v18  }
0x4e: {  	s20 =	simm.s32 $0x0;
	v16 =	vor.u32 s0, v13;
	v18 =	vor.u32 s31, v11;
	v17 =	vor.u32 s0, v12;
	[tilespmem:v38+s25+$0x0] =	vst.idx.msk $0xffff, v39;
	v38 =	vld [tilespmem:s7+$0x0]  }
.LBB2_2:
0x4f: {  	[tilespmem:v33+s25+$0x0] =	vst.idx.msk $0xffff, v34;
	v33 =	vld [tilespmem:s7+$0x10];
	s0 =	smov.u32 s19;
	s19 =	sadd.s32 $0x10, s19  }
0x50: {  	s1 =	sadd.s32 $0x11, s0;
	s9 =	sadd.s32 $0x12, s0;
	s11 =	sadd.s32 $0x13, s0;
	[tilespmem:v32+s25+$0x0] =	vst.idx.msk $0xffff, v35;
	v32 =	vld [tilespmem:s7+$0x80]  }
0x51: {  	s22 =	sadd.s32 $0x14, s0;
	s23 =	sadd.s32 $0x15, s0;
	s26 =	sadd.s32 $0x16, s0;
	[tilespmem:v31+s25+$0x0] =	vst.idx.msk $0xffff, v36;
	v31 =	vld [tilespmem:s7+$0x90]  }
0x52: {  	s28 =	sadd.s32 $0x17, s0;
	s29 =	sadd.s32 $0x18, s0;
	s30 =	sadd.s32 $0x19, s0;
	[tilespmem:v30+s25+$0x0] =	vst.idx.msk $0xffff, v37;
	v30 =	vld [tilespmem:s7+$0x100]  }
0x53: {  	s31 =	sadd.s32 $0x1A, s0;
	s13 =	sadd.s32 $0x1B, s0;
	s14 =	sadd.s32 $0x1C, s0;
	[tilespmem:v29+s25+$0x0] =	vst.idx.msk $0xffff, v38;
	v29 =	vld [tilespmem:s7+$0x110]  }
0x54: {  	s15 =	sand.u32 $0x70, s19;
	s16 =	sadd.s32 $0x1D, s0;
	s17 =	sadd.s32 $0x1E, s0;
	[tilespmem:v28+s25+$0x0] =	vst.idx.msk $0xffff, v33;
	v28 =	vld [tilespmem:s7+$0x180]  }
0x55: {  	s1 =	sand.u32 $0x71, s1;
	s9 =	sand.u32 $0x72, s9;
	s11 =	sand.u32 $0x73, s11;
	[tilespmem:v27+s25+$0x0] =	vst.idx.msk $0xffff, v32;
	v27 =	vld [tilespmem:s7+$0x190]  }
0x56: {  	s22 =	sand.u32 $0x74, s22;
	s23 =	sand.u32 $0x75, s23;
	s26 =	sand.u32 $0x76, s26;
	[tilespmem:v26+s25+$0x0] =	vst.idx.msk $0xffff, v31;
	v26 =	vld [tilespmem:s7+$0x200]  }
0x57: {  	s28 =	sand.u32 $0x77, s28;
	s29 =	sand.u32 $0x78, s29;
	s30 =	sand.u32 $0x79, s30;
	[tilespmem:v25+s25+$0x0] =	vst.idx.msk $0xffff, v30;
	v25 =	vld [tilespmem:s7+$0x210]  }
0x58: {  	s31 =	sand.u32 $0x7A, s31;
	s13 =	sand.u32 $0x7B, s13;
	s14 =	sand.u32 $0x7C, s14;
	[tilespmem:v24+s25+$0x0] =	vst.idx.msk $0xffff, v29;
	v24 =	vld [tilespmem:s7+$0x280]  }
0x59: {  	s20 =	sadd.s32 $0x200, s20;
	s0 =	sadd.s32 $0x1F, s0;
	s16 =	sand.u32 $0x7D, s16;
	[tilespmem:v23+s25+$0x0] =	vst.idx.msk $0xffff, v28;
	v23 =	vld [tilespmem:s7+$0x290]  }
0x5a: {  	s2 =	sand.u32 $0x1000, s20;
	s17 =	sand.u32 $0x7E, s17;
	s0 =	sand.u32 $0x7F, s0;
	[tilespmem:v21+s25+$0x0] =	vst.idx.msk $0xffff, v27;
	v21 =	vld [tilespmem:s7+$0x300]  }
0x5b: {  	s15 =	sor.u32 s15, s2;
	s0 =	sor.u32 s0, s2;
	[tilespmem:v22+s25+$0x0] =	vst.idx.msk $0xffff, v26;
	v22 =	vld [tilespmem:s7+$0x310];
	s7 =	sadd.s32 $0x800, s7  }
0x5c: {  	v34 =	vor.u32 s15, v1;
	s1 =	sor.u32 s1, s2;
	s9 =	sor.u32 s9, s2;
	s11 =	sor.u32 s11, s2;
	v28 =	vor.u32 s0, v14;
	v26 =	vor.u32 s15, v0;
	v27 =	vld [tilespmem:s7+$0x380];
	[tilespmem:v20+s25+$0x0] =	vst.idx.msk $0xffff, v25  }
0x5d: {  	v35 =	vor.u32 s1, v3;
	v36 =	vor.u32 s0, v15;
	s15 =	sor.u32 s23, s2;
	v20 =	vor.u32 s1, v2;
	s1 =	sor.u32 s22, s2;
	s22 =	sor.u32 s26, s2;
	v25 =	vld [tilespmem:s7+$0x390];
	[tilespmem:v19+s25+$0x0] =	vst.idx.msk $0xffff, v24  }
0x5e: {  	v37 =	vor.u32 s9, v4;
	v38 =	vor.u32 s9, v5;
	v39 =	vor.u32 s11, v6;
	s9 =	sor.u32 s29, s2;
	s0 =	sor.u32 s28, s2;
	s23 =	sor.u32 s30, s2;
	v19 =	vld [tilespmem:s7+$0xFFFFFC00];
	[tilespmem:v18+s25+$0x0] =	vst.idx.msk $0xffff, v23  }
0x5f: {  	v40 =	vor.u32 s11, v7;
	s11 =	sor.u32 s13, s2;
	s13 =	sor.u32 s14, s2;
	v41 =	vor.u32 s1, v8;
	v42 =	vor.u32 s1, v9;
	s1 =	sor.u32 s31, s2;
	v18 =	vld [tilespmem:s7+$0xFFFFFC10];
	[tilespmem:v17+s25+$0x0] =	vst.idx.msk $0xffff, v21  }
0x60: {  	p0 =	slt.u32 s19, $0xF0;
	s14 =	sor.u32 s16, s2;
	v43 =	vor.u32 s15, v10;
	v44 =	vor.u32 s15, v11;
	v33 =	vor.u32 s22, v12;
	s2 =	sor.u32 s17, s2;
	v17 =	vld [tilespmem:s7+$0xFFFFFC80];
	[tilespmem:v16+s25+$0x0] =	vst.idx.msk $0xffff, v22  }
0x61: {  	v31 =	vor.u32 s0, v14;
	v30 =	vor.u32 s0, v15;
	v32 =	vor.u32 s22, v13;
	v16 =	vld [tilespmem:s7+$0xFFFFFC90];
	[tilespmem:v28+s25+$0x0] =	vst.idx.msk $0xffff, v27  }
0x62: {  	v29 =	vor.u32 s9, v0;
	v28 =	vor.u32 s9, v1;
	v27 =	vor.u32 s23, v2;
	v45 =	vld [tilespmem:s7+$0xFFFFFD00];
	[tilespmem:v36+s25+$0x0] =	vst.idx.msk $0xffff, v25  }
0x63: {  	v24 =	vor.u32 s1, v5;
	v25 =	vor.u32 s1, v4;
	[tilespmem:v26+s25+$0x0] =	vst.idx.msk $0xffff, v19;
	v36 =	vld [tilespmem:s7+$0xFFFFFD10];
	v26 =	vor.u32 s23, v3  }
0x64: {  	v23 =	vor.u32 s11, v6;
	v21 =	vor.u32 s11, v7;
	v22 =	vor.u32 s13, v8;
	[tilespmem:v34+s25+$0x0] =	vst.idx.msk $0xffff, v18;
	v34 =	vld [tilespmem:s7+$0xFFFFFD80]  }
0x65: {  	v19 =	vor.u32 s14, v10;
	v18 =	vor.u32 s14, v11;
	[tilespmem:v20+s25+$0x0] =	vst.idx.msk $0xffff, v17;
	v46 =	vld [tilespmem:s7+$0xFFFFFD90];
	v20 =	vor.u32 s13, v9  }
0x66: {  	v17 =	vor.u32 s2, v12;
	[tilespmem:v35+s25+$0x0] =	vst.idx.msk $0xffff, v16;
	v35 =	vld [tilespmem:s7+$0xFFFFFE00];
	v16 =	vor.u32 s2, v13  }
0x67: {  	[tilespmem:v37+s25+$0x0] =	vst.idx.msk $0xffff, v45;
	v37 =	vld [tilespmem:s7+$0xFFFFFE10]  }
0x68: {  	[tilespmem:v38+s25+$0x0] =	vst.idx.msk $0xffff, v36;
	v38 =	vld [tilespmem:s7+$0xFFFFFE80]  }
0x69: {  	[tilespmem:v39+s25+$0x0] =	vst.idx.msk $0xffff, v34;
	v39 =	vld [tilespmem:s7+$0xFFFFFE90]  }
.Ltmp0:
0x6a: {  	[tilespmem:v40+s25+$0x0] =	vst.idx.msk $0xffff, v46;
	v34 =	vld [tilespmem:s7+$0xFFFFFF00];
	(pc) =	sbr.rel @p0 .LBB2_2-.Ltmp0, $4  }
0x6b: {  	[tilespmem:v41+s25+$0x0] =	vst.idx.msk $0xffff, v35;
	v35 =	vld [tilespmem:s7+$0xFFFFFF10]  }
0x6c: {  	[tilespmem:v42+s25+$0x0] =	vst.idx.msk $0xffff, v37;
	v36 =	vld [tilespmem:s7+$0xFFFFFF80]  }
0x6d: {  	[tilespmem:v43+s25+$0x0] =	vst.idx.msk $0xffff, v38;
	v37 =	vld [tilespmem:s7+$0xFFFFFF90]  }
0x6e: {  	[tilespmem:v44+s25+$0x0] =	vst.idx.msk $0xffff, v39;
	v38 =	vld [tilespmem:s7+$0x0]  }
0x6f: {  	_ =	sdelay $0x3  }
0x70: {  	[tilespmem:v33+s25+$0x0] =	vst.idx.msk $0xffff, v34;
	v59 =	vld [tilespmem:s7+$0x10]  }
0x71: {  	v60 =	vld [tilespmem:s7+$0x80];
	[tilespmem:v32+s25+$0x0] =	vst.idx.msk $0xffff, v35  }
0x72: {  	[tilespmem:v31+s25+$0x0] =	vst.idx.msk $0xffff, v36;
	v31 =	vld [tilespmem:s7+$0x90]  }
0x73: {  	[tilespmem:v30+s25+$0x0] =	vst.idx.msk $0xffff, v37;
	v30 =	vld [tilespmem:s7+$0x100]  }
0x74: {  	[tilespmem:v29+s25+$0x0] =	vst.idx.msk $0xffff, v38;
	v29 =	vld [tilespmem:s7+$0x110]  }
0x75: {  	[tilespmem:v28+s25+$0x0] =	vst.idx.msk $0xffff, v59;
	v28 =	vld [tilespmem:s7+$0x180]  }
0x76: {  	[tilespmem:v27+s25+$0x0] =	vst.idx.msk $0xffff, v60;
	v27 =	vld [tilespmem:s7+$0x190]  }
0x77: {  	[tilespmem:v26+s25+$0x0] =	vst.idx.msk $0xffff, v31;
	v26 =	vld [tilespmem:s7+$0x200]  }
0x78: {  	[tilespmem:v25+s25+$0x0] =	vst.idx.msk $0xffff, v30;
	v25 =	vld [tilespmem:s7+$0x210]  }
0x79: {  	[tilespmem:v24+s25+$0x0] =	vst.idx.msk $0xffff, v29;
	v24 =	vld [tilespmem:s7+$0x280]  }
0x7a: {  	[tilespmem:v23+s25+$0x0] =	vst.idx.msk $0xffff, v28;
	v23 =	vld [tilespmem:s7+$0x290]  }
0x7b: {  	[tilespmem:v21+s25+$0x0] =	vst.idx.msk $0xffff, v27;
	v21 =	vld [tilespmem:s7+$0x300]  }
0x7c: {  	[tilespmem:v22+s25+$0x0] =	vst.idx.msk $0xffff, v26;
	v22 =	vld [tilespmem:s7+$0x310]  }
0x7d: {  	[tilespmem:v20+s25+$0x0] =	vst.idx.msk $0xffff, v25  }
0x7e: {  	[tilespmem:v19+s25+$0x0] =	vst.idx.msk $0xffff, v24  }
0x7f: {  	[tilespmem:v18+s25+$0x0] =	vst.idx.msk $0xffff, v23  }
0x80: {  	[tilespmem:v17+s25+$0x0] =	vst.idx.msk $0xffff, v21  }
0x81: {  	[tilespmem:v16+s25+$0x0] =	vst.idx.msk $0xffff, v22  }
0x82: {  	s19 =	simm.s32 $0x0;
	s0 =	rddreg [dreg:$0x6]  }
0x83: {  	[hbm4b:s0+s19] =	stream.linear.scatter [tilespmem:s25], [sflag:$0x2], $0x400, $0x38;
	[tilespmem:$0x1A400] =	vst v63  }
0x84: {  	s1 =	simm.s32 $0x16800;
	s22 =	rddreg [dreg:$0x7]  }
0x85: {  	[hbm4b:s22+s19] =	stream.linear.scatter [tilespmem:s1], [sflag:$0x2], $0x400, $0x38;
	[tilespmem:$0x1A400] =	vst v63  }
0x86: {  	s26 =	simm.s32 $0x16C00;
	s23 =	rddreg [dreg:$0x8]  }
0x87: {  	[hbm4b:s23+s19] =	stream.linear.scatter [tilespmem:s26], [sflag:$0x2], $0x400, $0x38;
	[tilespmem:$0x1A400] =	vst v63  }
0x88: {  	s29 =	simm.s32 $0x17000;
	s28 =	rddreg [dreg:$0x9]  }
0x89: {  	[hbm4b:s28+s19] =	stream.linear.scatter [tilespmem:s29], [sflag:$0x2], $0x400, $0x38;
	[tilespmem:$0x1A400] =	vst v63  }
0x8a: {  	s31 =	simm.s32 $0x17400;
	s30 =	rddreg [dreg:$0x1b]  }
0x8b: {  	[hbm4b:s30+s19] =	stream.linear.scatter [tilespmem:s31], [sflag:$0x2], $0x400, $0x38;
	[tilespmem:$0x1A400] =	vst v63  }
0x8c: {  	s2 =	simm.s32 $0x17800;
	s1 =	rddreg [dreg:$0x1c]  }
0x8d: {  	[hbm4b:s1+s19] =	stream.linear.scatter [tilespmem:s2], [sflag:$0x2], $0x400, $0x38;
	[tilespmem:$0x1A400] =	vst v63  }
0x8e: {  	s9 =	simm.s32 $0x17C00;
	s7 =	rddreg [dreg:$0x1d]  }
0x8f: {  	[hbm4b:s7+s19] =	stream.linear.scatter [tilespmem:s9], [sflag:$0x2], $0x400, $0x38;
	[tilespmem:$0x1A400] =	vst v63  }
0x90: {  	s13 =	simm.s32 $0x18000;
	s14 =	simm.s32 $0x6400;
	s11 =	rddreg [dreg:$0x1e]  }
0x91: {  	[hbm4b:s11+s19] =	stream.linear.scatter [tilespmem:s13], [sflag:$0x2], $0x400, $0x38;
	[tilespmem:$0x1A400] =	vst v63  }
0x92: {  	s15 =	simm.s32 $0x200;
	s16 =	simm.s32 $0x1;
	s20 =	simm.s32 $0x0  }
0x93: {  	[tilespmem:s14], [sflag:$0x1] =	stream.indirect.gather [hbm4b:s24+s5], $0x80, s15, s5, $0xb8;
	[tilespmem:$0x1A400] =	vst v63  }
0x94: {  	s17 =	simm.s32 $0xF;
	s18 =	sand.u32 $0x70, s20;
	_ =	swait.ge [sflag:s16], $0x8000  }
0x95: {  	s0 =	sand.u32 $0x7F, s17;
	s22 =	sand.u32 $0x1000, s19;
	[sflag:s16] =	ssyncset.done $0x0  }
0x96: {  	s0 =	sor.u32 s0, s22;
	s7 =	simm.s32 $0xE800;
	[sflag:s16] =	ssyncadd.s32 $0xFFFF8000  }
0x97: {  	v17 =	vor.u32 s0, v14;
	s2 =	simm.s32 $0x1;
	s1 =	sor.u32 s18, s22;
	v16 =	vld [tilespmem:s7+$0x380]  }
0x98: {  	s21 =	sand.u32 $0x71, s2;
	v20 =	vor.u32 s1, v0;
	v21 =	vld [tilespmem:s7+$0xFFFFFC00]  }
0x99: {  	v19 =	vor.u32 s0, v15;
	s0 =	sor.u32 s21, s22;
	v18 =	vld [tilespmem:s7+$0x390]  }
0x9a: {  	s23 =	simm.s32 $0x2;
	v24 =	vor.u32 s0, v2;
	v25 =	vld [tilespmem:s7+$0xFFFFFC80]  }
0x9b: {  	s26 =	sand.u32 $0x72, s23;
	v22 =	vor.u32 s1, v1;
	v23 =	vld [tilespmem:s7+$0xFFFFFC10]  }
0x9c: {  	s17 =	simm.s32 $0xC;
	s28 =	simm.s32 $0x3;
	s1 =	sor.u32 s26, s22;
	v26 =	vor.u32 s0, v3;
	v27 =	vld [tilespmem:s7+$0xFFFFFC90];
	[tilespmem:v17+s6+$0x0] =	vst.idx.msk $0xffff, v16  }
0x9d: {  	s23 =	simm.s32 $0xE;
	s2 =	sand.u32 $0x73, s28;
	s9 =	simm.s32 $0x4;
	v16 =	vor.u32 s1, v4;
	v17 =	vld [tilespmem:s7+$0xFFFFFD00];
	[tilespmem:v20+s6+$0x0] =	vst.idx.msk $0xffff, v21  }
0x9e: {  	s29 =	simm.s32 $0x5;
	s2 =	sor.u32 s2, s22;
	s9 =	sand.u32 $0x74, s9;
	[tilespmem:v19+s6+$0x0] =	vst.idx.msk $0xffff, v18;
	v18 =	vor.u32 s1, v5;
	v19 =	vld [tilespmem:s7+$0xFFFFFD10]  }
0x9f: {  	s30 =	simm.s32 $0x9;
	s31 =	simm.s32 $0xD;
	s9 =	sor.u32 s9, s22;
	v20 =	vor.u32 s2, v6;
	v21 =	vld [tilespmem:s7+$0xFFFFFD80];
	[tilespmem:v24+s6+$0x0] =	vst.idx.msk $0xffff, v25  }
0xa0: {  	s0 =	sand.u32 $0x75, s29;
	s11 =	simm.s32 $0x6;
	s13 =	simm.s32 $0x7;
	v61 =	vld [tilespmem:s7+$0xFFFFFE00];
	v24 =	vor.u32 s9, v8;
	[tilespmem:v22+s6+$0x0] =	vst.idx.msk $0xffff, v23  }
0xa1: {  	s0 =	sor.u32 s0, s22;
	s18 =	sand.u32 $0x76, s11;
	s21 =	sand.u32 $0x77, s13;
	v22 =	vor.u32 s2, v7;
	v23 =	vld [tilespmem:s7+$0xFFFFFD90];
	[tilespmem:v26+s6+$0x0] =	vst.idx.msk $0xffff, v27  }
0xa2: {  	v62 =	vor.u32 s9, v9;
	s14 =	simm.s32 $0x8;
	s15 =	simm.s32 $0xA;
	s11 =	sor.u32 s21, s22;
	[tilespmem:v16+s6+$0x0] =	vst.idx.msk $0xffff, v17;
	v16 =	vld [tilespmem:s7+$0xFFFFFE10]  }
0xa3: {  	v63 =	vor.u32 s0, v11;
	s26 =	sand.u32 $0x78, s14;
	s9 =	sor.u32 s18, s22;
	s1 =	sand.u32 $0x79, s30;
	v17 =	vor.u32 s0, v10;
	[tilespmem:v18+s6+$0x0] =	vst.idx.msk $0xffff, v19;
	v18 =	vld [tilespmem:s7+$0xFFFFFE80]  }
0xa4: {  	s28 =	sand.u32 $0x7A, s15;
	v31 =	vor.u32 s11, v14;
	v30 =	vor.u32 s11, v15;
	v39 =	vld [tilespmem:s7+$0xFFFFFE90];
	v33 =	vor.u32 s9, v12;
	s30 =	sand.u32 $0x7C, s17;
	s1 =	sor.u32 s1, s22;
	[tilespmem:v20+s6+$0x0] =	vst.idx.msk $0xffff, v21  }
0xa5: {  	s16 =	simm.s32 $0xB;
	v34 =	vld [tilespmem:s7+$0xFFFFFF00];
	v32 =	vor.u32 s9, v13;
	s9 =	sor.u32 s28, s22;
	v27 =	vor.u32 s1, v2;
	v26 =	vor.u32 s1, v3;
	s1 =	sor.u32 s30, s22;
	[tilespmem:v24+s6+$0x0] =	vst.idx.msk $0xffff, v61  }
0xa6: {  	s29 =	sand.u32 $0x7B, s16;
	v35 =	vld [tilespmem:s7+$0xFFFFFF10];
	s2 =	sand.u32 $0x7D, s31;
	v25 =	vor.u32 s9, v4;
	s0 =	sor.u32 s26, s22;
	v24 =	vor.u32 s9, v5;
	v20 =	vor.u32 s1, v9;
	[tilespmem:v22+s6+$0x0] =	vst.idx.msk $0xffff, v23  }
0xa7: {  	v36 =	vld [tilespmem:s7+$0xFFFFFF80];
	s31 =	sand.u32 $0x7E, s23;
	s2 =	sor.u32 s2, s22;
	v29 =	vor.u32 s0, v0;
	v28 =	vor.u32 s0, v1;
	s0 =	sor.u32 s29, s22;
	v22 =	vor.u32 s1, v8;
	[tilespmem:v62+s6+$0x0] =	vst.idx.msk $0xffff, v16  }
0xa8: {  	v37 =	vld [tilespmem:s7+$0xFFFFFF90];
	v19 =	vor.u32 s2, v10;
	v23 =	vor.u32 s0, v6;
	v21 =	vor.u32 s0, v7;
	s0 =	sor.u32 s31, s22;
	[tilespmem:v17+s6+$0x0] =	vst.idx.msk $0xffff, v18  }
0xa9: {  	v38 =	vld [tilespmem:s7+$0x0];
	v16 =	vor.u32 s0, v13;
	v18 =	vor.u32 s2, v11;
	v17 =	vor.u32 s0, v12;
	[tilespmem:v63+s6+$0x0] =	vst.idx.msk $0xffff, v39  }
.LBB2_4:
0xaa: {  	[tilespmem:v33+s6+$0x0] =	vst.idx.msk $0xffff, v34;
	v33 =	vld [tilespmem:s7+$0x10];
	s0 =	smov.u32 s20;
	s20 =	sadd.s32 $0x10, s20  }
0xab: {  	s1 =	sadd.s32 $0x11, s0;
	s2 =	sadd.s32 $0x12, s0;
	s9 =	sadd.s32 $0x13, s0;
	[tilespmem:v32+s6+$0x0] =	vst.idx.msk $0xffff, v35;
	v32 =	vld [tilespmem:s7+$0x80]  }
0xac: {  	s11 =	sadd.s32 $0x14, s0;
	s13 =	sadd.s32 $0x15, s0;
	s14 =	sadd.s32 $0x16, s0;
	[tilespmem:v31+s6+$0x0] =	vst.idx.msk $0xffff, v36;
	v31 =	vld [tilespmem:s7+$0x90]  }
0xad: {  	s15 =	sadd.s32 $0x17, s0;
	s16 =	sadd.s32 $0x18, s0;
	s17 =	sadd.s32 $0x19, s0;
	[tilespmem:v30+s6+$0x0] =	vst.idx.msk $0xffff, v37;
	v30 =	vld [tilespmem:s7+$0x100]  }
0xae: {  	s22 =	sadd.s32 $0x1A, s0;
	s23 =	sadd.s32 $0x1B, s0;
	s26 =	sadd.s32 $0x1C, s0;
	[tilespmem:v29+s6+$0x0] =	vst.idx.msk $0xffff, v38;
	v29 =	vld [tilespmem:s7+$0x110]  }
0xaf: {  	s28 =	sand.u32 $0x70, s20;
	s29 =	sadd.s32 $0x1D, s0;
	s30 =	sadd.s32 $0x1E, s0;
	[tilespmem:v28+s6+$0x0] =	vst.idx.msk $0xffff, v33;
	v28 =	vld [tilespmem:s7+$0x180]  }
0xb0: {  	s1 =	sand.u32 $0x71, s1;
	s2 =	sand.u32 $0x72, s2;
	s9 =	sand.u32 $0x73, s9;
	[tilespmem:v27+s6+$0x0] =	vst.idx.msk $0xffff, v32;
	v27 =	vld [tilespmem:s7+$0x190]  }
0xb1: {  	s11 =	sand.u32 $0x74, s11;
	s13 =	sand.u32 $0x75, s13;
	s14 =	sand.u32 $0x76, s14;
	[tilespmem:v26+s6+$0x0] =	vst.idx.msk $0xffff, v31;
	v26 =	vld [tilespmem:s7+$0x200]  }
0xb2: {  	s15 =	sand.u32 $0x77, s15;
	s16 =	sand.u32 $0x78, s16;
	s17 =	sand.u32 $0x79, s17;
	[tilespmem:v25+s6+$0x0] =	vst.idx.msk $0xffff, v30;
	v25 =	vld [tilespmem:s7+$0x210]  }
0xb3: {  	s22 =	sand.u32 $0x7A, s22;
	s23 =	sand.u32 $0x7B, s23;
	s26 =	sand.u32 $0x7C, s26;
	[tilespmem:v24+s6+$0x0] =	vst.idx.msk $0xffff, v29;
	v24 =	vld [tilespmem:s7+$0x280]  }
0xb4: {  	s19 =	sadd.s32 $0x200, s19;
	s0 =	sadd.s32 $0x1F, s0;
	s29 =	sand.u32 $0x7D, s29;
	[tilespmem:v23+s6+$0x0] =	vst.idx.msk $0xffff, v28;
	v23 =	vld [tilespmem:s7+$0x290]  }
0xb5: {  	s31 =	sand.u32 $0x1000, s19;
	s30 =	sand.u32 $0x7E, s30;
	s0 =	sand.u32 $0x7F, s0;
	[tilespmem:v21+s6+$0x0] =	vst.idx.msk $0xffff, v27;
	v21 =	vld [tilespmem:s7+$0x300]  }
0xb6: {  	s28 =	sor.u32 s28, s31;
	s0 =	sor.u32 s0, s31;
	[tilespmem:v22+s6+$0x0] =	vst.idx.msk $0xffff, v26;
	v22 =	vld [tilespmem:s7+$0x310];
	s7 =	sadd.s32 $0x800, s7  }
0xb7: {  	v34 =	vor.u32 s28, v1;
	s1 =	sor.u32 s1, s31;
	s2 =	sor.u32 s2, s31;
	s9 =	sor.u32 s9, s31;
	v28 =	vor.u32 s0, v14;
	v26 =	vor.u32 s28, v0;
	v27 =	vld [tilespmem:s7+$0x380];
	[tilespmem:v20+s6+$0x0] =	vst.idx.msk $0xffff, v25  }
0xb8: {  	v35 =	vor.u32 s1, v3;
	v36 =	vor.u32 s0, v15;
	v20 =	vor.u32 s1, v2;
	s1 =	sor.u32 s11, s31;
	s11 =	sor.u32 s13, s31;
	s13 =	sor.u32 s14, s31;
	v25 =	vld [tilespmem:s7+$0x390];
	[tilespmem:v19+s6+$0x0] =	vst.idx.msk $0xffff, v24  }
0xb9: {  	v37 =	vor.u32 s2, v4;
	v38 =	vor.u32 s2, v5;
	v39 =	vor.u32 s9, v6;
	s2 =	sor.u32 s16, s31;
	s0 =	sor.u32 s15, s31;
	s14 =	sor.u32 s17, s31;
	v19 =	vld [tilespmem:s7+$0xFFFFFC00];
	[tilespmem:v18+s6+$0x0] =	vst.idx.msk $0xffff, v23  }
0xba: {  	v40 =	vor.u32 s9, v7;
	s9 =	sor.u32 s23, s31;
	s15 =	sor.u32 s26, s31;
	v41 =	vor.u32 s1, v8;
	v42 =	vor.u32 s1, v9;
	s1 =	sor.u32 s22, s31;
	v18 =	vld [tilespmem:s7+$0xFFFFFC10];
	[tilespmem:v17+s6+$0x0] =	vst.idx.msk $0xffff, v21  }
0xbb: {  	p0 =	slt.u32 s20, $0xF0;
	s16 =	sor.u32 s30, s31;
	v43 =	vor.u32 s11, v10;
	v44 =	vor.u32 s11, v11;
	v33 =	vor.u32 s13, v12;
	s11 =	sor.u32 s29, s31;
	v17 =	vld [tilespmem:s7+$0xFFFFFC80];
	[tilespmem:v16+s6+$0x0] =	vst.idx.msk $0xffff, v22  }
0xbc: {  	v31 =	vor.u32 s0, v14;
	v30 =	vor.u32 s0, v15;
	v32 =	vor.u32 s13, v13;
	v16 =	vld [tilespmem:s7+$0xFFFFFC90];
	[tilespmem:v28+s6+$0x0] =	vst.idx.msk $0xffff, v27  }
0xbd: {  	v29 =	vor.u32 s2, v0;
	v28 =	vor.u32 s2, v1;
	v27 =	vor.u32 s14, v2;
	v45 =	vld [tilespmem:s7+$0xFFFFFD00];
	[tilespmem:v36+s6+$0x0] =	vst.idx.msk $0xffff, v25  }
0xbe: {  	v24 =	vor.u32 s1, v5;
	v25 =	vor.u32 s1, v4;
	[tilespmem:v26+s6+$0x0] =	vst.idx.msk $0xffff, v19;
	v36 =	vld [tilespmem:s7+$0xFFFFFD10];
	v26 =	vor.u32 s14, v3  }
0xbf: {  	v23 =	vor.u32 s9, v6;
	v21 =	vor.u32 s9, v7;
	v22 =	vor.u32 s15, v8;
	[tilespmem:v34+s6+$0x0] =	vst.idx.msk $0xffff, v18;
	v34 =	vld [tilespmem:s7+$0xFFFFFD80]  }
0xc0: {  	v19 =	vor.u32 s11, v10;
	v18 =	vor.u32 s11, v11;
	[tilespmem:v20+s6+$0x0] =	vst.idx.msk $0xffff, v17;
	v46 =	vld [tilespmem:s7+$0xFFFFFD90];
	v20 =	vor.u32 s15, v9  }
0xc1: {  	v17 =	vor.u32 s16, v12;
	[tilespmem:v35+s6+$0x0] =	vst.idx.msk $0xffff, v16;
	v35 =	vld [tilespmem:s7+$0xFFFFFE00];
	v16 =	vor.u32 s16, v13  }
0xc2: {  	[tilespmem:v37+s6+$0x0] =	vst.idx.msk $0xffff, v45;
	v37 =	vld [tilespmem:s7+$0xFFFFFE10]  }
0xc3: {  	[tilespmem:v38+s6+$0x0] =	vst.idx.msk $0xffff, v36;
	v38 =	vld [tilespmem:s7+$0xFFFFFE80]  }
0xc4: {  	[tilespmem:v39+s6+$0x0] =	vst.idx.msk $0xffff, v34;
	v39 =	vld [tilespmem:s7+$0xFFFFFE90]  }
.Ltmp1:
0xc5: {  	[tilespmem:v40+s6+$0x0] =	vst.idx.msk $0xffff, v46;
	v34 =	vld [tilespmem:s7+$0xFFFFFF00];
	(pc) =	sbr.rel @p0 .LBB2_4-.Ltmp1, $4  }
0xc6: {  	[tilespmem:v41+s6+$0x0] =	vst.idx.msk $0xffff, v35;
	v35 =	vld [tilespmem:s7+$0xFFFFFF10]  }
0xc7: {  	[tilespmem:v42+s6+$0x0] =	vst.idx.msk $0xffff, v37;
	v36 =	vld [tilespmem:s7+$0xFFFFFF80]  }
0xc8: {  	[tilespmem:v43+s6+$0x0] =	vst.idx.msk $0xffff, v38;
	v37 =	vld [tilespmem:s7+$0xFFFFFF90]  }
0xc9: {  	[tilespmem:v44+s6+$0x0] =	vst.idx.msk $0xffff, v39;
	v38 =	vld [tilespmem:s7+$0x0]  }
0xca: {  	_ =	sdelay $0x2  }
0xcb: {  	v51 =	vld [tilespmem:s7+$0x10]  }
0xcc: {  	[tilespmem:v33+s6+$0x0] =	vst.idx.msk $0xffff, v34;
	v52 =	vld [tilespmem:s7+$0x80]  }
0xcd: {  	v53 =	vld [tilespmem:s7+$0x90];
	[tilespmem:v32+s6+$0x0] =	vst.idx.msk $0xffff, v35  }
0xce: {  	v54 =	vld [tilespmem:s7+$0x100];
	[tilespmem:v31+s6+$0x0] =	vst.idx.msk $0xffff, v36  }
0xcf: {  	v56 =	vld [tilespmem:s7+$0x180];
	[tilespmem:v30+s6+$0x0] =	vst.idx.msk $0xffff, v37  }
0xd0: {  	v58 =	vld [tilespmem:s7+$0x200];
	[tilespmem:v29+s6+$0x0] =	vst.idx.msk $0xffff, v38  }
0xd1: {  	v60 =	vld [tilespmem:s7+$0x280];
	[tilespmem:v28+s6+$0x0] =	vst.idx.msk $0xffff, v51  }
0xd2: {  	v62 =	vld [tilespmem:s7+$0x300];
	[tilespmem:v27+s6+$0x0] =	vst.idx.msk $0xffff, v52  }
0xd3: {  	v55 =	vld [tilespmem:s7+$0x110];
	[tilespmem:v25+s6+$0x0] =	vst.idx.msk $0xffff, v54  }
0xd4: {  	v57 =	vld [tilespmem:s7+$0x190];
	[tilespmem:v23+s6+$0x0] =	vst.idx.msk $0xffff, v56  }
0xd5: {  	v59 =	vld [tilespmem:s7+$0x210];
	[tilespmem:v22+s6+$0x0] =	vst.idx.msk $0xffff, v58  }
0xd6: {  	v61 =	vld [tilespmem:s7+$0x290];
	[tilespmem:v19+s6+$0x0] =	vst.idx.msk $0xffff, v60  }
0xd7: {  	v63 =	vld [tilespmem:s7+$0x310];
	[tilespmem:v17+s6+$0x0] =	vst.idx.msk $0xffff, v62  }
0xd8: {  	[tilespmem:v26+s6+$0x0] =	vst.idx.msk $0xffff, v53  }
0xd9: {  	[tilespmem:v24+s6+$0x0] =	vst.idx.msk $0xffff, v55  }
0xda: {  	[tilespmem:v21+s6+$0x0] =	vst.idx.msk $0xffff, v57  }
0xdb: {  	[tilespmem:v20+s6+$0x0] =	vst.idx.msk $0xffff, v59  }
0xdc: {  	[tilespmem:v18+s6+$0x0] =	vst.idx.msk $0xffff, v61  }
0xdd: {  	[tilespmem:v16+s6+$0x0] =	vst.idx.msk $0xffff, v63  }
0xde: {  	s0 =	rddreg [dreg:$0x1f]  }
0xdf: {  	s2 =	simm.s32 $0x0;
	s14 =	sld [smem:$0x7F7]  }
0xe0: {  	[hbm4b:s0+s2] =	stream.linear.scatter [tilespmem:s6], [sflag:$0x2], $0x400, $0x38;
	[tilespmem:$0x1A400] =	vst v63  }
0xe1: {  	s1 =	simm.s32 $0x18800;
	s15 =	sld [smem:$0x7F8]  }
0xe2: {  	[hbm4b:s14+s2] =	stream.linear.scatter [tilespmem:s1], [sflag:$0x2], $0x400, $0x38;
	[tilespmem:$0x1A400] =	vst v63  }
0xe3: {  	s16 =	simm.s32 $0x18C00;
	s17 =	sld [smem:$0x7F9]  }
0xe4: {  	[hbm4b:s15+s2] =	stream.linear.scatter [tilespmem:s16], [sflag:$0x2], $0x400, $0x38;
	[tilespmem:$0x1A400] =	vst v63  }
0xe5: {  	s18 =	simm.s32 $0x19000;
	s19 =	sld [smem:$0x7FA]  }
0xe6: {  	[hbm4b:s17+s2] =	stream.linear.scatter [tilespmem:s18], [sflag:$0x2], $0x400, $0x38;
	[tilespmem:$0x1A400] =	vst v63  }
0xe7: {  	s20 =	simm.s32 $0x19400;
	s21 =	sld [smem:$0x7FB]  }
0xe8: {  	[hbm4b:s19+s2] =	stream.linear.scatter [tilespmem:s20], [sflag:$0x2], $0x400, $0x38;
	[tilespmem:$0x1A400] =	vst v63  }
0xe9: {  	s22 =	simm.s32 $0x19800;
	s23 =	sld [smem:$0x7FC]  }
0xea: {  	[hbm4b:s21+s2] =	stream.linear.scatter [tilespmem:s22], [sflag:$0x2], $0x400, $0x38;
	[tilespmem:$0x1A400] =	vst v63  }
0xeb: {  	s26 =	simm.s32 $0x19C00;
	s28 =	sld [smem:$0x7FD]  }
0xec: {  	[hbm4b:s23+s2] =	stream.linear.scatter [tilespmem:s26], [sflag:$0x2], $0x400, $0x38;
	[tilespmem:$0x1A400] =	vst v63  }
0xed: {  	s29 =	simm.s32 $0x1A000  }
0xee: {  	[hbm4b:s28+s2] =	stream.linear.scatter [tilespmem:s29], [sflag:$0x2], $0x400, $0x38;
	[tilespmem:$0x1A400] =	vst v63  }
0xef: {  	s30 =	simm.s32 $0xE400;
	s31 =	simm.s32 $0x300;
	s20 =	simm.s32 $0x0  }
0xf0: {  	[tilespmem:s30], [sflag:$0x1] =	stream.indirect.gather [hbm4b:s24+s5], $0x80, s31, s5, $0xb8;
	[tilespmem:$0x1A400] =	vst v63  }
.LBB2_6:
0xf1: {  	s0 =	simm.s32 $0x2  }
0xf2: {  	_ =	swait.ge [sflag:s0], $0x2000  }
0xf3: {  	s1 =	simm.s32 $0x1;
	[sflag:s0] =	ssyncset.done $0x0  }
0xf4: {  	s16 =	simm.s32 $0xF;
	s17 =	simm.s32 $0x0;
	[sflag:s0] =	ssyncadd.s32 $0xFFFFE000  }
0xf5: {  	s22 =	simm.s32 $0x6800;
	s19 =	simm.s32 $0x0;
	_ =	swait.ge [sflag:s1], $0x8000  }
0xf6: {  	s23 =	sand.u32 $0x1000, s17;
	s0 =	sand.u32 $0x7F, s16;
	[sflag:s1] =	ssyncset.done $0x0  }
0xf7: {  	s18 =	sand.u32 $0x70, s19;
	s0 =	sor.u32 s0, s23;
	[sflag:s1] =	ssyncadd.s32 $0xFFFF8000  }
0xf8: {  	s2 =	simm.s32 $0x1;
	v17 =	vor.u32 s0, v14;
	s1 =	sor.u32 s18, s23;
	v16 =	vld [tilespmem:s22+$0x380]  }
0xf9: {  	s21 =	sand.u32 $0x71, s2;
	v20 =	vor.u32 s1, v0;
	v21 =	vld [tilespmem:s22+$0xFFFFFC00]  }
0xfa: {  	v19 =	vor.u32 s0, v15;
	s0 =	sor.u32 s21, s23;
	v18 =	vld [tilespmem:s22+$0x390]  }
0xfb: {  	s26 =	simm.s32 $0x2;
	v24 =	vor.u32 s0, v2;
	v25 =	vld [tilespmem:s22+$0xFFFFFC80]  }
0xfc: {  	s28 =	sand.u32 $0x72, s26;
	v22 =	vor.u32 s1, v1;
	v23 =	vld [tilespmem:s22+$0xFFFFFC10]  }
0xfd: {  	s29 =	simm.s32 $0x3;
	s9 =	simm.s32 $0x4;
	v26 =	vor.u32 s0, v3;
	s1 =	sor.u32 s28, s23;
	v27 =	vld [tilespmem:s22+$0xFFFFFC90];
	[tilespmem:v17+s25+$0x0] =	vst.idx.msk $0xffff, v16  }
0xfe: {  	s30 =	simm.s32 $0x5;
	s11 =	simm.s32 $0x6;
	s2 =	sand.u32 $0x73, s29;
	v16 =	vor.u32 s1, v4;
	v17 =	vld [tilespmem:s22+$0xFFFFFD00];
	[tilespmem:v20+s25+$0x0] =	vst.idx.msk $0xffff, v21  }
0xff: {  	s13 =	simm.s32 $0x7;
	s9 =	sand.u32 $0x74, s9;
	s2 =	sor.u32 s2, s23;
	[tilespmem:v19+s25+$0x0] =	vst.idx.msk $0xffff, v18;
	v18 =	vor.u32 s1, v5;
	v19 =	vld [tilespmem:s22+$0xFFFFFD10]  }
0x100: {  	s14 =	simm.s32 $0x8;
	s31 =	simm.s32 $0x9;
	s9 =	sor.u32 s9, s23;
	v20 =	vor.u32 s2, v6;
	v21 =	vld [tilespmem:s22+$0xFFFFFD80];
	[tilespmem:v24+s25+$0x0] =	vst.idx.msk $0xffff, v25  }
0x101: {  	s15 =	simm.s32 $0xA;
	s7 =	simm.s32 $0xD;
	s17 =	simm.s32 $0xC;
	v35 =	vld [tilespmem:s22+$0xFFFFFE00];
	v24 =	vor.u32 s9, v8;
	[tilespmem:v22+s25+$0x0] =	vst.idx.msk $0xffff, v23  }
0x102: {  	s26 =	simm.s32 $0xE;
	s11 =	sand.u32 $0x76, s11;
	s0 =	sand.u32 $0x75, s30;
	v22 =	vor.u32 s2, v7;
	v23 =	vld [tilespmem:s22+$0xFFFFFD90];
	[tilespmem:v26+s25+$0x0] =	vst.idx.msk $0xffff, v27  }
0x103: {  	s13 =	sand.u32 $0x77, s13;
	s11 =	sor.u32 s11, s23;
	v36 =	vor.u32 s9, v9;
	s0 =	sor.u32 s0, s23;
	[tilespmem:v16+s25+$0x0] =	vst.idx.msk $0xffff, v17;
	v16 =	vld [tilespmem:s22+$0xFFFFFE10]  }
0x104: {  	s13 =	sor.u32 s13, s23;
	s16 =	simm.s32 $0xB;
	v33 =	vor.u32 s11, v12;
	v32 =	vor.u32 s11, v13;
	s18 =	sand.u32 $0x78, s14;
	v17 =	vor.u32 s0, v10;
	[tilespmem:v18+s25+$0x0] =	vst.idx.msk $0xffff, v19;
	v18 =	vld [tilespmem:s22+$0xFFFFFE80]  }
0x105: {  	v31 =	vor.u32 s13, v14;
	s30 =	sand.u32 $0x7C, s17;
	s28 =	sand.u32 $0x7A, s15;
	v39 =	vld [tilespmem:s22+$0xFFFFFE90];
	v38 =	vor.u32 s0, v11;
	s9 =	sor.u32 s18, s23;
	[tilespmem:v20+s25+$0x0] =	vst.idx.msk $0xffff, v21  }
0x106: {  	v30 =	vor.u32 s13, v15;
	s21 =	sand.u32 $0x79, s31;
	v34 =	vld [tilespmem:s22+$0xFFFFFF00];
	s1 =	sor.u32 s28, s23;
	v29 =	vor.u32 s9, v0;
	v28 =	vor.u32 s9, v1;
	s9 =	sor.u32 s30, s23;
	[tilespmem:v24+s25+$0x0] =	vst.idx.msk $0xffff, v35  }
0x107: {  	s29 =	sand.u32 $0x7B, s16;
	s2 =	sand.u32 $0x7D, s7;
	v25 =	vor.u32 s1, v4;
	s0 =	sor.u32 s21, s23;
	v35 =	vld [tilespmem:s22+$0xFFFFFF10];
	v24 =	vor.u32 s1, v5;
	v21 =	vor.u32 s9, v8;
	[tilespmem:v22+s25+$0x0] =	vst.idx.msk $0xffff, v23  }
0x108: {  	s11 =	sor.u32 s29, s23;
	s31 =	sand.u32 $0x7E, s26;
	s2 =	sor.u32 s2, s23;
	v20 =	vor.u32 s9, v9;
	v27 =	vor.u32 s0, v2;
	v26 =	vor.u32 s0, v3;
	[tilespmem:v36+s25+$0x0] =	vst.idx.msk $0xffff, v16;
	v36 =	vld [tilespmem:s22+$0xFFFFFF80]  }
0x109: {  	v37 =	vld [tilespmem:s22+$0xFFFFFF90];
	v23 =	vor.u32 s11, v6;
	v22 =	vor.u32 s11, v7;
	s0 =	sor.u32 s31, s23;
	v19 =	vor.u32 s2, v10;
	[tilespmem:v17+s25+$0x0] =	vst.idx.msk $0xffff, v18  }
0x10a: {  	s23 =	simm.s32 $0x0;
	v16 =	vor.u32 s0, v13;
	v18 =	vor.u32 s2, v11;
	v17 =	vor.u32 s0, v12;
	[tilespmem:v38+s25+$0x0] =	vst.idx.msk $0xffff, v39;
	v38 =	vld [tilespmem:s22+$0x0]  }
.LBB2_7:
0x10b: {  	[tilespmem:v33+s25+$0x0] =	vst.idx.msk $0xffff, v34;
	v33 =	vld [tilespmem:s22+$0x10];
	s0 =	smov.u32 s19;
	s19 =	sadd.s32 $0x10, s19  }
0x10c: {  	s1 =	sadd.s32 $0x11, s0;
	s2 =	sadd.s32 $0x12, s0;
	s9 =	sadd.s32 $0x13, s0;
	[tilespmem:v32+s25+$0x0] =	vst.idx.msk $0xffff, v35;
	v32 =	vld [tilespmem:s22+$0x80]  }
0x10d: {  	s11 =	sadd.s32 $0x14, s0;
	s13 =	sadd.s32 $0x15, s0;
	s14 =	sadd.s32 $0x16, s0;
	[tilespmem:v31+s25+$0x0] =	vst.idx.msk $0xffff, v36;
	v31 =	vld [tilespmem:s22+$0x90]  }
0x10e: {  	s15 =	sadd.s32 $0x17, s0;
	s16 =	sadd.s32 $0x18, s0;
	s17 =	sadd.s32 $0x19, s0;
	[tilespmem:v30+s25+$0x0] =	vst.idx.msk $0xffff, v37;
	v30 =	vld [tilespmem:s22+$0x100]  }
0x10f: {  	s26 =	sadd.s32 $0x1A, s0;
	s28 =	sadd.s32 $0x1B, s0;
	s29 =	sadd.s32 $0x1C, s0;
	[tilespmem:v29+s25+$0x0] =	vst.idx.msk $0xffff, v38;
	v29 =	vld [tilespmem:s22+$0x110]  }
0x110: {  	s30 =	sand.u32 $0x70, s19;
	s31 =	sadd.s32 $0x1D, s0;
	s21 =	sadd.s32 $0x1E, s0;
	[tilespmem:v28+s25+$0x0] =	vst.idx.msk $0xffff, v33;
	v28 =	vld [tilespmem:s22+$0x180]  }
0x111: {  	s1 =	sand.u32 $0x71, s1;
	s2 =	sand.u32 $0x72, s2;
	s9 =	sand.u32 $0x73, s9;
	[tilespmem:v27+s25+$0x0] =	vst.idx.msk $0xffff, v32;
	v27 =	vld [tilespmem:s22+$0x190]  }
0x112: {  	s11 =	sand.u32 $0x74, s11;
	s13 =	sand.u32 $0x75, s13;
	s14 =	sand.u32 $0x76, s14;
	[tilespmem:v26+s25+$0x0] =	vst.idx.msk $0xffff, v31;
	v26 =	vld [tilespmem:s22+$0x200]  }
0x113: {  	s15 =	sand.u32 $0x77, s15;
	s16 =	sand.u32 $0x78, s16;
	s17 =	sand.u32 $0x79, s17;
	[tilespmem:v25+s25+$0x0] =	vst.idx.msk $0xffff, v30;
	v25 =	vld [tilespmem:s22+$0x210]  }
0x114: {  	s26 =	sand.u32 $0x7A, s26;
	s28 =	sand.u32 $0x7B, s28;
	s29 =	sand.u32 $0x7C, s29;
	[tilespmem:v24+s25+$0x0] =	vst.idx.msk $0xffff, v29;
	v24 =	vld [tilespmem:s22+$0x280]  }
0x115: {  	s23 =	sadd.s32 $0x200, s23;
	s0 =	sadd.s32 $0x1F, s0;
	s31 =	sand.u32 $0x7D, s31;
	[tilespmem:v23+s25+$0x0] =	vst.idx.msk $0xffff, v28;
	v23 =	vld [tilespmem:s22+$0x290]  }
0x116: {  	s7 =	sand.u32 $0x1000, s23;
	s21 =	sand.u32 $0x7E, s21;
	s0 =	sand.u32 $0x7F, s0;
	[tilespmem:v22+s25+$0x0] =	vst.idx.msk $0xffff, v27;
	v22 =	vld [tilespmem:s22+$0x300]  }
0x117: {  	s30 =	sor.u32 s30, s7;
	s0 =	sor.u32 s0, s7;
	[tilespmem:v21+s25+$0x0] =	vst.idx.msk $0xffff, v26;
	v21 =	vld [tilespmem:s22+$0x310];
	s22 =	sadd.s32 $0x800, s22  }
0x118: {  	v34 =	vor.u32 s30, v1;
	s1 =	sor.u32 s1, s7;
	s2 =	sor.u32 s2, s7;
	s9 =	sor.u32 s9, s7;
	v28 =	vor.u32 s0, v14;
	v26 =	vor.u32 s30, v0;
	v27 =	vld [tilespmem:s22+$0x380];
	[tilespmem:v20+s25+$0x0] =	vst.idx.msk $0xffff, v25  }
0x119: {  	v35 =	vor.u32 s1, v3;
	v36 =	vor.u32 s0, v15;
	v20 =	vor.u32 s1, v2;
	s1 =	sor.u32 s11, s7;
	s11 =	sor.u32 s13, s7;
	s13 =	sor.u32 s14, s7;
	v25 =	vld [tilespmem:s22+$0x390];
	[tilespmem:v19+s25+$0x0] =	vst.idx.msk $0xffff, v24  }
0x11a: {  	v37 =	vor.u32 s2, v4;
	v38 =	vor.u32 s2, v5;
	v39 =	vor.u32 s9, v6;
	s2 =	sor.u32 s16, s7;
	s0 =	sor.u32 s15, s7;
	s14 =	sor.u32 s17, s7;
	v19 =	vld [tilespmem:s22+$0xFFFFFC00];
	[tilespmem:v18+s25+$0x0] =	vst.idx.msk $0xffff, v23  }
0x11b: {  	v40 =	vor.u32 s9, v7;
	s9 =	sor.u32 s28, s7;
	s15 =	sor.u32 s29, s7;
	v41 =	vor.u32 s1, v8;
	v42 =	vor.u32 s1, v9;
	s1 =	sor.u32 s26, s7;
	v18 =	vld [tilespmem:s22+$0xFFFFFC10];
	[tilespmem:v17+s25+$0x0] =	vst.idx.msk $0xffff, v22  }
0x11c: {  	p0 =	slt.u32 s19, $0xF0;
	v43 =	vor.u32 s11, v10;
	v44 =	vor.u32 s11, v11;
	v33 =	vor.u32 s13, v12;
	s11 =	sor.u32 s31, s7;
	s7 =	sor.u32 s21, s7;
	v17 =	vld [tilespmem:s22+$0xFFFFFC80];
	[tilespmem:v16+s25+$0x0] =	vst.idx.msk $0xffff, v21  }
0x11d: {  	v31 =	vor.u32 s0, v14;
	v30 =	vor.u32 s0, v15;
	v32 =	vor.u32 s13, v13;
	v16 =	vld [tilespmem:s22+$0xFFFFFC90];
	[tilespmem:v28+s25+$0x0] =	vst.idx.msk $0xffff, v27  }
0x11e: {  	v29 =	vor.u32 s2, v0;
	v28 =	vor.u32 s2, v1;
	v27 =	vor.u32 s14, v2;
	v45 =	vld [tilespmem:s22+$0xFFFFFD00];
	[tilespmem:v36+s25+$0x0] =	vst.idx.msk $0xffff, v25  }
0x11f: {  	v24 =	vor.u32 s1, v5;
	v25 =	vor.u32 s1, v4;
	[tilespmem:v26+s25+$0x0] =	vst.idx.msk $0xffff, v19;
	v36 =	vld [tilespmem:s22+$0xFFFFFD10];
	v26 =	vor.u32 s14, v3  }
0x120: {  	v23 =	vor.u32 s9, v6;
	v22 =	vor.u32 s9, v7;
	v21 =	vor.u32 s15, v8;
	[tilespmem:v34+s25+$0x0] =	vst.idx.msk $0xffff, v18;
	v34 =	vld [tilespmem:s22+$0xFFFFFD80]  }
0x121: {  	v19 =	vor.u32 s11, v10;
	v18 =	vor.u32 s11, v11;
	[tilespmem:v20+s25+$0x0] =	vst.idx.msk $0xffff, v17;
	v46 =	vld [tilespmem:s22+$0xFFFFFD90];
	v20 =	vor.u32 s15, v9  }
0x122: {  	v17 =	vor.u32 s7, v12;
	[tilespmem:v35+s25+$0x0] =	vst.idx.msk $0xffff, v16;
	v35 =	vld [tilespmem:s22+$0xFFFFFE00];
	v16 =	vor.u32 s7, v13  }
0x123: {  	[tilespmem:v37+s25+$0x0] =	vst.idx.msk $0xffff, v45;
	v37 =	vld [tilespmem:s22+$0xFFFFFE10]  }
0x124: {  	[tilespmem:v38+s25+$0x0] =	vst.idx.msk $0xffff, v36;
	v38 =	vld [tilespmem:s22+$0xFFFFFE80]  }
0x125: {  	[tilespmem:v39+s25+$0x0] =	vst.idx.msk $0xffff, v34;
	v39 =	vld [tilespmem:s22+$0xFFFFFE90]  }
.Ltmp2:
0x126: {  	[tilespmem:v40+s25+$0x0] =	vst.idx.msk $0xffff, v46;
	v34 =	vld [tilespmem:s22+$0xFFFFFF00];
	(pc) =	sbr.rel @p0 .LBB2_7-.Ltmp2, $4  }
0x127: {  	[tilespmem:v41+s25+$0x0] =	vst.idx.msk $0xffff, v35;
	v35 =	vld [tilespmem:s22+$0xFFFFFF10]  }
0x128: {  	[tilespmem:v42+s25+$0x0] =	vst.idx.msk $0xffff, v37;
	v36 =	vld [tilespmem:s22+$0xFFFFFF80]  }
0x129: {  	[tilespmem:v43+s25+$0x0] =	vst.idx.msk $0xffff, v38;
	v37 =	vld [tilespmem:s22+$0xFFFFFF90]  }
0x12a: {  	[tilespmem:v44+s25+$0x0] =	vst.idx.msk $0xffff, v39;
	v38 =	vld [tilespmem:s22+$0x0]  }
0x12b: {  	_ =	sdelay $0x3  }
0x12c: {  	[tilespmem:v33+s25+$0x0] =	vst.idx.msk $0xffff, v34;
	v59 =	vld [tilespmem:s22+$0x10]  }
0x12d: {  	v60 =	vld [tilespmem:s22+$0x80];
	[tilespmem:v32+s25+$0x0] =	vst.idx.msk $0xffff, v35  }
0x12e: {  	[tilespmem:v31+s25+$0x0] =	vst.idx.msk $0xffff, v36;
	v31 =	vld [tilespmem:s22+$0x90]  }
0x12f: {  	[tilespmem:v30+s25+$0x0] =	vst.idx.msk $0xffff, v37;
	v30 =	vld [tilespmem:s22+$0x100]  }
0x130: {  	[tilespmem:v29+s25+$0x0] =	vst.idx.msk $0xffff, v38;
	v29 =	vld [tilespmem:s22+$0x110]  }
0x131: {  	[tilespmem:v28+s25+$0x0] =	vst.idx.msk $0xffff, v59;
	v28 =	vld [tilespmem:s22+$0x180]  }
0x132: {  	[tilespmem:v27+s25+$0x0] =	vst.idx.msk $0xffff, v60;
	v27 =	vld [tilespmem:s22+$0x190]  }
0x133: {  	[tilespmem:v26+s25+$0x0] =	vst.idx.msk $0xffff, v31  }
0x134: {  	[tilespmem:v25+s25+$0x0] =	vst.idx.msk $0xffff, v30  }
0x135: {  	v26 =	vld [tilespmem:s22+$0x200];
	[tilespmem:v24+s25+$0x0] =	vst.idx.msk $0xffff, v29  }
0x136: {  	v25 =	vld [tilespmem:s22+$0x210];
	[tilespmem:v23+s25+$0x0] =	vst.idx.msk $0xffff, v28  }
0x137: {  	s19 =	sshll.u32 s20, $0x2;
	v24 =	vld [tilespmem:s22+$0x280];
	[tilespmem:v22+s25+$0x0] =	vst.idx.msk $0xffff, v27  }
0x138: {  	s0 =	sadd.s32 $0x4, s19;
	v23 =	vld [tilespmem:s22+$0x290];
	s1 =	rddreg [dreg:$0x4]  }
0x139: {  	v22 =	vld [tilespmem:s22+$0x300];
	s1 =	sadd.s32 s1, s0  }
0x13a: {  	[tilespmem:v21+s25+$0x0] =	vst.idx.msk $0xffff, v26;
	v21 =	vld [tilespmem:s22+$0x310];
	s0 =	sshll.u32 s0, $0x11;
	s2 =	sshll.u32 s1, $0xC  }
0x13b: {  	[tilespmem:v20+s25+$0x0] =	vst.idx.msk $0xffff, v25;
	s0 =	sand.u32 $0x80000, s0;
	s7 =	sshll.u32 s1, $0x7;
	s2 =	sand.u32 $0x7FF00000, s2  }
0x13c: {  	[tilespmem:v19+s25+$0x0] =	vst.idx.msk $0xffff, v24;
	s7 =	sand.u32 $0x7C00, s7;
	s0 =	sor.u32 s0, s2  }
0x13d: {  	[tilespmem:v18+s25+$0x0] =	vst.idx.msk $0xffff, v23;
	s0 =	sor.u32 s7, s0  }
0x13e: {  	[tilespmem:v17+s25+$0x0] =	vst.idx.msk $0xffff, v22;
	s0 =	sshrl.u32 s0, $0x3  }
0x13f: {  	s23 =	simm.s32 $0x0;
	[tilespmem:v16+s25+$0x0] =	vst.idx.msk $0xffff, v21;
	s9 =	sadd.s32 s4, s0  }
0x140: {  	[hbm4b:s9+s23] =	stream.linear.scatter [tilespmem:s25], [sflag:$0x2], $0x400, $0x38;
	[tilespmem:$0x1A400] =	vst v63  }
0x141: {  	s11 =	simm.s32 $0x16800;
	s31 =	sadd.s32 s0, s8  }
0x142: {  	[hbm4b:s31+s23] =	stream.linear.scatter [tilespmem:s11], [sflag:$0x2], $0x400, $0x38;
	[tilespmem:$0x1A400] =	vst v63  }
0x143: {  	s13 =	simm.s32 $0x16C00;
	s11 =	sadd.s32 s0, s10  }
0x144: {  	[hbm4b:s11+s23] =	stream.linear.scatter [tilespmem:s13], [sflag:$0x2], $0x400, $0x38;
	[tilespmem:$0x1A400] =	vst v63  }
0x145: {  	s14 =	simm.s32 $0x17000;
	s15 =	sshll.u32 s1, $0x11;
	s0 =	sadd.s32 s0, s12  }
0x146: {  	[hbm4b:s0+s23] =	stream.linear.scatter [tilespmem:s14], [sflag:$0x2], $0x400, $0x38;
	[tilespmem:$0x1A400] =	vst v63  }
0x147: {  	s0 =	sand.u32 $0x80000, s15  }
0x148: {  	s0 =	sor.u32 s0, s2  }
0x149: {  	s0 =	sor.u32 s7, s0  }
0x14a: {  	s0 =	sshrl.u32 s0, $0x3  }
0x14b: {  	s0 =	sor.u32 $0x4000, s0  }
0x14c: {  	s17 =	simm.s32 $0x17400;
	s16 =	sadd.s32 s4, s0  }
0x14d: {  	[hbm4b:s16+s23] =	stream.linear.scatter [tilespmem:s17], [sflag:$0x2], $0x400, $0x38;
	[tilespmem:$0x1A400] =	vst v63  }
0x14e: {  	s21 =	simm.s32 $0x17800;
	s18 =	sadd.s32 s0, s8  }
0x14f: {  	[hbm4b:s18+s23] =	stream.linear.scatter [tilespmem:s21], [sflag:$0x2], $0x400, $0x38;
	[tilespmem:$0x1A400] =	vst v63  }
0x150: {  	s26 =	simm.s32 $0x17C00;
	s30 =	sshll.u32 s20, $0x9;
	s22 =	sadd.s32 s0, s10  }
0x151: {  	[hbm4b:s22+s23] =	stream.linear.scatter [tilespmem:s26], [sflag:$0x2], $0x400, $0x38;
	[tilespmem:$0x1A400] =	vst v63  }
0x152: {  	s29 =	simm.s32 $0x18000;
	s0 =	sadd.s32 s0, s12;
	s22 =	sand.u32 $0x3FFFFE00, s30  }
0x153: {  	[hbm4b:s0+s23] =	stream.linear.scatter [tilespmem:s29], [sflag:$0x2], $0x400, $0x38;
	[tilespmem:$0x1A400] =	vst v63  }
0x154: {  	s31 =	simm.s32 $0x6400;
	s2 =	simm.s32 $0x2;
	s0 =	sadd.s32 $0x400, s22  }
0x155: {  	[tilespmem:s31], [sflag:$0x1] =	stream.indirect.gather [hbm4b:s24+s5], $0x80, s0, s5, $0xb8;
	[tilespmem:$0x1A400] =	vst v63  }
0x156: {  	_ =	swait.ge [sflag:s2], $0x2000  }
0x157: {  	[sflag:s2] =	ssyncset.done $0x0  }
0x158: {  	s28 =	simm.s32 $0x0;
	s5 =	simm.s32 $0x1;
	[sflag:s2] =	ssyncadd.s32 $0xFFFFE000  }
0x159: {  	s9 =	sand.u32 $0x70, s28;
	s7 =	simm.s32 $0xF;
	_ =	swait.ge [sflag:s5], $0x8000  }
0x15a: {  	s29 =	sand.u32 $0x1000, s23;
	s0 =	sand.u32 $0x7F, s7;
	[sflag:s5] =	ssyncset.done $0x0  }
0x15b: {  	s26 =	simm.s32 $0xE800;
	s0 =	sor.u32 s0, s29;
	[sflag:s5] =	ssyncadd.s32 $0xFFFF8000  }
0x15c: {  	s11 =	simm.s32 $0x1;
	s1 =	sor.u32 s9, s29;
	v17 =	vor.u32 s0, v14;
	v16 =	vld [tilespmem:s26+$0x380]  }
0x15d: {  	s13 =	sand.u32 $0x71, s11;
	v20 =	vor.u32 s1, v0;
	v21 =	vld [tilespmem:s26+$0xFFFFFC00]  }
0x15e: {  	v19 =	vor.u32 s0, v15;
	s0 =	sor.u32 s13, s29;
	v18 =	vld [tilespmem:s26+$0x390]  }
0x15f: {  	s14 =	simm.s32 $0x2;
	v24 =	vor.u32 s0, v2;
	v25 =	vld [tilespmem:s26+$0xFFFFFC80]  }
0x160: {  	s15 =	sand.u32 $0x72, s14;
	s14 =	simm.s32 $0xA;
	v22 =	vor.u32 s1, v1;
	v23 =	vld [tilespmem:s26+$0xFFFFFC10]  }
0x161: {  	s16 =	simm.s32 $0x3;
	s17 =	simm.s32 $0x4;
	s1 =	sor.u32 s15, s29;
	v26 =	vor.u32 s0, v3;
	v27 =	vld [tilespmem:s26+$0xFFFFFC90];
	[tilespmem:v17+s6+$0x0] =	vst.idx.msk $0xffff, v16  }
0x162: {  	s18 =	smov.u32 s24;
	s21 =	simm.s32 $0x5;
	s2 =	sand.u32 $0x73, s16;
	v16 =	vor.u32 s1, v4;
	v17 =	vld [tilespmem:s26+$0xFFFFFD00];
	[tilespmem:v20+s6+$0x0] =	vst.idx.msk $0xffff, v21  }
0x163: {  	s30 =	simm.s32 $0x7;
	s7 =	sand.u32 $0x74, s17;
	s2 =	sor.u32 s2, s29;
	[tilespmem:v19+s6+$0x0] =	vst.idx.msk $0xffff, v18;
	v18 =	vor.u32 s1, v5;
	v19 =	vld [tilespmem:s26+$0xFFFFFD10]  }
0x164: {  	s11 =	sand.u32 $0x77, s30;
	s24 =	simm.s32 $0x6;
	s7 =	sor.u32 s7, s29;
	v20 =	vor.u32 s2, v6;
	v21 =	vld [tilespmem:s26+$0xFFFFFD80];
	[tilespmem:v24+s6+$0x0] =	vst.idx.msk $0xffff, v25  }
0x165: {  	s31 =	simm.s32 $0x9;
	s15 =	simm.s32 $0xB;
	s17 =	simm.s32 $0xE;
	v61 =	vld [tilespmem:s26+$0xFFFFFE00];
	v24 =	vor.u32 s7, v8;
	[tilespmem:v22+s6+$0x0] =	vst.idx.msk $0xffff, v23  }
0x166: {  	s9 =	sand.u32 $0x76, s24;
	s13 =	simm.s32 $0x8;
	s0 =	sand.u32 $0x75, s21;
	v22 =	vor.u32 s2, v7;
	v23 =	vld [tilespmem:s26+$0xFFFFFD90];
	[tilespmem:v26+s6+$0x0] =	vst.idx.msk $0xffff, v27  }
0x167: {  	v62 =	vor.u32 s7, v9;
	s16 =	simm.s32 $0xC;
	s13 =	sand.u32 $0x78, s13;
	s0 =	sor.u32 s0, s29;
	[tilespmem:v16+s6+$0x0] =	vst.idx.msk $0xffff, v17;
	v16 =	vld [tilespmem:s26+$0xFFFFFE10]  }
0x168: {  	v63 =	vor.u32 s0, v11;
	s7 =	sor.u32 s9, s29;
	s9 =	sor.u32 s11, s29;
	s1 =	sand.u32 $0x79, s31;
	v17 =	vor.u32 s0, v10;
	[tilespmem:v18+s6+$0x0] =	vst.idx.msk $0xffff, v19;
	v18 =	vld [tilespmem:s26+$0xFFFFFE80]  }
0x169: {  	s21 =	sand.u32 $0x7A, s14;
	s30 =	sand.u32 $0x7C, s16;
	v39 =	vld [tilespmem:s26+$0xFFFFFE90];
	v33 =	vor.u32 s7, v12;
	v32 =	vor.u32 s7, v13;
	v31 =	vor.u32 s9, v14;
	s1 =	sor.u32 s1, s29;
	[tilespmem:v20+s6+$0x0] =	vst.idx.msk $0xffff, v21  }
0x16a: {  	s5 =	simm.s32 $0xD;
	v34 =	vld [tilespmem:s26+$0xFFFFFF00];
	v30 =	vor.u32 s9, v15;
	s7 =	sor.u32 s21, s29;
	v27 =	vor.u32 s1, v2;
	v26 =	vor.u32 s1, v3;
	s1 =	sor.u32 s30, s29;
	[tilespmem:v24+s6+$0x0] =	vst.idx.msk $0xffff, v61  }
0x16b: {  	s24 =	sand.u32 $0x7B, s15;
	v35 =	vld [tilespmem:s26+$0xFFFFFF10];
	s2 =	sand.u32 $0x7D, s5;
	v25 =	vor.u32 s7, v4;
	s0 =	sor.u32 s13, s29;
	v24 =	vor.u32 s7, v5;
	v20 =	vor.u32 s1, v9;
	[tilespmem:v22+s6+$0x0] =	vst.idx.msk $0xffff, v23  }
0x16c: {  	v36 =	vld [tilespmem:s26+$0xFFFFFF80];
	s31 =	sand.u32 $0x7E, s17;
	s2 =	sor.u32 s2, s29;
	v29 =	vor.u32 s0, v0;
	v28 =	vor.u32 s0, v1;
	s0 =	sor.u32 s24, s29;
	v22 =	vor.u32 s1, v8;
	[tilespmem:v62+s6+$0x0] =	vst.idx.msk $0xffff, v16  }
0x16d: {  	v37 =	vld [tilespmem:s26+$0xFFFFFF90];
	v19 =	vor.u32 s2, v10;
	v23 =	vor.u32 s0, v6;
	v21 =	vor.u32 s0, v7;
	s0 =	sor.u32 s31, s29;
	[tilespmem:v17+s6+$0x0] =	vst.idx.msk $0xffff, v18  }
0x16e: {  	v38 =	vld [tilespmem:s26+$0x0];
	v16 =	vor.u32 s0, v13;
	v18 =	vor.u32 s2, v11;
	v17 =	vor.u32 s0, v12;
	[tilespmem:v63+s6+$0x0] =	vst.idx.msk $0xffff, v39  }
.LBB2_9:
0x16f: {  	[tilespmem:v33+s6+$0x0] =	vst.idx.msk $0xffff, v34;
	v33 =	vld [tilespmem:s26+$0x10];
	s0 =	smov.u32 s28;
	s28 =	sadd.s32 $0x10, s28  }
0x170: {  	s1 =	sadd.s32 $0x11, s0;
	s2 =	sadd.s32 $0x12, s0;
	s7 =	sadd.s32 $0x13, s0;
	[tilespmem:v32+s6+$0x0] =	vst.idx.msk $0xffff, v35;
	v32 =	vld [tilespmem:s26+$0x80]  }
0x171: {  	s9 =	sadd.s32 $0x14, s0;
	s11 =	sadd.s32 $0x15, s0;
	s13 =	sadd.s32 $0x16, s0;
	[tilespmem:v31+s6+$0x0] =	vst.idx.msk $0xffff, v36;
	v31 =	vld [tilespmem:s26+$0x90]  }
0x172: {  	s14 =	sadd.s32 $0x17, s0;
	s15 =	sadd.s32 $0x18, s0;
	s16 =	sadd.s32 $0x19, s0;
	[tilespmem:v30+s6+$0x0] =	vst.idx.msk $0xffff, v37;
	v30 =	vld [tilespmem:s26+$0x100]  }
0x173: {  	s17 =	sadd.s32 $0x1A, s0;
	s21 =	sadd.s32 $0x1B, s0;
	s29 =	sadd.s32 $0x1C, s0;
	[tilespmem:v29+s6+$0x0] =	vst.idx.msk $0xffff, v38;
	v29 =	vld [tilespmem:s26+$0x110]  }
0x174: {  	s30 =	sand.u32 $0x70, s28;
	s31 =	sadd.s32 $0x1D, s0;
	s5 =	sadd.s32 $0x1E, s0;
	[tilespmem:v28+s6+$0x0] =	vst.idx.msk $0xffff, v33;
	v28 =	vld [tilespmem:s26+$0x180]  }
0x175: {  	s1 =	sand.u32 $0x71, s1;
	s2 =	sand.u32 $0x72, s2;
	s7 =	sand.u32 $0x73, s7;
	[tilespmem:v27+s6+$0x0] =	vst.idx.msk $0xffff, v32;
	v27 =	vld [tilespmem:s26+$0x190]  }
0x176: {  	s9 =	sand.u32 $0x74, s9;
	s11 =	sand.u32 $0x75, s11;
	s13 =	sand.u32 $0x76, s13;
	[tilespmem:v26+s6+$0x0] =	vst.idx.msk $0xffff, v31;
	v26 =	vld [tilespmem:s26+$0x200]  }
0x177: {  	s14 =	sand.u32 $0x77, s14;
	s15 =	sand.u32 $0x78, s15;
	s16 =	sand.u32 $0x79, s16;
	[tilespmem:v25+s6+$0x0] =	vst.idx.msk $0xffff, v30;
	v25 =	vld [tilespmem:s26+$0x210]  }
0x178: {  	s17 =	sand.u32 $0x7A, s17;
	s21 =	sand.u32 $0x7B, s21;
	s29 =	sand.u32 $0x7C, s29;
	[tilespmem:v24+s6+$0x0] =	vst.idx.msk $0xffff, v29;
	v24 =	vld [tilespmem:s26+$0x280]  }
0x179: {  	s23 =	sadd.s32 $0x200, s23;
	s0 =	sadd.s32 $0x1F, s0;
	s31 =	sand.u32 $0x7D, s31;
	[tilespmem:v23+s6+$0x0] =	vst.idx.msk $0xffff, v28;
	v23 =	vld [tilespmem:s26+$0x290]  }
0x17a: {  	s24 =	sand.u32 $0x1000, s23;
	s5 =	sand.u32 $0x7E, s5;
	s0 =	sand.u32 $0x7F, s0;
	[tilespmem:v21+s6+$0x0] =	vst.idx.msk $0xffff, v27;
	v21 =	vld [tilespmem:s26+$0x300]  }
0x17b: {  	s30 =	sor.u32 s30, s24;
	s0 =	sor.u32 s0, s24;
	[tilespmem:v22+s6+$0x0] =	vst.idx.msk $0xffff, v26;
	v22 =	vld [tilespmem:s26+$0x310];
	s26 =	sadd.s32 $0x800, s26  }
0x17c: {  	v34 =	vor.u32 s30, v1;
	s1 =	sor.u32 s1, s24;
	s2 =	sor.u32 s2, s24;
	s7 =	sor.u32 s7, s24;
	v28 =	vor.u32 s0, v14;
	v26 =	vor.u32 s30, v0;
	v27 =	vld [tilespmem:s26+$0x380];
	[tilespmem:v20+s6+$0x0] =	vst.idx.msk $0xffff, v25  }
0x17d: {  	v35 =	vor.u32 s1, v3;
	v36 =	vor.u32 s0, v15;
	v20 =	vor.u32 s1, v2;
	s1 =	sor.u32 s9, s24;
	s9 =	sor.u32 s11, s24;
	s11 =	sor.u32 s13, s24;
	v25 =	vld [tilespmem:s26+$0x390];
	[tilespmem:v19+s6+$0x0] =	vst.idx.msk $0xffff, v24  }
0x17e: {  	v37 =	vor.u32 s2, v4;
	v38 =	vor.u32 s2, v5;
	v39 =	vor.u32 s7, v6;
	s2 =	sor.u32 s15, s24;
	s0 =	sor.u32 s14, s24;
	s13 =	sor.u32 s16, s24;
	v19 =	vld [tilespmem:s26+$0xFFFFFC00];
	[tilespmem:v18+s6+$0x0] =	vst.idx.msk $0xffff, v23  }
0x17f: {  	v40 =	vor.u32 s7, v7;
	s7 =	sor.u32 s21, s24;
	s14 =	sor.u32 s29, s24;
	v41 =	vor.u32 s1, v8;
	v42 =	vor.u32 s1, v9;
	s1 =	sor.u32 s17, s24;
	v18 =	vld [tilespmem:s26+$0xFFFFFC10];
	[tilespmem:v17+s6+$0x0] =	vst.idx.msk $0xffff, v21  }
0x180: {  	p0 =	slt.u32 s28, $0xF0;
	s5 =	sor.u32 s5, s24;
	v43 =	vor.u32 s9, v10;
	v44 =	vor.u32 s9, v11;
	v33 =	vor.u32 s11, v12;
	s9 =	sor.u32 s31, s24;
	v17 =	vld [tilespmem:s26+$0xFFFFFC80];
	[tilespmem:v16+s6+$0x0] =	vst.idx.msk $0xffff, v22  }
0x181: {  	v31 =	vor.u32 s0, v14;
	v30 =	vor.u32 s0, v15;
	v32 =	vor.u32 s11, v13;
	v16 =	vld [tilespmem:s26+$0xFFFFFC90];
	[tilespmem:v28+s6+$0x0] =	vst.idx.msk $0xffff, v27  }
0x182: {  	v29 =	vor.u32 s2, v0;
	v28 =	vor.u32 s2, v1;
	v27 =	vor.u32 s13, v2;
	v45 =	vld [tilespmem:s26+$0xFFFFFD00];
	[tilespmem:v36+s6+$0x0] =	vst.idx.msk $0xffff, v25  }
0x183: {  	v24 =	vor.u32 s1, v5;
	v25 =	vor.u32 s1, v4;
	[tilespmem:v26+s6+$0x0] =	vst.idx.msk $0xffff, v19;
	v36 =	vld [tilespmem:s26+$0xFFFFFD10];
	v26 =	vor.u32 s13, v3  }
0x184: {  	v23 =	vor.u32 s7, v6;
	v21 =	vor.u32 s7, v7;
	v22 =	vor.u32 s14, v8;
	[tilespmem:v34+s6+$0x0] =	vst.idx.msk $0xffff, v18;
	v34 =	vld [tilespmem:s26+$0xFFFFFD80]  }
0x185: {  	v19 =	vor.u32 s9, v10;
	v18 =	vor.u32 s9, v11;
	[tilespmem:v20+s6+$0x0] =	vst.idx.msk $0xffff, v17;
	v46 =	vld [tilespmem:s26+$0xFFFFFD90];
	v20 =	vor.u32 s14, v9  }
0x186: {  	v17 =	vor.u32 s5, v12;
	[tilespmem:v35+s6+$0x0] =	vst.idx.msk $0xffff, v16;
	v35 =	vld [tilespmem:s26+$0xFFFFFE00];
	v16 =	vor.u32 s5, v13  }
0x187: {  	[tilespmem:v37+s6+$0x0] =	vst.idx.msk $0xffff, v45;
	v37 =	vld [tilespmem:s26+$0xFFFFFE10]  }
0x188: {  	[tilespmem:v38+s6+$0x0] =	vst.idx.msk $0xffff, v36;
	v38 =	vld [tilespmem:s26+$0xFFFFFE80]  }
0x189: {  	[tilespmem:v39+s6+$0x0] =	vst.idx.msk $0xffff, v34;
	v39 =	vld [tilespmem:s26+$0xFFFFFE90]  }
.Ltmp3:
0x18a: {  	[tilespmem:v40+s6+$0x0] =	vst.idx.msk $0xffff, v46;
	v34 =	vld [tilespmem:s26+$0xFFFFFF00];
	(pc) =	sbr.rel @p0 .LBB2_9-.Ltmp3, $4  }
0x18b: {  	[tilespmem:v41+s6+$0x0] =	vst.idx.msk $0xffff, v35;
	v35 =	vld [tilespmem:s26+$0xFFFFFF10]  }
0x18c: {  	[tilespmem:v42+s6+$0x0] =	vst.idx.msk $0xffff, v37;
	v36 =	vld [tilespmem:s26+$0xFFFFFF80]  }
0x18d: {  	[tilespmem:v43+s6+$0x0] =	vst.idx.msk $0xffff, v38;
	v37 =	vld [tilespmem:s26+$0xFFFFFF90]  }
0x18e: {  	[tilespmem:v44+s6+$0x0] =	vst.idx.msk $0xffff, v39;
	v38 =	vld [tilespmem:s26+$0x0]  }
0x18f: {  	_ =	sdelay $0x3  }
0x190: {  	[tilespmem:v33+s6+$0x0] =	vst.idx.msk $0xffff, v34;
	v51 =	vld [tilespmem:s26+$0x10]  }
0x191: {  	v52 =	vld [tilespmem:s26+$0x80];
	[tilespmem:v32+s6+$0x0] =	vst.idx.msk $0xffff, v35  }
0x192: {  	v54 =	vld [tilespmem:s26+$0x100];
	[tilespmem:v31+s6+$0x0] =	vst.idx.msk $0xffff, v36  }
0x193: {  	v56 =	vld [tilespmem:s26+$0x180];
	[tilespmem:v30+s6+$0x0] =	vst.idx.msk $0xffff, v37  }
0x194: {  	v53 =	vld [tilespmem:s26+$0x90];
	[tilespmem:v29+s6+$0x0] =	vst.idx.msk $0xffff, v38  }
0x195: {  	v55 =	vld [tilespmem:s26+$0x110];
	[tilespmem:v28+s6+$0x0] =	vst.idx.msk $0xffff, v51  }
0x196: {  	v57 =	vld [tilespmem:s26+$0x190];
	[tilespmem:v27+s6+$0x0] =	vst.idx.msk $0xffff, v52  }
0x197: {  	[tilespmem:v25+s6+$0x0] =	vst.idx.msk $0xffff, v54  }
0x198: {  	[tilespmem:v23+s6+$0x0] =	vst.idx.msk $0xffff, v56  }
0x199: {  	v58 =	vld [tilespmem:s26+$0x200];
	[tilespmem:v26+s6+$0x0] =	vst.idx.msk $0xffff, v53  }
0x19a: {  	v60 =	vld [tilespmem:s26+$0x280];
	[tilespmem:v24+s6+$0x0] =	vst.idx.msk $0xffff, v55  }
0x19b: {  	v62 =	vld [tilespmem:s26+$0x300];
	[tilespmem:v21+s6+$0x0] =	vst.idx.msk $0xffff, v57  }
0x19c: {  	v59 =	vld [tilespmem:s26+$0x210];
	s0 =	sadd.s32 $0x6, s19;
	s1 =	rddreg [dreg:$0x4]  }
0x19d: {  	v61 =	vld [tilespmem:s26+$0x290];
	s1 =	sadd.s32 s1, s0  }
0x19e: {  	v63 =	vld [tilespmem:s26+$0x310];
	[tilespmem:v22+s6+$0x0] =	vst.idx.msk $0xffff, v58;
	s0 =	sshll.u32 s0, $0x11;
	s2 =	sshll.u32 s1, $0xC  }
0x19f: {  	[tilespmem:v19+s6+$0x0] =	vst.idx.msk $0xffff, v60;
	s0 =	sand.u32 $0xC0000, s0;
	s5 =	sshll.u32 s1, $0x7;
	s2 =	sand.u32 $0x7FF00000, s2  }
0x1a0: {  	[tilespmem:v17+s6+$0x0] =	vst.idx.msk $0xffff, v62;
	s5 =	sand.u32 $0x7C00, s5;
	s0 =	sor.u32 s0, s2  }
0x1a1: {  	[tilespmem:v20+s6+$0x0] =	vst.idx.msk $0xffff, v59;
	s0 =	sor.u32 s5, s0  }
0x1a2: {  	[tilespmem:v18+s6+$0x0] =	vst.idx.msk $0xffff, v61;
	s0 =	sshrl.u32 s0, $0x3  }
0x1a3: {  	[tilespmem:v16+s6+$0x0] =	vst.idx.msk $0xffff, v63;
	s7 =	sadd.s32 s4, s0  }
0x1a4: {  	[hbm4b:s7+s3] =	stream.linear.scatter [tilespmem:s6], [sflag:$0x2], $0x400, $0x38;
	[tilespmem:$0x1A400] =	vst v63  }
0x1a5: {  	s9 =	simm.s32 $0x18800;
	s13 =	sadd.s32 s0, s8  }
0x1a6: {  	[hbm4b:s13+s3] =	stream.linear.scatter [tilespmem:s9], [sflag:$0x2], $0x400, $0x38;
	[tilespmem:$0x1A400] =	vst v63  }
0x1a7: {  	s15 =	simm.s32 $0x18C00;
	s14 =	sadd.s32 s0, s10  }
0x1a8: {  	[hbm4b:s14+s3] =	stream.linear.scatter [tilespmem:s15], [sflag:$0x2], $0x400, $0x38;
	[tilespmem:$0x1A400] =	vst v63  }
0x1a9: {  	s16 =	simm.s32 $0x19000;
	s17 =	sshll.u32 s1, $0x11;
	s0 =	sadd.s32 s0, s12  }
0x1aa: {  	[hbm4b:s0+s3] =	stream.linear.scatter [tilespmem:s16], [sflag:$0x2], $0x400, $0x38;
	[tilespmem:$0x1A400] =	vst v63  }
0x1ab: {  	s0 =	sand.u32 $0xC0000, s17  }
0x1ac: {  	s0 =	sor.u32 s0, s2  }
0x1ad: {  	s0 =	sor.u32 s5, s0  }
0x1ae: {  	s0 =	sshrl.u32 s0, $0x3  }
0x1af: {  	s0 =	sor.u32 $0x4000, s0  }
0x1b0: {  	s21 =	simm.s32 $0x19400;
	s19 =	sadd.s32 s4, s0  }
0x1b1: {  	[hbm4b:s19+s3] =	stream.linear.scatter [tilespmem:s21], [sflag:$0x2], $0x400, $0x38;
	[tilespmem:$0x1A400] =	vst v63  }
0x1b2: {  	s24 =	simm.s32 $0x19800;
	s20 =	sadd.s32 $0x1, s20;
	s23 =	sadd.s32 s0, s8  }
0x1b3: {  	[hbm4b:s23+s3] =	stream.linear.scatter [tilespmem:s24], [sflag:$0x2], $0x400, $0x38;
	[tilespmem:$0x1A400] =	vst v63  }
0x1b4: {  	s28 =	simm.s32 $0x19C00;
	p0 =	sne.s32 s20, $0x30;
	s26 =	sadd.s32 s0, s10  }
0x1b5: {  	[hbm4b:s26+s3] =	stream.linear.scatter [tilespmem:s28], [sflag:$0x2], $0x400, $0x38;
	[tilespmem:$0x1A400] =	vst v63  }
.Ltmp4:
0x1b6: {  	_ = 	snop;
	(pc) =	sbr.rel @p0 .LBB2_6-.Ltmp4, $4  }
0x1b7: {  	s29 =	simm.s32 $0x1A000;
	s30 =	sadd.s32 $0x500, s22;
	s0 =	sadd.s32 s0, s12  }
0x1b8: {  	[hbm4b:s0+s3] =	stream.linear.scatter [tilespmem:s29], [sflag:$0x2], $0x400, $0x38;
	[tilespmem:$0x1A400] =	vst v63  }
0x1b9: {  	s31 =	simm.s32 $0xE400;
	s5 =	simm.s32 $0x100;
	s24 =	smov.u32 s18  }
0x1ba: {  	[tilespmem:s31], [sflag:$0x1] =	stream.indirect.gather [hbm4b:s18+s5], $0x80, s30, s5, $0xb8;
	[tilespmem:$0x1A400] =	vst v63  }
0x1bb: {  	s0 =	simm.s32 $0x2  }
0x1bc: {  	_ =	swait.ge [sflag:s0], $0x2000  }
0x1bd: {  	s1 =	simm.s32 $0x1;
	[sflag:s0] =	ssyncset.done $0x0  }
0x1be: {  	s19 =	simm.s32 $0x0;
	s23 =	simm.s32 $0xF;
	[sflag:s0] =	ssyncadd.s32 $0xFFFFE000  }
0x1bf: {  	s7 =	simm.s32 $0x6800;
	s20 =	simm.s32 $0x0;
	_ =	swait.ge [sflag:s1], $0x8000  }
0x1c0: {  	s22 =	sand.u32 $0x1000, s19;
	s0 =	sand.u32 $0x7F, s23;
	[sflag:s1] =	ssyncset.done $0x0  }
0x1c1: {  	s24 =	sand.u32 $0x70, s20;
	s0 =	sor.u32 s0, s22;
	[sflag:s1] =	ssyncadd.s32 $0xFFFF8000  }
0x1c2: {  	s2 =	simm.s32 $0x1;
	v17 =	vor.u32 s0, v14;
	s1 =	sor.u32 s24, s22;
	v16 =	vld [tilespmem:s7+$0x380]  }
0x1c3: {  	s26 =	sand.u32 $0x71, s2;
	v20 =	vor.u32 s1, v0;
	v21 =	vld [tilespmem:s7+$0xFFFFFC00]  }
0x1c4: {  	v19 =	vor.u32 s0, v15;
	s0 =	sor.u32 s26, s22;
	v18 =	vld [tilespmem:s7+$0x390]  }
0x1c5: {  	s28 =	simm.s32 $0x2;
	v24 =	vor.u32 s0, v2;
	v25 =	vld [tilespmem:s7+$0xFFFFFC80]  }
0x1c6: {  	s29 =	sand.u32 $0x72, s28;
	v22 =	vor.u32 s1, v1;
	v23 =	vld [tilespmem:s7+$0xFFFFFC10]  }
0x1c7: {  	s30 =	simm.s32 $0x3;
	s5 =	simm.s32 $0x4;
	v26 =	vor.u32 s0, v3;
	s1 =	sor.u32 s29, s22;
	v27 =	vld [tilespmem:s7+$0xFFFFFC90];
	[tilespmem:v17+s25+$0x0] =	vst.idx.msk $0xffff, v16  }
0x1c8: {  	s31 =	simm.s32 $0x5;
	s9 =	simm.s32 $0x6;
	s2 =	sand.u32 $0x73, s30;
	v16 =	vor.u32 s1, v4;
	v17 =	vld [tilespmem:s7+$0xFFFFFD00];
	[tilespmem:v20+s25+$0x0] =	vst.idx.msk $0xffff, v21  }
0x1c9: {  	s11 =	simm.s32 $0x7;
	s5 =	sand.u32 $0x74, s5;
	s2 =	sor.u32 s2, s22;
	[tilespmem:v19+s25+$0x0] =	vst.idx.msk $0xffff, v18;
	v18 =	vor.u32 s1, v5;
	v19 =	vld [tilespmem:s7+$0xFFFFFD10]  }
0x1ca: {  	s13 =	simm.s32 $0x8;
	s21 =	simm.s32 $0x9;
	s5 =	sor.u32 s5, s22;
	v20 =	vor.u32 s2, v6;
	v21 =	vld [tilespmem:s7+$0xFFFFFD80];
	[tilespmem:v24+s25+$0x0] =	vst.idx.msk $0xffff, v25  }
0x1cb: {  	s14 =	simm.s32 $0xA;
	s15 =	simm.s32 $0xB;
	s16 =	simm.s32 $0xC;
	v35 =	vld [tilespmem:s7+$0xFFFFFE00];
	v24 =	vor.u32 s5, v8;
	[tilespmem:v22+s25+$0x0] =	vst.idx.msk $0xffff, v23  }
0x1cc: {  	s17 =	simm.s32 $0xE;
	s9 =	sand.u32 $0x76, s9;
	s0 =	sand.u32 $0x75, s31;
	v22 =	vor.u32 s2, v7;
	v23 =	vld [tilespmem:s7+$0xFFFFFD90];
	[tilespmem:v26+s25+$0x0] =	vst.idx.msk $0xffff, v27  }
0x1cd: {  	s11 =	sand.u32 $0x77, s11;
	s9 =	sor.u32 s9, s22;
	v36 =	vor.u32 s5, v9;
	s0 =	sor.u32 s0, s22;
	[tilespmem:v16+s25+$0x0] =	vst.idx.msk $0xffff, v17;
	v16 =	vld [tilespmem:s7+$0xFFFFFE10]  }
0x1ce: {  	s28 =	sand.u32 $0x7A, s14;
	s11 =	sor.u32 s11, s22;
	v33 =	vor.u32 s9, v12;
	v32 =	vor.u32 s9, v13;
	s24 =	sand.u32 $0x78, s13;
	v17 =	vor.u32 s0, v10;
	[tilespmem:v18+s25+$0x0] =	vst.idx.msk $0xffff, v19;
	v18 =	vld [tilespmem:s7+$0xFFFFFE80]  }
0x1cf: {  	s30 =	sand.u32 $0x7C, s16;
	s23 =	simm.s32 $0xD;
	v31 =	vor.u32 s11, v14;
	v39 =	vld [tilespmem:s7+$0xFFFFFE90];
	v38 =	vor.u32 s0, v11;
	s5 =	sor.u32 s24, s22;
	[tilespmem:v20+s25+$0x0] =	vst.idx.msk $0xffff, v21  }
0x1d0: {  	v30 =	vor.u32 s11, v15;
	s26 =	sand.u32 $0x79, s21;
	v34 =	vld [tilespmem:s7+$0xFFFFFF00];
	s1 =	sor.u32 s28, s22;
	v29 =	vor.u32 s5, v0;
	v28 =	vor.u32 s5, v1;
	s5 =	sor.u32 s30, s22;
	[tilespmem:v24+s25+$0x0] =	vst.idx.msk $0xffff, v35  }
0x1d1: {  	s29 =	sand.u32 $0x7B, s15;
	s2 =	sand.u32 $0x7D, s23;
	v25 =	vor.u32 s1, v4;
	s0 =	sor.u32 s26, s22;
	v35 =	vld [tilespmem:s7+$0xFFFFFF10];
	v24 =	vor.u32 s1, v5;
	v21 =	vor.u32 s5, v8;
	[tilespmem:v22+s25+$0x0] =	vst.idx.msk $0xffff, v23  }
0x1d2: {  	s31 =	sand.u32 $0x7E, s17;
	s9 =	sor.u32 s29, s22;
	s2 =	sor.u32 s2, s22;
	v20 =	vor.u32 s5, v9;
	v27 =	vor.u32 s0, v2;
	v26 =	vor.u32 s0, v3;
	[tilespmem:v36+s25+$0x0] =	vst.idx.msk $0xffff, v16;
	v36 =	vld [tilespmem:s7+$0xFFFFFF80]  }
0x1d3: {  	v37 =	vld [tilespmem:s7+$0xFFFFFF90];
	v23 =	vor.u32 s9, v6;
	v22 =	vor.u32 s9, v7;
	s0 =	sor.u32 s31, s22;
	v19 =	vor.u32 s2, v10;
	[tilespmem:v17+s25+$0x0] =	vst.idx.msk $0xffff, v18  }
0x1d4: {  	v16 =	vor.u32 s0, v13;
	v18 =	vor.u32 s2, v11;
	v17 =	vor.u32 s0, v12;
	[tilespmem:v38+s25+$0x0] =	vst.idx.msk $0xffff, v39;
	v38 =	vld [tilespmem:s7+$0x0]  }
.LBB2_12:
0x1d5: {  	[tilespmem:v33+s25+$0x0] =	vst.idx.msk $0xffff, v34;
	v33 =	vld [tilespmem:s7+$0x10];
	s0 =	smov.u32 s20;
	s20 =	sadd.s32 $0x10, s20  }
0x1d6: {  	s1 =	sadd.s32 $0x11, s0;
	s2 =	sadd.s32 $0x12, s0;
	s5 =	sadd.s32 $0x13, s0;
	[tilespmem:v32+s25+$0x0] =	vst.idx.msk $0xffff, v35;
	v32 =	vld [tilespmem:s7+$0x80]  }
0x1d7: {  	s9 =	sadd.s32 $0x14, s0;
	s11 =	sadd.s32 $0x15, s0;
	s13 =	sadd.s32 $0x16, s0;
	[tilespmem:v31+s25+$0x0] =	vst.idx.msk $0xffff, v36;
	v31 =	vld [tilespmem:s7+$0x90]  }
0x1d8: {  	s14 =	sadd.s32 $0x17, s0;
	s15 =	sadd.s32 $0x18, s0;
	s16 =	sadd.s32 $0x19, s0;
	[tilespmem:v30+s25+$0x0] =	vst.idx.msk $0xffff, v37;
	v30 =	vld [tilespmem:s7+$0x100]  }
0x1d9: {  	s17 =	sadd.s32 $0x1A, s0;
	s21 =	sadd.s32 $0x1B, s0;
	s22 =	sadd.s32 $0x1C, s0;
	[tilespmem:v29+s25+$0x0] =	vst.idx.msk $0xffff, v38;
	v29 =	vld [tilespmem:s7+$0x110]  }
0x1da: {  	s23 =	sand.u32 $0x70, s20;
	s24 =	sadd.s32 $0x1D, s0;
	s26 =	sadd.s32 $0x1E, s0;
	[tilespmem:v28+s25+$0x0] =	vst.idx.msk $0xffff, v33;
	v28 =	vld [tilespmem:s7+$0x180]  }
0x1db: {  	s1 =	sand.u32 $0x71, s1;
	s2 =	sand.u32 $0x72, s2;
	s5 =	sand.u32 $0x73, s5;
	[tilespmem:v27+s25+$0x0] =	vst.idx.msk $0xffff, v32;
	v27 =	vld [tilespmem:s7+$0x190]  }
0x1dc: {  	s9 =	sand.u32 $0x74, s9;
	s11 =	sand.u32 $0x75, s11;
	s13 =	sand.u32 $0x76, s13;
	[tilespmem:v26+s25+$0x0] =	vst.idx.msk $0xffff, v31;
	v26 =	vld [tilespmem:s7+$0x200]  }
0x1dd: {  	s14 =	sand.u32 $0x77, s14;
	s15 =	sand.u32 $0x78, s15;
	s16 =	sand.u32 $0x79, s16;
	[tilespmem:v25+s25+$0x0] =	vst.idx.msk $0xffff, v30;
	v25 =	vld [tilespmem:s7+$0x210]  }
0x1de: {  	s17 =	sand.u32 $0x7A, s17;
	s21 =	sand.u32 $0x7B, s21;
	s22 =	sand.u32 $0x7C, s22;
	[tilespmem:v24+s25+$0x0] =	vst.idx.msk $0xffff, v29;
	v24 =	vld [tilespmem:s7+$0x280]  }
0x1df: {  	s19 =	sadd.s32 $0x200, s19;
	s0 =	sadd.s32 $0x1F, s0;
	s24 =	sand.u32 $0x7D, s24;
	[tilespmem:v23+s25+$0x0] =	vst.idx.msk $0xffff, v28;
	v23 =	vld [tilespmem:s7+$0x290]  }
0x1e0: {  	s28 =	sand.u32 $0x1000, s19;
	s26 =	sand.u32 $0x7E, s26;
	s0 =	sand.u32 $0x7F, s0;
	[tilespmem:v22+s25+$0x0] =	vst.idx.msk $0xffff, v27;
	v22 =	vld [tilespmem:s7+$0x300]  }
0x1e1: {  	s23 =	sor.u32 s23, s28;
	s0 =	sor.u32 s0, s28;
	[tilespmem:v21+s25+$0x0] =	vst.idx.msk $0xffff, v26;
	v21 =	vld [tilespmem:s7+$0x310];
	s7 =	sadd.s32 $0x800, s7  }
0x1e2: {  	v34 =	vor.u32 s23, v1;
	s1 =	sor.u32 s1, s28;
	s2 =	sor.u32 s2, s28;
	s5 =	sor.u32 s5, s28;
	v28 =	vor.u32 s0, v14;
	v26 =	vor.u32 s23, v0;
	v27 =	vld [tilespmem:s7+$0x380];
	[tilespmem:v20+s25+$0x0] =	vst.idx.msk $0xffff, v25  }
0x1e3: {  	v35 =	vor.u32 s1, v3;
	v36 =	vor.u32 s0, v15;
	v20 =	vor.u32 s1, v2;
	s1 =	sor.u32 s9, s28;
	s9 =	sor.u32 s11, s28;
	s11 =	sor.u32 s13, s28;
	v25 =	vld [tilespmem:s7+$0x390];
	[tilespmem:v19+s25+$0x0] =	vst.idx.msk $0xffff, v24  }
0x1e4: {  	v37 =	vor.u32 s2, v4;
	v38 =	vor.u32 s2, v5;
	v39 =	vor.u32 s5, v6;
	s2 =	sor.u32 s15, s28;
	s0 =	sor.u32 s14, s28;
	s13 =	sor.u32 s16, s28;
	v19 =	vld [tilespmem:s7+$0xFFFFFC00];
	[tilespmem:v18+s25+$0x0] =	vst.idx.msk $0xffff, v23  }
0x1e5: {  	v40 =	vor.u32 s5, v7;
	s5 =	sor.u32 s21, s28;
	s14 =	sor.u32 s22, s28;
	v41 =	vor.u32 s1, v8;
	v42 =	vor.u32 s1, v9;
	s1 =	sor.u32 s17, s28;
	v18 =	vld [tilespmem:s7+$0xFFFFFC10];
	[tilespmem:v17+s25+$0x0] =	vst.idx.msk $0xffff, v22  }
0x1e6: {  	p0 =	slt.u32 s20, $0xF0;
	s15 =	sor.u32 s26, s28;
	v43 =	vor.u32 s9, v10;
	v44 =	vor.u32 s9, v11;
	v33 =	vor.u32 s11, v12;
	s9 =	sor.u32 s24, s28;
	v17 =	vld [tilespmem:s7+$0xFFFFFC80];
	[tilespmem:v16+s25+$0x0] =	vst.idx.msk $0xffff, v21  }
0x1e7: {  	v31 =	vor.u32 s0, v14;
	v30 =	vor.u32 s0, v15;
	v32 =	vor.u32 s11, v13;
	v16 =	vld [tilespmem:s7+$0xFFFFFC90];
	[tilespmem:v28+s25+$0x0] =	vst.idx.msk $0xffff, v27  }
0x1e8: {  	v29 =	vor.u32 s2, v0;
	v28 =	vor.u32 s2, v1;
	v27 =	vor.u32 s13, v2;
	v45 =	vld [tilespmem:s7+$0xFFFFFD00];
	[tilespmem:v36+s25+$0x0] =	vst.idx.msk $0xffff, v25  }
0x1e9: {  	v24 =	vor.u32 s1, v5;
	v25 =	vor.u32 s1, v4;
	[tilespmem:v26+s25+$0x0] =	vst.idx.msk $0xffff, v19;
	v36 =	vld [tilespmem:s7+$0xFFFFFD10];
	v26 =	vor.u32 s13, v3  }
0x1ea: {  	v23 =	vor.u32 s5, v6;
	v22 =	vor.u32 s5, v7;
	v21 =	vor.u32 s14, v8;
	[tilespmem:v34+s25+$0x0] =	vst.idx.msk $0xffff, v18;
	v34 =	vld [tilespmem:s7+$0xFFFFFD80]  }
0x1eb: {  	v19 =	vor.u32 s9, v10;
	v18 =	vor.u32 s9, v11;
	[tilespmem:v20+s25+$0x0] =	vst.idx.msk $0xffff, v17;
	v46 =	vld [tilespmem:s7+$0xFFFFFD90];
	v20 =	vor.u32 s14, v9  }
0x1ec: {  	v17 =	vor.u32 s15, v12;
	[tilespmem:v35+s25+$0x0] =	vst.idx.msk $0xffff, v16;
	v35 =	vld [tilespmem:s7+$0xFFFFFE00];
	v16 =	vor.u32 s15, v13  }
0x1ed: {  	[tilespmem:v37+s25+$0x0] =	vst.idx.msk $0xffff, v45;
	v37 =	vld [tilespmem:s7+$0xFFFFFE10]  }
0x1ee: {  	[tilespmem:v38+s25+$0x0] =	vst.idx.msk $0xffff, v36;
	v38 =	vld [tilespmem:s7+$0xFFFFFE80]  }
0x1ef: {  	[tilespmem:v39+s25+$0x0] =	vst.idx.msk $0xffff, v34;
	v39 =	vld [tilespmem:s7+$0xFFFFFE90]  }
.Ltmp5:
0x1f0: {  	[tilespmem:v40+s25+$0x0] =	vst.idx.msk $0xffff, v46;
	v34 =	vld [tilespmem:s7+$0xFFFFFF00];
	(pc) =	sbr.rel @p0 .LBB2_12-.Ltmp5, $4  }
0x1f1: {  	[tilespmem:v41+s25+$0x0] =	vst.idx.msk $0xffff, v35;
	v35 =	vld [tilespmem:s7+$0xFFFFFF10]  }
0x1f2: {  	[tilespmem:v42+s25+$0x0] =	vst.idx.msk $0xffff, v37;
	v36 =	vld [tilespmem:s7+$0xFFFFFF80]  }
0x1f3: {  	[tilespmem:v43+s25+$0x0] =	vst.idx.msk $0xffff, v38;
	v37 =	vld [tilespmem:s7+$0xFFFFFF90]  }
0x1f4: {  	[tilespmem:v44+s25+$0x0] =	vst.idx.msk $0xffff, v39;
	v38 =	vld [tilespmem:s7+$0x0]  }
0x1f5: {  	_ =	sdelay $0x3  }
0x1f6: {  	[tilespmem:v33+s25+$0x0] =	vst.idx.msk $0xffff, v34;
	v59 =	vld [tilespmem:s7+$0x10]  }
0x1f7: {  	v60 =	vld [tilespmem:s7+$0x80];
	[tilespmem:v32+s25+$0x0] =	vst.idx.msk $0xffff, v35  }
0x1f8: {  	[tilespmem:v31+s25+$0x0] =	vst.idx.msk $0xffff, v36;
	v31 =	vld [tilespmem:s7+$0x90]  }
0x1f9: {  	[tilespmem:v30+s25+$0x0] =	vst.idx.msk $0xffff, v37;
	v30 =	vld [tilespmem:s7+$0x100]  }
0x1fa: {  	[tilespmem:v29+s25+$0x0] =	vst.idx.msk $0xffff, v38;
	v29 =	vld [tilespmem:s7+$0x110]  }
0x1fb: {  	[tilespmem:v28+s25+$0x0] =	vst.idx.msk $0xffff, v59;
	v28 =	vld [tilespmem:s7+$0x180]  }
0x1fc: {  	[tilespmem:v27+s25+$0x0] =	vst.idx.msk $0xffff, v60;
	v27 =	vld [tilespmem:s7+$0x190]  }
0x1fd: {  	[tilespmem:v26+s25+$0x0] =	vst.idx.msk $0xffff, v31;
	v26 =	vld [tilespmem:s7+$0x200]  }
0x1fe: {  	[tilespmem:v25+s25+$0x0] =	vst.idx.msk $0xffff, v30;
	v25 =	vld [tilespmem:s7+$0x210]  }
0x1ff: {  	[tilespmem:v24+s25+$0x0] =	vst.idx.msk $0xffff, v29;
	v24 =	vld [tilespmem:s7+$0x280]  }
0x200: {  	[tilespmem:v23+s25+$0x0] =	vst.idx.msk $0xffff, v28;
	v23 =	vld [tilespmem:s7+$0x290]  }
0x201: {  	[tilespmem:v22+s25+$0x0] =	vst.idx.msk $0xffff, v27;
	v22 =	vld [tilespmem:s7+$0x300]  }
0x202: {  	[tilespmem:v21+s25+$0x0] =	vst.idx.msk $0xffff, v26;
	v21 =	vld [tilespmem:s7+$0x310]  }
0x203: {  	[tilespmem:v20+s25+$0x0] =	vst.idx.msk $0xffff, v25  }
0x204: {  	[tilespmem:v19+s25+$0x0] =	vst.idx.msk $0xffff, v24  }
0x205: {  	[tilespmem:v18+s25+$0x0] =	vst.idx.msk $0xffff, v23  }
0x206: {  	[tilespmem:v17+s25+$0x0] =	vst.idx.msk $0xffff, v22  }
0x207: {  	[tilespmem:v16+s25+$0x0] =	vst.idx.msk $0xffff, v21  }
0x208: {  	s19 =	simm.s32 $0x0;
	s0 =	rddreg [dreg:$0xa]  }
0x209: {  	[hbm4b:s0+s19] =	stream.linear.scatter [tilespmem:s25], [sflag:$0x2], $0x400, $0x38;
	[tilespmem:$0x1A400] =	vst v63  }
0x20a: {  	s1 =	simm.s32 $0x16800;
	s29 =	rddreg [dreg:$0xb]  }
0x20b: {  	[hbm4b:s29+s19] =	stream.linear.scatter [tilespmem:s1], [sflag:$0x2], $0x400, $0x38;
	[tilespmem:$0x1A400] =	vst v63  }
0x20c: {  	s31 =	simm.s32 $0x16C00;
	s30 =	rddreg [dreg:$0xc]  }
0x20d: {  	[hbm4b:s30+s19] =	stream.linear.scatter [tilespmem:s31], [sflag:$0x2], $0x400, $0x38;
	[tilespmem:$0x1A400] =	vst v63  }
0x20e: {  	s2 =	simm.s32 $0x17000;
	s1 =	rddreg [dreg:$0xd]  }
0x20f: {  	[hbm4b:s1+s19] =	stream.linear.scatter [tilespmem:s2], [sflag:$0x2], $0x400, $0x38;
	[tilespmem:$0x1A400] =	vst v63  }
0x210: {  	s7 =	simm.s32 $0x17400;
	s5 =	rddreg [dreg:$0xe]  }
0x211: {  	[hbm4b:s5+s19] =	stream.linear.scatter [tilespmem:s7], [sflag:$0x2], $0x400, $0x38;
	[tilespmem:$0x1A400] =	vst v63  }
0x212: {  	s11 =	simm.s32 $0x17800;
	s9 =	rddreg [dreg:$0xf]  }
0x213: {  	[hbm4b:s9+s19] =	stream.linear.scatter [tilespmem:s11], [sflag:$0x2], $0x400, $0x38;
	[tilespmem:$0x1A400] =	vst v63  }
0x214: {  	s14 =	simm.s32 $0x17C00;
	s13 =	rddreg [dreg:$0x10]  }
0x215: {  	[hbm4b:s13+s19] =	stream.linear.scatter [tilespmem:s14], [sflag:$0x2], $0x400, $0x38;
	[tilespmem:$0x1A400] =	vst v63  }
0x216: {  	s16 =	simm.s32 $0x18000;
	s17 =	simm.s32 $0x2;
	s15 =	rddreg [dreg:$0x11]  }
0x217: {  	[hbm4b:s15+s19] =	stream.linear.scatter [tilespmem:s16], [sflag:$0x2], $0x400, $0x38;
	[tilespmem:$0x1A400] =	vst v63  }
0x218: {  	_ =	swait.ge [sflag:s17], $0x2000  }
0x219: {  	[sflag:s17] =	ssyncset.done $0x0  }
0x21a: {  	s20 =	simm.s32 $0x1;
	[sflag:s17] =	ssyncadd.s32 $0xFFFFE000  }
0x21b: {  	_ =	swait.ge [sflag:s20], $0x8000  }
0x21c: {  	[sflag:s20] =	ssyncset.done $0x0  }
0x21d: {  	s21 =	simm.s32 $0xF;
	s7 =	simm.s32 $0xE800;
	[sflag:s20] =	ssyncadd.s32 $0xFFFF8000  }
0x21e: {  	s22 =	sand.u32 $0x1000, s19;
	s0 =	sand.u32 $0x7F, s21;
	s2 =	simm.s32 $0x1;
	v16 =	vld [tilespmem:s7+$0x380]  }
0x21f: {  	s0 =	sor.u32 s0, s22;
	s24 =	sand.u32 $0x71, s2;
	v18 =	vld [tilespmem:s7+$0x390]  }
0x220: {  	v17 =	vor.u32 s0, v14;
	v19 =	vor.u32 s0, v15;
	s0 =	sor.u32 s24, s22;
	v21 =	vld [tilespmem:s7+$0xFFFFFC00]  }
0x221: {  	v24 =	vor.u32 s0, v2;
	s20 =	simm.s32 $0x0;
	v25 =	vld [tilespmem:s7+$0xFFFFFC80]  }
0x222: {  	s23 =	sand.u32 $0x70, s20;
	v23 =	vld [tilespmem:s7+$0xFFFFFC10]  }
0x223: {  	s26 =	simm.s32 $0x2;
	v26 =	vor.u32 s0, v3;
	v27 =	vld [tilespmem:s7+$0xFFFFFC90];
	s1 =	sor.u32 s23, s22  }
0x224: {  	s28 =	sand.u32 $0x72, s26;
	s21 =	simm.s32 $0xD;
	v61 =	vld [tilespmem:s7+$0xFFFFFE00];
	v20 =	vor.u32 s1, v0  }
0x225: {  	s29 =	simm.s32 $0x3;
	s5 =	simm.s32 $0x4;
	v39 =	vld [tilespmem:s7+$0xFFFFFE90];
	v22 =	vor.u32 s1, v1;
	s1 =	sor.u32 s28, s22;
	[tilespmem:v17+s6+$0x0] =	vst.idx.msk $0xffff, v16  }
0x226: {  	s30 =	simm.s32 $0x5;
	s2 =	sand.u32 $0x73, s29;
	s5 =	sand.u32 $0x74, s5;
	v16 =	vor.u32 s1, v4;
	v17 =	vld [tilespmem:s7+$0xFFFFFD00];
	[tilespmem:v24+s6+$0x0] =	vst.idx.msk $0xffff, v25  }
0x227: {  	s31 =	simm.s32 $0x9;
	s2 =	sor.u32 s2, s22;
	s5 =	sor.u32 s5, s22;
	[tilespmem:v19+s6+$0x0] =	vst.idx.msk $0xffff, v18;
	v18 =	vor.u32 s1, v5;
	v19 =	vld [tilespmem:s7+$0xFFFFFD10]  }
0x228: {  	s0 =	sand.u32 $0x75, s30;
	s9 =	simm.s32 $0x6;
	s11 =	simm.s32 $0x7;
	v34 =	vld [tilespmem:s7+$0xFFFFFF00];
	v24 =	vor.u32 s5, v8;
	[tilespmem:v26+s6+$0x0] =	vst.idx.msk $0xffff, v27  }
0x229: {  	s0 =	sor.u32 s0, s22;
	s24 =	sand.u32 $0x77, s11;
	s13 =	simm.s32 $0x8;
	[tilespmem:v20+s6+$0x0] =	vst.idx.msk $0xffff, v21;
	v20 =	vor.u32 s2, v6;
	v21 =	vld [tilespmem:s7+$0xFFFFFD80]  }
0x22a: {  	s14 =	simm.s32 $0xA;
	s26 =	sand.u32 $0x78, s13;
	s15 =	simm.s32 $0xB;
	[tilespmem:v22+s6+$0x0] =	vst.idx.msk $0xffff, v23;
	v22 =	vor.u32 s2, v7;
	v23 =	vld [tilespmem:s7+$0xFFFFFD90]  }
0x22b: {  	v62 =	vor.u32 s5, v9;
	s16 =	simm.s32 $0xC;
	s23 =	sand.u32 $0x76, s9;
	s9 =	sor.u32 s24, s22;
	[tilespmem:v16+s6+$0x0] =	vst.idx.msk $0xffff, v17;
	v16 =	vld [tilespmem:s7+$0xFFFFFE10]  }
0x22c: {  	v63 =	vor.u32 s0, v11;
	s28 =	sand.u32 $0x7A, s14;
	s5 =	sor.u32 s23, s22;
	s1 =	sand.u32 $0x79, s31;
	v17 =	vor.u32 s0, v10;
	[tilespmem:v18+s6+$0x0] =	vst.idx.msk $0xffff, v19;
	v18 =	vld [tilespmem:s7+$0xFFFFFE80]  }
0x22d: {  	s29 =	sand.u32 $0x7B, s15;
	v35 =	vld [tilespmem:s7+$0xFFFFFF10];
	v31 =	vor.u32 s9, v14;
	v33 =	vor.u32 s5, v12;
	v32 =	vor.u32 s5, v13;
	s5 =	sor.u32 s28, s22;
	s1 =	sor.u32 s1, s22;
	[tilespmem:v24+s6+$0x0] =	vst.idx.msk $0xffff, v61  }
0x22e: {  	s30 =	sand.u32 $0x7C, s16;
	v30 =	vor.u32 s9, v15;
	v25 =	vor.u32 s5, v4;
	v27 =	vor.u32 s1, v2;
	s2 =	sand.u32 $0x7D, s21;
	s0 =	sor.u32 s26, s22;
	[tilespmem:v20+s6+$0x0] =	vst.idx.msk $0xffff, v21  }
0x22f: {  	s17 =	simm.s32 $0xE;
	v36 =	vld [tilespmem:s7+$0xFFFFFF80];
	v26 =	vor.u32 s1, v3;
	s2 =	sor.u32 s2, s22;
	v29 =	vor.u32 s0, v0;
	v28 =	vor.u32 s0, v1;
	s0 =	sor.u32 s29, s22;
	[tilespmem:v22+s6+$0x0] =	vst.idx.msk $0xffff, v23  }
0x230: {  	s31 =	sand.u32 $0x7E, s17;
	s1 =	sor.u32 s30, s22;
	v24 =	vor.u32 s5, v5;
	v19 =	vor.u32 s2, v10;
	v21 =	vor.u32 s0, v7;
	[tilespmem:v62+s6+$0x0] =	vst.idx.msk $0xffff, v16  }
0x231: {  	v37 =	vld [tilespmem:s7+$0xFFFFFF90];
	v20 =	vor.u32 s1, v9;
	v23 =	vor.u32 s0, v6;
	s0 =	sor.u32 s31, s22;
	v22 =	vor.u32 s1, v8;
	[tilespmem:v17+s6+$0x0] =	vst.idx.msk $0xffff, v18  }
0x232: {  	v38 =	vld [tilespmem:s7+$0x0];
	v16 =	vor.u32 s0, v13;
	v18 =	vor.u32 s2, v11;
	v17 =	vor.u32 s0, v12;
	[tilespmem:v63+s6+$0x0] =	vst.idx.msk $0xffff, v39  }
.LBB2_14:
0x233: {  	[tilespmem:v33+s6+$0x0] =	vst.idx.msk $0xffff, v34;
	v33 =	vld [tilespmem:s7+$0x10];
	s0 =	smov.u32 s20;
	s20 =	sadd.s32 $0x10, s20  }
0x234: {  	s1 =	sadd.s32 $0x11, s0;
	s2 =	sadd.s32 $0x12, s0;
	s5 =	sadd.s32 $0x13, s0;
	[tilespmem:v32+s6+$0x0] =	vst.idx.msk $0xffff, v35;
	v32 =	vld [tilespmem:s7+$0x80]  }
0x235: {  	s9 =	sadd.s32 $0x14, s0;
	s11 =	sadd.s32 $0x15, s0;
	s13 =	sadd.s32 $0x16, s0;
	[tilespmem:v31+s6+$0x0] =	vst.idx.msk $0xffff, v36;
	v31 =	vld [tilespmem:s7+$0x90]  }
0x236: {  	s14 =	sadd.s32 $0x17, s0;
	s15 =	sadd.s32 $0x18, s0;
	s16 =	sadd.s32 $0x19, s0;
	[tilespmem:v30+s6+$0x0] =	vst.idx.msk $0xffff, v37;
	v30 =	vld [tilespmem:s7+$0x100]  }
0x237: {  	s17 =	sadd.s32 $0x1A, s0;
	s21 =	sadd.s32 $0x1B, s0;
	s22 =	sadd.s32 $0x1C, s0;
	[tilespmem:v29+s6+$0x0] =	vst.idx.msk $0xffff, v38;
	v29 =	vld [tilespmem:s7+$0x110]  }
0x238: {  	s23 =	sand.u32 $0x70, s20;
	s24 =	sadd.s32 $0x1D, s0;
	s26 =	sadd.s32 $0x1E, s0;
	[tilespmem:v28+s6+$0x0] =	vst.idx.msk $0xffff, v33;
	v28 =	vld [tilespmem:s7+$0x180]  }
0x239: {  	s1 =	sand.u32 $0x71, s1;
	s2 =	sand.u32 $0x72, s2;
	s5 =	sand.u32 $0x73, s5;
	[tilespmem:v27+s6+$0x0] =	vst.idx.msk $0xffff, v32;
	v27 =	vld [tilespmem:s7+$0x190]  }
0x23a: {  	s9 =	sand.u32 $0x74, s9;
	s11 =	sand.u32 $0x75, s11;
	s13 =	sand.u32 $0x76, s13;
	[tilespmem:v26+s6+$0x0] =	vst.idx.msk $0xffff, v31;
	v26 =	vld [tilespmem:s7+$0x200]  }
0x23b: {  	s14 =	sand.u32 $0x77, s14;
	s15 =	sand.u32 $0x78, s15;
	s16 =	sand.u32 $0x79, s16;
	[tilespmem:v25+s6+$0x0] =	vst.idx.msk $0xffff, v30;
	v25 =	vld [tilespmem:s7+$0x210]  }
0x23c: {  	s17 =	sand.u32 $0x7A, s17;
	s21 =	sand.u32 $0x7B, s21;
	s22 =	sand.u32 $0x7C, s22;
	[tilespmem:v24+s6+$0x0] =	vst.idx.msk $0xffff, v29;
	v24 =	vld [tilespmem:s7+$0x280]  }
0x23d: {  	s19 =	sadd.s32 $0x200, s19;
	s0 =	sadd.s32 $0x1F, s0;
	s24 =	sand.u32 $0x7D, s24;
	[tilespmem:v23+s6+$0x0] =	vst.idx.msk $0xffff, v28;
	v23 =	vld [tilespmem:s7+$0x290]  }
0x23e: {  	s28 =	sand.u32 $0x1000, s19;
	s26 =	sand.u32 $0x7E, s26;
	s0 =	sand.u32 $0x7F, s0;
	[tilespmem:v21+s6+$0x0] =	vst.idx.msk $0xffff, v27;
	v21 =	vld [tilespmem:s7+$0x300]  }
0x23f: {  	s23 =	sor.u32 s23, s28;
	s0 =	sor.u32 s0, s28;
	[tilespmem:v22+s6+$0x0] =	vst.idx.msk $0xffff, v26;
	v22 =	vld [tilespmem:s7+$0x310];
	s7 =	sadd.s32 $0x800, s7  }
0x240: {  	v34 =	vor.u32 s23, v1;
	s1 =	sor.u32 s1, s28;
	s2 =	sor.u32 s2, s28;
	s5 =	sor.u32 s5, s28;
	v28 =	vor.u32 s0, v14;
	v26 =	vor.u32 s23, v0;
	v27 =	vld [tilespmem:s7+$0x380];
	[tilespmem:v20+s6+$0x0] =	vst.idx.msk $0xffff, v25  }
0x241: {  	v35 =	vor.u32 s1, v3;
	v36 =	vor.u32 s0, v15;
	v20 =	vor.u32 s1, v2;
	s1 =	sor.u32 s9, s28;
	s9 =	sor.u32 s11, s28;
	s11 =	sor.u32 s13, s28;
	v25 =	vld [tilespmem:s7+$0x390];
	[tilespmem:v19+s6+$0x0] =	vst.idx.msk $0xffff, v24  }
0x242: {  	v37 =	vor.u32 s2, v4;
	v38 =	vor.u32 s2, v5;
	v39 =	vor.u32 s5, v6;
	s2 =	sor.u32 s15, s28;
	s0 =	sor.u32 s14, s28;
	s13 =	sor.u32 s16, s28;
	v19 =	vld [tilespmem:s7+$0xFFFFFC00];
	[tilespmem:v18+s6+$0x0] =	vst.idx.msk $0xffff, v23  }
0x243: {  	v40 =	vor.u32 s5, v7;
	s5 =	sor.u32 s21, s28;
	s14 =	sor.u32 s22, s28;
	v41 =	vor.u32 s1, v8;
	v42 =	vor.u32 s1, v9;
	s1 =	sor.u32 s17, s28;
	v18 =	vld [tilespmem:s7+$0xFFFFFC10];
	[tilespmem:v17+s6+$0x0] =	vst.idx.msk $0xffff, v21  }
0x244: {  	p0 =	slt.u32 s20, $0xF0;
	s15 =	sor.u32 s26, s28;
	v43 =	vor.u32 s9, v10;
	v44 =	vor.u32 s9, v11;
	v33 =	vor.u32 s11, v12;
	s9 =	sor.u32 s24, s28;
	v17 =	vld [tilespmem:s7+$0xFFFFFC80];
	[tilespmem:v16+s6+$0x0] =	vst.idx.msk $0xffff, v22  }
0x245: {  	v31 =	vor.u32 s0, v14;
	v30 =	vor.u32 s0, v15;
	v32 =	vor.u32 s11, v13;
	v16 =	vld [tilespmem:s7+$0xFFFFFC90];
	[tilespmem:v28+s6+$0x0] =	vst.idx.msk $0xffff, v27  }
0x246: {  	v29 =	vor.u32 s2, v0;
	v28 =	vor.u32 s2, v1;
	v27 =	vor.u32 s13, v2;
	v45 =	vld [tilespmem:s7+$0xFFFFFD00];
	[tilespmem:v36+s6+$0x0] =	vst.idx.msk $0xffff, v25  }
0x247: {  	v24 =	vor.u32 s1, v5;
	v25 =	vor.u32 s1, v4;
	[tilespmem:v26+s6+$0x0] =	vst.idx.msk $0xffff, v19;
	v36 =	vld [tilespmem:s7+$0xFFFFFD10];
	v26 =	vor.u32 s13, v3  }
0x248: {  	v23 =	vor.u32 s5, v6;
	v21 =	vor.u32 s5, v7;
	v22 =	vor.u32 s14, v8;
	[tilespmem:v34+s6+$0x0] =	vst.idx.msk $0xffff, v18;
	v34 =	vld [tilespmem:s7+$0xFFFFFD80]  }
0x249: {  	v19 =	vor.u32 s9, v10;
	v18 =	vor.u32 s9, v11;
	[tilespmem:v20+s6+$0x0] =	vst.idx.msk $0xffff, v17;
	v46 =	vld [tilespmem:s7+$0xFFFFFD90];
	v20 =	vor.u32 s14, v9  }
0x24a: {  	v17 =	vor.u32 s15, v12;
	[tilespmem:v35+s6+$0x0] =	vst.idx.msk $0xffff, v16;
	v35 =	vld [tilespmem:s7+$0xFFFFFE00];
	v16 =	vor.u32 s15, v13  }
0x24b: {  	[tilespmem:v37+s6+$0x0] =	vst.idx.msk $0xffff, v45;
	v37 =	vld [tilespmem:s7+$0xFFFFFE10]  }
0x24c: {  	[tilespmem:v38+s6+$0x0] =	vst.idx.msk $0xffff, v36;
	v38 =	vld [tilespmem:s7+$0xFFFFFE80]  }
0x24d: {  	[tilespmem:v39+s6+$0x0] =	vst.idx.msk $0xffff, v34;
	v39 =	vld [tilespmem:s7+$0xFFFFFE90]  }
.Ltmp6:
0x24e: {  	[tilespmem:v40+s6+$0x0] =	vst.idx.msk $0xffff, v46;
	v34 =	vld [tilespmem:s7+$0xFFFFFF00];
	(pc) =	sbr.rel @p0 .LBB2_14-.Ltmp6, $4  }
0x24f: {  	[tilespmem:v41+s6+$0x0] =	vst.idx.msk $0xffff, v35;
	v35 =	vld [tilespmem:s7+$0xFFFFFF10]  }
0x250: {  	[tilespmem:v42+s6+$0x0] =	vst.idx.msk $0xffff, v37;
	v36 =	vld [tilespmem:s7+$0xFFFFFF80]  }
0x251: {  	[tilespmem:v43+s6+$0x0] =	vst.idx.msk $0xffff, v38;
	v37 =	vld [tilespmem:s7+$0xFFFFFF90]  }
0x252: {  	[tilespmem:v44+s6+$0x0] =	vst.idx.msk $0xffff, v39;
	v38 =	vld [tilespmem:s7+$0x0]  }
0x253: {  	_ =	sdelay $0x2  }
0x254: {  	v51 =	vld [tilespmem:s7+$0x10]  }
0x255: {  	[tilespmem:v33+s6+$0x0] =	vst.idx.msk $0xffff, v34;
	v52 =	vld [tilespmem:s7+$0x80]  }
0x256: {  	v53 =	vld [tilespmem:s7+$0x90];
	[tilespmem:v32+s6+$0x0] =	vst.idx.msk $0xffff, v35  }
0x257: {  	v54 =	vld [tilespmem:s7+$0x100];
	[tilespmem:v31+s6+$0x0] =	vst.idx.msk $0xffff, v36  }
0x258: {  	v56 =	vld [tilespmem:s7+$0x180];
	[tilespmem:v30+s6+$0x0] =	vst.idx.msk $0xffff, v37  }
0x259: {  	v58 =	vld [tilespmem:s7+$0x200];
	[tilespmem:v29+s6+$0x0] =	vst.idx.msk $0xffff, v38  }
0x25a: {  	v60 =	vld [tilespmem:s7+$0x280];
	[tilespmem:v28+s6+$0x0] =	vst.idx.msk $0xffff, v51  }
0x25b: {  	v62 =	vld [tilespmem:s7+$0x300];
	[tilespmem:v27+s6+$0x0] =	vst.idx.msk $0xffff, v52  }
0x25c: {  	v55 =	vld [tilespmem:s7+$0x110];
	[tilespmem:v25+s6+$0x0] =	vst.idx.msk $0xffff, v54  }
0x25d: {  	v57 =	vld [tilespmem:s7+$0x190];
	[tilespmem:v23+s6+$0x0] =	vst.idx.msk $0xffff, v56  }
0x25e: {  	v59 =	vld [tilespmem:s7+$0x210];
	[tilespmem:v22+s6+$0x0] =	vst.idx.msk $0xffff, v58  }
0x25f: {  	v61 =	vld [tilespmem:s7+$0x290];
	[tilespmem:v19+s6+$0x0] =	vst.idx.msk $0xffff, v60  }
0x260: {  	v63 =	vld [tilespmem:s7+$0x310];
	[tilespmem:v17+s6+$0x0] =	vst.idx.msk $0xffff, v62  }
0x261: {  	[tilespmem:v26+s6+$0x0] =	vst.idx.msk $0xffff, v53  }
0x262: {  	[tilespmem:v24+s6+$0x0] =	vst.idx.msk $0xffff, v55  }
0x263: {  	[tilespmem:v21+s6+$0x0] =	vst.idx.msk $0xffff, v57  }
0x264: {  	[tilespmem:v20+s6+$0x0] =	vst.idx.msk $0xffff, v59  }
0x265: {  	[tilespmem:v18+s6+$0x0] =	vst.idx.msk $0xffff, v61  }
0x266: {  	[tilespmem:v16+s6+$0x0] =	vst.idx.msk $0xffff, v63  }
0x267: {  	s0 =	rddreg [dreg:$0x12]  }
0x268: {  	[hbm4b:s0+s3] =	stream.linear.scatter [tilespmem:s6], [sflag:$0x2], $0x400, $0x38;
	[tilespmem:$0x1A400] =	vst v63  }
0x269: {  	s1 =	simm.s32 $0x18800;
	s14 =	rddreg [dreg:$0x13]  }
0x26a: {  	[hbm4b:s14+s3] =	stream.linear.scatter [tilespmem:s1], [sflag:$0x2], $0x400, $0x38;
	[tilespmem:$0x1A400] =	vst v63  }
0x26b: {  	s16 =	simm.s32 $0x18C00;
	s15 =	rddreg [dreg:$0x14]  }
0x26c: {  	[hbm4b:s15+s3] =	stream.linear.scatter [tilespmem:s16], [sflag:$0x2], $0x400, $0x38;
	[tilespmem:$0x1A400] =	vst v63  }
0x26d: {  	s19 =	simm.s32 $0x19000;
	s17 =	rddreg [dreg:$0x15]  }
0x26e: {  	[hbm4b:s17+s3] =	stream.linear.scatter [tilespmem:s19], [sflag:$0x2], $0x400, $0x38;
	[tilespmem:$0x1A400] =	vst v63  }
0x26f: {  	s21 =	simm.s32 $0x19400;
	s20 =	rddreg [dreg:$0x16]  }
0x270: {  	[hbm4b:s20+s3] =	stream.linear.scatter [tilespmem:s21], [sflag:$0x2], $0x400, $0x38;
	[tilespmem:$0x1A400] =	vst v63  }
0x271: {  	s23 =	simm.s32 $0x19800;
	s22 =	rddreg [dreg:$0x17]  }
0x272: {  	[hbm4b:s22+s3] =	stream.linear.scatter [tilespmem:s23], [sflag:$0x2], $0x400, $0x38;
	[tilespmem:$0x1A400] =	vst v63  }
0x273: {  	s26 =	simm.s32 $0x19C00;
	s24 =	rddreg [dreg:$0x18]  }
0x274: {  	[hbm4b:s24+s3] =	stream.linear.scatter [tilespmem:s26], [sflag:$0x2], $0x400, $0x38;
	[tilespmem:$0x1A400] =	vst v63  }
0x275: {  	s29 =	simm.s32 $0x1A000;
	s30 =	simm.s32 $0x2;
	s28 =	rddreg [dreg:$0x19]  }
0x276: {  	[hbm4b:s28+s3] =	stream.linear.scatter [tilespmem:s29], [sflag:$0x2], $0x400, $0x38;
	[tilespmem:$0x1A400] =	vst v63  }
0x277: {  	_ =	swait.ge [sflag:s30], $0x2000  }
0x278: {  	[sflag:s30] =	ssyncset.done $0x0  }
0x279: {  	[sflag:s30] =	ssyncadd.s32 $0xFFFFE000  }
0x27a: {  	_ =	swait.ge [sflag:s30], $0x2000  }
0x27b: {  	s2 =	sld [smem:$0x7F6];
	_ =	sdelay $0x2  }
0x27c: {  	s31 =	rddreg [dreg:$0x1a];
	s2 =	sadd.s32 $0x1, s2  }
0x27d: {  	p0 =	sne.s32 s2, s31  }
.Ltmp7:
0x27e: {  	_ = 	snop;
	(pc) =	sbr.rel @p0 .LBB2_1-.Ltmp7, $3  }
0x27f: {  	_ =	sdelay $0x1  }
0x280: {  	[sflag:s30] =	ssyncset.done $0x0  }
0x281: {  	s5 =	simm.s32 $0x100;
	s24 =	smov.u32 s18;
	[sflag:s30] =	ssyncadd.s32 $0xFFFFE000  }
0x282: {  	_ =	sfence.sel $0x180000  }
0x283: {  	[bflag:$0x0] =	sbarrier.arrive $0xFFFF  }
0x284: {  	_ =	strace $0x90000047  }
0x285: {  	s0 =	stileid.u32;
	[bflag:$0x2] =	sbarrier.arrive $0xFFFF  }
0x286: {  	p0 =	sne.s32 s0, $0x0;
	s0 =	rddreg [dreg:$0x3]  }
0x287: {  	s0 =	sadd.s32 @!p0 $0x100000, s0  }
0x288: {  	[sflag:s0] =	ssyncadd.tile.s32 @!p0 $0x1;
	_ =	shalt  }
.Lfunc_end2:
_tile_overlayer_lowered:
.L_overlay_start_2:
0x289: {  	(tag) =	ssettag $0x2  }
0x28a: {  	s0 =	rddreg [dreg:$0x0];
	s2 =	stileid.u32  }
0x28b: {  	s1 =	rddreg [dreg:$0x1];
	p0 =	sne.s32 s2, $0x0  }
0x28c: {  	s3 =	rddreg [dreg:$0x2];
	[bflag:$0x3] =	sbarrier.arrive $0xFFFF;
	s2 =	simm.s32 @!p0 $0x1C03  }
0x28d: {  	[timem:s3], [sflag:s2] =	dma.local @!p0 [hbm:s0], s1  }
0x28e: {  	s0 =	simm.s32 @!p0 $0x3  }
0x28f: {  	_ =	swait.ge @!p0 [sflag:s0], s1  }
0x290: {  	s1 =	ssub.s32 @!p0 $0x0, s1;
	[sflag:s0] =	ssyncset.done @!p0 $0x0  }
0x291: {  	[sflag:s0] =	ssyncadd.s32 @!p0 s1  }
0x292: {  	[bflag:$0x3] =	sbarrier.arrive $0xFFFF  }
0x293: {  	_ =	shalt  }

</sc_bundles>
